<compile_context>
chip_gen: v7x
topology: tpu7x:2x2x1
jax: 0.10.2.dev20260603
libtpu: 0.0.44.dev20260713+nightly
codegen_flags: <defaults>
</compile_context>

<pallas_src>
import functools

import jax
import jax.numpy as jnp
from jax import lax
from jax.experimental import pallas as pl
from jax.experimental.pallas import tpu as pltpu
from jax.experimental.pallas import tpu_sc as plsc

N_NODES = 10000
N_EDGES = 320000
D = 128
D_EDGE = 16

NC = 2
NS = 16
NW = NC * NS
EDGES_PER_TILE = N_EDGES // NW
CHUNK = 40
SUPER = 25
NSTEPS = EDGES_PER_TILE // CHUNK
NSUPER = NSTEPS // SUPER
WB_TILES = 10
WB_ROWS = N_NODES // WB_TILES


def _proj_body(x_ref, w_ref, ps_ref, pd_ref):
    xa = x_ref[...]
    ps_ref[...] = jnp.dot(xa, w_ref[0:D, :], preferred_element_type=jnp.float32)
    pd_ref[...] = jnp.dot(xa, w_ref[D:2 * D, :], preferred_element_type=jnp.float32)


def _node_proj(x, w1ab):
    return pl.pallas_call(
        _proj_body,
        grid=(10,),
        in_specs=[
            pl.BlockSpec((1000, D), lambda i: (i, 0)),
            pl.BlockSpec((2 * D, D), lambda i: (0, 0)),
        ],
        out_specs=[
            pl.BlockSpec((1000, D), lambda i: (i, 0)),
            pl.BlockSpec((1000, D), lambda i: (i, 0)),
        ],
        out_shape=[
            jax.ShapeDtypeStruct((N_NODES, D), jnp.float32),
            jax.ShapeDtypeStruct((N_NODES, D), jnp.float32),
        ],
    )(x, w1ab)


def _edge_proj_body(eat_ref, w_ref, b_ref, e_ref):
    e_ref[...] = (
        lax.dot_general(eat_ref[...], w_ref[...],
                        (((0,), (0,)), ((), ())),
                        preferred_element_type=jnp.float32)
        + b_ref[...]
    )


def _edge_proj(edge_attr_t, w1c, b1):
    return pl.pallas_call(
        _edge_proj_body,
        grid=(50,),
        in_specs=[
            pl.BlockSpec((D_EDGE, 6400), lambda i: (0, i)),
            pl.BlockSpec((D_EDGE, D), lambda i: (0, 0)),
            pl.BlockSpec((1, D), lambda i: (0, 0)),
        ],
        out_specs=pl.BlockSpec((6400, D), lambda i: (i, 0)),
        out_shape=jax.ShapeDtypeStruct((N_EDGES, D), jnp.float32),
    )(edge_attr_t, w1c, b1.reshape(1, D))


def _edge_agg_body(ps_hbm, pd_hbm, e_hbm, src_hbm, dst_hbm, out_hbm,
                   sidx_v, didx_v, ps0, pd0, e0, ps1, pd1, e1, agg_sh,
                   sg0, sg1, ss0, ss1):
    c = lax.axis_index("c")
    s = lax.axis_index("s")
    t = c * NS + s
    base_t = t * EDGES_PER_TILE

    @pl.when(s < WB_TILES)
    def _zero():
        def _zrow(r, _):
            for j in range(D // 16):
                e0[r, pl.ds(j * 16, 16)] = jnp.zeros((16,), jnp.float32)
            return 0
        lax.fori_loop(0, CHUNK, _zrow, 0)
        for k in range(WB_ROWS // CHUNK):
            pltpu.sync_copy(e0, agg_sh.at[pl.ds(s * WB_ROWS + k * CHUNK, CHUNK)])
    plsc.subcore_barrier()

    def issue_gathers(i, psb, pdb, eb, sem):
        slot = lax.rem(i // SUPER, 2)
        row = lax.rem(i, SUPER)
        pltpu.async_copy(ps_hbm.at[sidx_v.at[slot, row]], psb, sem)
        pltpu.async_copy(pd_hbm.at[didx_v.at[slot, row]], pdb, sem)
        pltpu.async_copy(e_hbm.at[pl.ds(base_t + i * CHUNK, CHUNK)], eb, sem)

    def wait_gathers(psb, pdb, eb, sem):
        pltpu.make_async_copy(ps_hbm.at[pl.ds(0, CHUNK)], psb, sem).wait()
        pltpu.make_async_copy(pd_hbm.at[pl.ds(0, CHUNK)], pdb, sem).wait()
        pltpu.make_async_copy(e_hbm.at[pl.ds(0, CHUNK)], eb, sem).wait()

    def wait_scat(psb, sem):
        pltpu.make_async_copy(e_hbm.at[pl.ds(0, CHUNK)], psb, sem).wait()

    pltpu.sync_copy(src_hbm.at[t, 0], sidx_v.at[0])
    pltpu.sync_copy(dst_hbm.at[t, 0], didx_v.at[0])
    issue_gathers(0, ps0, pd0, e0, sg0)

    ZERO = jnp.zeros((16,), jnp.float32)

    def step(i, psb, pdb, eb, sgp, ssp, psq, pdq, eq, sgq, ssq):
        @pl.when(i >= 1)
        def _wscat():
            wait_scat(psq, ssq)

        @pl.when(i + 1 < NSTEPS)
        def _prefetch():
            k1 = (i + 1) // SUPER
            @pl.when(lax.rem(i + 1, SUPER) == 0)
            def _superchunk():
                slot1 = lax.rem(k1, 2)
                pltpu.sync_copy(src_hbm.at[t, k1], sidx_v.at[slot1])
                pltpu.sync_copy(dst_hbm.at[t, k1], didx_v.at[slot1])
            issue_gathers(i + 1, psq, pdq, eq, sgq)

        wait_gathers(psb, pdb, eb, sgp)

        def _row(r2, _):
            for sub in range(2):
                r = 2 * r2 + sub
                for j in range(D // 16):
                    sl = pl.ds(j * 16, 16)
                    v = psb[r, sl] + pdb[r, sl] + eb[r, sl]
                    psb[r, sl] = jnp.maximum(v, ZERO)
            return 0
        lax.fori_loop(0, CHUNK // 2, _row, 0)

        slot = lax.rem(i // SUPER, 2)
        row = lax.rem(i, SUPER)
        pltpu.async_copy(psb, agg_sh.at[didx_v.at[slot, row]], ssp, add=True)

    def _two_steps(j, _):
        i = 2 * j
        step(i, ps0, pd0, e0, sg0, ss0, ps1, pd1, e1, sg1, ss1)
        step(i + 1, ps1, pd1, e1, sg1, ss1, ps0, pd0, e0, sg0, ss0)
        return 0

    lax.fori_loop(0, NSTEPS // 2, _two_steps, 0)
    wait_scat(ps1, ss1)
    plsc.subcore_barrier()

    @pl.when(s < WB_TILES)
    def _writeback():
        pltpu.sync_copy(agg_sh.at[pl.ds(s * WB_ROWS, WB_ROWS)],
                        out_hbm.at[c, pl.ds(s * WB_ROWS, WB_ROWS)])


def _edge_agg(ps, pd, e, src_flat, dst4):
    mesh = plsc.VectorSubcoreMesh(core_axis_name="c", subcore_axis_name="s")
    k = functools.partial(
        pl.kernel,
        out_type=jax.ShapeDtypeStruct((NC, N_NODES, D), jnp.float32),
        mesh=mesh,
        scratch_types=[
            pltpu.VMEM((2, SUPER, CHUNK), jnp.int32),
            pltpu.VMEM((2, SUPER, CHUNK), jnp.int32),
            pltpu.VMEM((CHUNK, D), jnp.float32),
            pltpu.VMEM((CHUNK, D), jnp.float32),
            pltpu.VMEM((CHUNK, D), jnp.float32),
            pltpu.VMEM((CHUNK, D), jnp.float32),
            pltpu.VMEM((CHUNK, D), jnp.float32),
            pltpu.VMEM((CHUNK, D), jnp.float32),
            pltpu.VMEM_SHARED((N_NODES, D), jnp.float32),
            pltpu.SemaphoreType.DMA,
            pltpu.SemaphoreType.DMA,
            pltpu.SemaphoreType.DMA,
            pltpu.SemaphoreType.DMA,
        ],
    )(_edge_agg_body)
    return k(ps, pd, e, src_flat, dst4)


def _gru_body(part_ref, x_ref, wx_ref, wh_ref, b_ref, out_ref):
    agg = part_ref[0] + part_ref[1]
    xa = x_ref[...]
    gx = jnp.dot(agg, wx_ref[...], preferred_element_type=jnp.float32) + b_ref[...]
    gh = jnp.dot(xa, wh_ref[...], preferred_element_type=jnp.float32)
    z = jax.nn.sigmoid(gx[:, 0:D] + gh[:, 0:D])
    r = jax.nn.sigmoid(gx[:, D:2 * D] + gh[:, D:2 * D])
    h_cand = jnp.tanh(gx[:, 2 * D:3 * D] + r * gh[:, 2 * D:3 * D])
    out_ref[...] = (1.0 - z) * xa + z * h_cand


def _gru(part, x, wx, wh, b):
    return pl.pallas_call(
        _gru_body,
        grid=(10,),
        in_specs=[
            pl.BlockSpec((NC, 1000, D), lambda i: (0, i, 0)),
            pl.BlockSpec((1000, D), lambda i: (i, 0)),
            pl.BlockSpec((D, 3 * D), lambda i: (0, 0)),
            pl.BlockSpec((D, 3 * D), lambda i: (0, 0)),
            pl.BlockSpec((1, 3 * D), lambda i: (0, 0)),
        ],
        out_specs=pl.BlockSpec((1000, D), lambda i: (i, 0)),
        out_shape=jax.ShapeDtypeStruct((N_NODES, D), jnp.float32),
    )(part, x, wx, wh, b.reshape(1, 3 * D))


def kernel(x, edge_index, edge_attr, W1, b1, Wx, Wh, b):
    src_flat = edge_index[0].astype(jnp.int32).reshape(NW, NSUPER, SUPER, CHUNK)
    dst4 = edge_index[1].astype(jnp.int32).reshape(NW, NSUPER, SUPER, CHUNK)
    ps, pd = _node_proj(x, W1[:2 * D])
    e = _edge_proj(edge_attr.T, W1[2 * D:], b1)
    part = _edge_agg(ps, pd, e, src_flat, dst4)
    return _gru(part, x, Wx, Wh, b)

# --- scband reference (transcript-rebuilt; emitter-appended) ---
"""Pipeline reference for scband-comnet-model-71408126263501 (READ-ONLY COPY).

The authoritative reference and input builder live on the scoring server;
editing this copy changes nothing except your own understanding.
"""

import jax, jax.numpy as jnp
import numpy as np

N_NODES = 10000
N_EDGES = 320000
D_FEAT = 128
D_EDGE = 16


def setup_inputs(seed: int = 0) -> dict:
    key = jax.random.key(seed)
    ks = jax.random.split(key, 8)
    x = jax.random.normal(ks[0], (N_NODES, D_FEAT), dtype=jnp.float32)
    edge_index = jax.random.randint(ks[1], (2, N_EDGES), 0, N_NODES).astype(jnp.int64)
    edge_attr = jax.random.normal(ks[2], (N_EDGES, D_EDGE), dtype=jnp.float32)
    # message creation feed_forward_nn: input = [hs_source, hs_dest, edge_params]
    msg_in_dim = D_FEAT + D_FEAT + D_EDGE  # 272
    W1 = jax.random.normal(ks[3], (msg_in_dim, D_FEAT), dtype=jnp.float32) * 0.05
    b1 = jnp.zeros((D_FEAT,), dtype=jnp.float32)
    # recurrent_nn (GRU cell) update: state dim = entity dim = D_FEAT
    Wx = jax.random.normal(ks[4], (D_FEAT, 3 * D_FEAT), dtype=jnp.float32) * 0.05
    Wh = jax.random.normal(ks[5], (D_FEAT, 3 * D_FEAT), dtype=jnp.float32) * 0.05
    b = jnp.zeros((3 * D_FEAT,), dtype=jnp.float32)
    return {"x": x, "edge_index": edge_index, "edge_attr": edge_attr,
            "W1": W1, "b1": b1, "Wx": Wx, "Wh": Wh, "b": b}


def reference(x, edge_index, edge_attr, W1, b1, Wx, Wh, b):
    src_idx = edge_index[0]
    dst_idx = edge_index[1]
    # message creation: gather source/destination hidden states, concat edge params
    hs_source = jnp.take(x, src_idx, axis=0)
    hs_dest = jnp.take(x, dst_idx, axis=0)
    msg_input = jnp.concatenate([hs_source, hs_dest, edge_attr], axis=-1)
    messages = jax.nn.relu(msg_input @ W1 + b1)
    # aggregation: sum of incoming messages per destination node (scatter-add)
    agg = jax.ops.segment_sum(messages, dst_idx, num_segments=x.shape[0])
    # recurrent (GRU cell) update: input = aggregated message, state = node hidden
    gates_x = agg @ Wx + b
    gates_h = x @ Wh
    xz, xr, xh = jnp.split(gates_x, 3, axis=-1)
    hz, hr, hh = jnp.split(gates_h, 3, axis=-1)
    z = jax.nn.sigmoid(xz + hz)
    r = jax.nn.sigmoid(xr + hr)
    h_cand = jnp.tanh(xh + r * hh)
    h_new = (1.0 - z) * x + z * h_cand
    return h_new

if __name__ == "__main__":
    import jax
    _d = setup_inputs()
    print(jax.jit(kernel)(*tuple(_d.values())))

</pallas_src>

<mosaic_0001>
#map = affine_map<(d0, d1) -> (0, 0)>
#map1 = affine_map<(d0, d1) -> (0, 0, 0, 0)>
#map2 = affine_map<(d0, d1) -> (0, 0, 0)>
module attributes {stable_mosaic.version = 14 : i64} {
  func.func @_edge_agg_body(%arg0: i32, %arg1: i32, %arg2: memref<10000x128xf32, #tpu.memory_space<hbm>>, %arg3: memref<10000x128xf32, #tpu.memory_space<hbm>>, %arg4: memref<320000x128xf32, #tpu.memory_space<hbm>>, %arg5: memref<32x10x25x40xi32, #tpu.memory_space<hbm>>, %arg6: memref<32x10x25x40xi32, #tpu.memory_space<hbm>>, %arg7: memref<2x10000x128xf32, #tpu.memory_space<hbm>>, %arg8: memref<2x25x40xi32, #tpu.memory_space<vmem>>, %arg9: memref<2x25x40xi32, #tpu.memory_space<vmem>>, %arg10: memref<40x128xf32, #tpu.memory_space<vmem>>, %arg11: memref<40x128xf32, #tpu.memory_space<vmem>>, %arg12: memref<40x128xf32, #tpu.memory_space<vmem>>, %arg13: memref<40x128xf32, #tpu.memory_space<vmem>>, %arg14: memref<40x128xf32, #tpu.memory_space<vmem>>, %arg15: memref<40x128xf32, #tpu.memory_space<vmem>>, %arg16: memref<10000x128xf32, #tpu.memory_space<vmem_shared>>, %arg17: memref<!tpu.dma_semaphore, #tpu.memory_space<semaphore_mem>>, %arg18: memref<!tpu.dma_semaphore, #tpu.memory_space<semaphore_mem>>, %arg19: memref<!tpu.dma_semaphore, #tpu.memory_space<semaphore_mem>>, %arg20: memref<!tpu.dma_semaphore, #tpu.memory_space<semaphore_mem>>) attributes {dimension_semantics = [#tpu.dimension_semantics<core_parallel>, #tpu.dimension_semantics<subcore_parallel>], iteration_bounds = array<i64: 2, 16>, scalar_prefetch = 0 : i64, scratch_operands = 13 : i64, tpu.core_type = #tpu.core_type<sc_vector_subcore>, window_params = [{transform_indices = #map}, {transform_indices = #map}, {transform_indices = #map}, {transform_indices = #map1}, {transform_indices = #map1}, {transform_indices = #map2}]} {
    %mul3A = arith.constant 16 : i32
    %mul3A_0 = arith.muli %arg0, %mul3A : i32
    %add3A = arith.addi %mul3A_0, %arg1 : i32
    %mul3A_1 = arith.constant 10000 : i32
    %mul3A_2 = arith.muli %add3A, %mul3A_1 : i32
    %lt3A = arith.constant 10 : i32
    %lt3A_3 = arith.cmpi slt, %arg1, %lt3A : i32
    %convert_element_type3A = arith.extui %lt3A_3 : i1 to i32
    %cond3A = arith.constant 0 : i32
    %cond3A_4 = arith.cmpi ne, %convert_element_type3A, %cond3A : i32
    scf.if %cond3A_4 {
      %scan3A_48 = arith.constant 0 : i32
      %scan3A_49 = arith.constant 0 : i32
      %scan3A_50 = arith.constant 40 : i32
      %scan3A_51 = arith.addi %scan3A_49, %scan3A_50 : i32
      %scan3A_52 = arith.constant 1 : i32
      %scan3A_53 = scf.for %scan3A_155 = %scan3A_49 to %scan3A_51 step %scan3A_52 iter_args(%scan3A_156 = %scan3A_48) -> (i32)  : i32 {
        %broadcast_in_dim3A_157 = arith.constant 0.000000e+00 : f32
        %broadcast_in_dim3A_158 = vector.broadcast %broadcast_in_dim3A_157 : f32 to vector<16xf32>
        %swap3A = arith.index_cast %scan3A_155 : i32 to index
        %swap3A_159 = arith.constant 0 : index
        %swap3A_160 = tpu.vector_load %arg12[%swap3A, %swap3A_159] {strides = array<i32>} : memref<40x128xf32, #tpu.memory_space<vmem>>, vector<1x16xf32>,
        %swap3A_161 = vector.shape_cast %swap3A_160 : vector<1x16xf32> to vector<16xf32>
        %swap3A_162 = vector.shape_cast %broadcast_in_dim3A_158 : vector<16xf32> to vector<1x16xf32>
        tpu.vector_store %arg12[%swap3A, %swap3A_159], %swap3A_162 {strides = array<i32>} : memref<40x128xf32, #tpu.memory_space<vmem>>, vector<1x16xf32>,
        %broadcast_in_dim3A_163 = arith.constant 0.000000e+00 : f32
        %broadcast_in_dim3A_164 = vector.broadcast %broadcast_in_dim3A_163 : f32 to vector<16xf32>
        %swap3A_165 = arith.index_cast %scan3A_155 : i32 to index
        %swap3A_166 = arith.constant 16 : index
        %swap3A_167 = tpu.vector_load %arg12[%swap3A_165, %swap3A_166] {strides = array<i32>} : memref<40x128xf32, #tpu.memory_space<vmem>>, vector<1x16xf32>,
        %swap3A_168 = vector.shape_cast %swap3A_167 : vector<1x16xf32> to vector<16xf32>
        %swap3A_169 = vector.shape_cast %broadcast_in_dim3A_164 : vector<16xf32> to vector<1x16xf32>
        tpu.vector_store %arg12[%swap3A_165, %swap3A_166], %swap3A_169 {strides = array<i32>} : memref<40x128xf32, #tpu.memory_space<vmem>>, vector<1x16xf32>,
        %broadcast_in_dim3A_170 = arith.constant 0.000000e+00 : f32
        %broadcast_in_dim3A_171 = vector.broadcast %broadcast_in_dim3A_170 : f32 to vector<16xf32>
        %swap3A_172 = arith.index_cast %scan3A_155 : i32 to index
        %swap3A_173 = arith.constant 32 : index
        %swap3A_174 = tpu.vector_load %arg12[%swap3A_172, %swap3A_173] {strides = array<i32>} : memref<40x128xf32, #tpu.memory_space<vmem>>, vector<1x16xf32>,
        %swap3A_175 = vector.shape_cast %swap3A_174 : vector<1x16xf32> to vector<16xf32>
        %swap3A_176 = vector.shape_cast %broadcast_in_dim3A_171 : vector<16xf32> to vector<1x16xf32>
        tpu.vector_store %arg12[%swap3A_172, %swap3A_173], %swap3A_176 {strides = array<i32>} : memref<40x128xf32, #tpu.memory_space<vmem>>, vector<1x16xf32>,
        %broadcast_in_dim3A_177 = arith.constant 0.000000e+00 : f32
        %broadcast_in_dim3A_178 = vector.broadcast %broadcast_in_dim3A_177 : f32 to vector<16xf32>
        %swap3A_179 = arith.index_cast %scan3A_155 : i32 to index
        %swap3A_180 = arith.constant 48 : index
        %swap3A_181 = tpu.vector_load %arg12[%swap3A_179, %swap3A_180] {strides = array<i32>} : memref<40x128xf32, #tpu.memory_space<vmem>>, vector<1x16xf32>,
        %swap3A_182 = vector.shape_cast %swap3A_181 : vector<1x16xf32> to vector<16xf32>
        %swap3A_183 = vector.shape_cast %broadcast_in_dim3A_178 : vector<16xf32> to vector<1x16xf32>
        tpu.vector_store %arg12[%swap3A_179, %swap3A_180], %swap3A_183 {strides = array<i32>} : memref<40x128xf32, #tpu.memory_space<vmem>>, vector<1x16xf32>,
        %broadcast_in_dim3A_184 = arith.constant 0.000000e+00 : f32
        %broadcast_in_dim3A_185 = vector.broadcast %broadcast_in_dim3A_184 : f32 to vector<16xf32>
        %swap3A_186 = arith.index_cast %scan3A_155 : i32 to index
        %swap3A_187 = arith.constant 64 : index
        %swap3A_188 = tpu.vector_load %arg12[%swap3A_186, %swap3A_187] {strides = array<i32>} : memref<40x128xf32, #tpu.memory_space<vmem>>, vector<1x16xf32>,
        %swap3A_189 = vector.shape_cast %swap3A_188 : vector<1x16xf32> to vector<16xf32>
        %swap3A_190 = vector.shape_cast %broadcast_in_dim3A_185 : vector<16xf32> to vector<1x16xf32>
        tpu.vector_store %arg12[%swap3A_186, %swap3A_187], %swap3A_190 {strides = array<i32>} : memref<40x128xf32, #tpu.memory_space<vmem>>, vector<1x16xf32>,
        %broadcast_in_dim3A_191 = arith.constant 0.000000e+00 : f32
        %broadcast_in_dim3A_192 = vector.broadcast %broadcast_in_dim3A_191 : f32 to vector<16xf32>
        %swap3A_193 = arith.index_cast %scan3A_155 : i32 to index
        %swap3A_194 = arith.constant 80 : index
        %swap3A_195 = tpu.vector_load %arg12[%swap3A_193, %swap3A_194] {strides = array<i32>} : memref<40x128xf32, #tpu.memory_space<vmem>>, vector<1x16xf32>,
        %swap3A_196 = vector.shape_cast %swap3A_195 : vector<1x16xf32> to vector<16xf32>
        %swap3A_197 = vector.shape_cast %broadcast_in_dim3A_192 : vector<16xf32> to vector<1x16xf32>
        tpu.vector_store %arg12[%swap3A_193, %swap3A_194], %swap3A_197 {strides = array<i32>} : memref<40x128xf32, #tpu.memory_space<vmem>>, vector<1x16xf32>,
        %broadcast_in_dim3A_198 = arith.constant 0.000000e+00 : f32
        %broadcast_in_dim3A_199 = vector.broadcast %broadcast_in_dim3A_198 : f32 to vector<16xf32>
        %swap3A_200 = arith.index_cast %scan3A_155 : i32 to index
        %swap3A_201 = arith.constant 96 : index
        %swap3A_202 = tpu.vector_load %arg12[%swap3A_200, %swap3A_201] {strides = array<i32>} : memref<40x128xf32, #tpu.memory_space<vmem>>, vector<1x16xf32>,
        %swap3A_203 = vector.shape_cast %swap3A_202 : vector<1x16xf32> to vector<16xf32>
        %swap3A_204 = vector.shape_cast %broadcast_in_dim3A_199 : vector<16xf32> to vector<1x16xf32>
        tpu.vector_store %arg12[%swap3A_200, %swap3A_201], %swap3A_204 {strides = array<i32>} : memref<40x128xf32, #tpu.memory_space<vmem>>, vector<1x16xf32>,
        %broadcast_in_dim3A_205 = arith.constant 0.000000e+00 : f32
        %broadcast_in_dim3A_206 = vector.broadcast %broadcast_in_dim3A_205 : f32 to vector<16xf32>
        %swap3A_207 = arith.index_cast %scan3A_155 : i32 to index
        %swap3A_208 = arith.constant 112 : index
        %swap3A_209 = tpu.vector_load %arg12[%swap3A_207, %swap3A_208] {strides = array<i32>} : memref<40x128xf32, #tpu.memory_space<vmem>>, vector<1x16xf32>,
        %swap3A_210 = vector.shape_cast %swap3A_209 : vector<1x16xf32> to vector<16xf32>
        %swap3A_211 = vector.shape_cast %broadcast_in_dim3A_206 : vector<16xf32> to vector<1x16xf32>
        tpu.vector_store %arg12[%swap3A_207, %swap3A_208], %swap3A_211 {strides = array<i32>} : memref<40x128xf32, #tpu.memory_space<vmem>>, vector<1x16xf32>,
        %scan3A_212 = arith.constant 0 : i32
        scf.yield %scan3A_212 : i32
      }
      %scan3A_54 = arith.constant 40 : i32
      %mul3A_55 = arith.constant 1000 : i32
      %mul3A_56 = arith.muli %arg1, %mul3A_55 : i32
      %add3A_57 = arith.constant 0 : i32
      %add3A_58 = arith.addi %mul3A_56, %add3A_57 : i32
      "tpu.region"() ({
        %run_scoped3A_155 = tpu.sem_alloc : memref<!tpu.dma_semaphore, #tpu.memory_space<semaphore_mem>>
        %dma_start3A_156 = arith.constant 0 : i32
        %dma_start3A_157 = tpu.memref_slice %arg16[%add3A_58, %dma_start3A_156] : memref<10000x128xf32, #tpu.memory_space<vmem_shared>> -> memref<40x128xf32, #tpu.memory_space<vmem_shared>>
        %dma_start3A_158 = arith.constant 0 : i32
        %dma_start3A_159 = tpu.memref_slice %arg16[%add3A_58, %dma_start3A_158] : memref<10000x128xf32, #tpu.memory_space<vmem_shared>> -> memref<40x128xf32, #tpu.memory_space<vmem_shared>>
        tpu.enqueue_dma source(%arg12 : memref<40x128xf32, #tpu.memory_space<vmem>>) target(%dma_start3A_159 : memref<40x128xf32, #tpu.memory_space<vmem_shared>>) target_semaphore(%run_scoped3A_155 : memref<!tpu.dma_semaphore, #tpu.memory_space<semaphore_mem>>)
        %dma_wait3A_160 = arith.constant 0 : i32
        %dma_wait3A_161 = tpu.memref_slice %arg16[%add3A_58, %dma_wait3A_160] : memref<10000x128xf32, #tpu.memory_space<vmem_shared>> -> memref<40x128xf32, #tpu.memory_space<vmem_shared>>
        %dma_wait3A_162 = arith.constant 0 : i32
        %dma_wait3A_163 = tpu.memref_slice %arg16[%add3A_58, %dma_wait3A_162] : memref<10000x128xf32, #tpu.memory_space<vmem_shared>> -> memref<40x128xf32, #tpu.memory_space<vmem_shared>>
        tpu.wait_dma2 semaphore(%run_scoped3A_155 : memref<!tpu.dma_semaphore, #tpu.memory_space<semaphore_mem>>) src(%arg12 : memref<40x128xf32, #tpu.memory_space<vmem>>) dst(%dma_wait3A_163 : memref<40x128xf32, #tpu.memory_space<vmem_shared>>)
        tpu.yield
      }) : () -> ()
      %mul3A_59 = arith.constant 1000 : i32
      %mul3A_60 = arith.muli %arg1, %mul3A_59 : i32
      %add3A_61 = arith.constant 40 : i32
      %add3A_62 = arith.addi %mul3A_60, %add3A_61 : i32
      "tpu.region"() ({
        %run_scoped3A_155 = tpu.sem_alloc : memref<!tpu.dma_semaphore, #tpu.memory_space<semaphore_mem>>
        %dma_start3A_156 = arith.constant 0 : i32
        %dma_start3A_157 = tpu.memref_slice %arg16[%add3A_62, %dma_start3A_156] : memref<10000x128xf32, #tpu.memory_space<vmem_shared>> -> memref<40x128xf32, #tpu.memory_space<vmem_shared>>
        %dma_start3A_158 = arith.constant 0 : i32
        %dma_start3A_159 = tpu.memref_slice %arg16[%add3A_62, %dma_start3A_158] : memref<10000x128xf32, #tpu.memory_space<vmem_shared>> -> memref<40x128xf32, #tpu.memory_space<vmem_shared>>
        tpu.enqueue_dma source(%arg12 : memref<40x128xf32, #tpu.memory_space<vmem>>) target(%dma_start3A_159 : memref<40x128xf32, #tpu.memory_space<vmem_shared>>) target_semaphore(%run_scoped3A_155 : memref<!tpu.dma_semaphore, #tpu.memory_space<semaphore_mem>>)
        %dma_wait3A_160 = arith.constant 0 : i32
        %dma_wait3A_161 = tpu.memref_slice %arg16[%add3A_62, %dma_wait3A_160] : memref<10000x128xf32, #tpu.memory_space<vmem_shared>> -> memref<40x128xf32, #tpu.memory_space<vmem_shared>>
        %dma_wait3A_162 = arith.constant 0 : i32
        %dma_wait3A_163 = tpu.memref_slice %arg16[%add3A_62, %dma_wait3A_162] : memref<10000x128xf32, #tpu.memory_space<vmem_shared>> -> memref<40x128xf32, #tpu.memory_space<vmem_shared>>
        tpu.wait_dma2 semaphore(%run_scoped3A_155 : memref<!tpu.dma_semaphore, #tpu.memory_space<semaphore_mem>>) src(%arg12 : memref<40x128xf32, #tpu.memory_space<vmem>>) dst(%dma_wait3A_163 : memref<40x128xf32, #tpu.memory_space<vmem_shared>>)
        tpu.yield
      }) : () -> ()
      %mul3A_63 = arith.constant 1000 : i32
      %mul3A_64 = arith.muli %arg1, %mul3A_63 : i32
      %add3A_65 = arith.constant 80 : i32
      %add3A_66 = arith.addi %mul3A_64, %add3A_65 : i32
      "tpu.region"() ({
        %run_scoped3A_155 = tpu.sem_alloc : memref<!tpu.dma_semaphore, #tpu.memory_space<semaphore_mem>>
        %dma_start3A_156 = arith.constant 0 : i32
        %dma_start3A_157 = tpu.memref_slice %arg16[%add3A_66, %dma_start3A_156] : memref<10000x128xf32, #tpu.memory_space<vmem_shared>> -> memref<40x128xf32, #tpu.memory_space<vmem_shared>>
        %dma_start3A_158 = arith.constant 0 : i32
        %dma_start3A_159 = tpu.memref_slice %arg16[%add3A_66, %dma_start3A_158] : memref<10000x128xf32, #tpu.memory_space<vmem_shared>> -> memref<40x128xf32, #tpu.memory_space<vmem_shared>>
        tpu.enqueue_dma source(%arg12 : memref<40x128xf32, #tpu.memory_space<vmem>>) target(%dma_start3A_159 : memref<40x128xf32, #tpu.memory_space<vmem_shared>>) target_semaphore(%run_scoped3A_155 : memref<!tpu.dma_semaphore, #tpu.memory_space<semaphore_mem>>)
        %dma_wait3A_160 = arith.constant 0 : i32
        %dma_wait3A_161 = tpu.memref_slice %arg16[%add3A_66, %dma_wait3A_160] : memref<10000x128xf32, #tpu.memory_space<vmem_shared>> -> memref<40x128xf32, #tpu.memory_space<vmem_shared>>
        %dma_wait3A_162 = arith.constant 0 : i32
        %dma_wait3A_163 = tpu.memref_slice %arg16[%add3A_66, %dma_wait3A_162] : memref<10000x128xf32, #tpu.memory_space<vmem_shared>> -> memref<40x128xf32, #tpu.memory_space<vmem_shared>>
        tpu.wait_dma2 semaphore(%run_scoped3A_155 : memref<!tpu.dma_semaphore, #tpu.memory_space<semaphore_mem>>) src(%arg12 : memref<40x128xf32, #tpu.memory_space<vmem>>) dst(%dma_wait3A_163 : memref<40x128xf32, #tpu.memory_space<vmem_shared>>)
        tpu.yield
      }) : () -> ()
      %mul3A_67 = arith.constant 1000 : i32
      %mul3A_68 = arith.muli %arg1, %mul3A_67 : i32
      %add3A_69 = arith.constant 120 : i32
      %add3A_70 = arith.addi %mul3A_68, %add3A_69 : i32
      "tpu.region"() ({
        %run_scoped3A_155 = tpu.sem_alloc : memref<!tpu.dma_semaphore, #tpu.memory_space<semaphore_mem>>
        %dma_start3A_156 = arith.constant 0 : i32
        %dma_start3A_157 = tpu.memref_slice %arg16[%add3A_70, %dma_start3A_156] : memref<10000x128xf32, #tpu.memory_space<vmem_shared>> -> memref<40x128xf32, #tpu.memory_space<vmem_shared>>
        %dma_start3A_158 = arith.constant 0 : i32
        %dma_start3A_159 = tpu.memref_slice %arg16[%add3A_70, %dma_start3A_158] : memref<10000x128xf32, #tpu.memory_space<vmem_shared>> -> memref<40x128xf32, #tpu.memory_space<vmem_shared>>
        tpu.enqueue_dma source(%arg12 : memref<40x128xf32, #tpu.memory_space<vmem>>) target(%dma_start3A_159 : memref<40x128xf32, #tpu.memory_space<vmem_shared>>) target_semaphore(%run_scoped3A_155 : memref<!tpu.dma_semaphore, #tpu.memory_space<semaphore_mem>>)
        %dma_wait3A_160 = arith.constant 0 : i32
        %dma_wait3A_161 = tpu.memref_slice %arg16[%add3A_70, %dma_wait3A_160] : memref<10000x128xf32, #tpu.memory_space<vmem_shared>> -> memref<40x128xf32, #tpu.memory_space<vmem_shared>>
        %dma_wait3A_162 = arith.constant 0 : i32
        %dma_wait3A_163 = tpu.memref_slice %arg16[%add3A_70, %dma_wait3A_162] : memref<10000x128xf32, #tpu.memory_space<vmem_shared>> -> memref<40x128xf32, #tpu.memory_space<vmem_shared>>
        tpu.wait_dma2 semaphore(%run_scoped3A_155 : memref<!tpu.dma_semaphore, #tpu.memory_space<semaphore_mem>>) src(%arg12 : memref<40x128xf32, #tpu.memory_space<vmem>>) dst(%dma_wait3A_163 : memref<40x128xf32, #tpu.memory_space<vmem_shared>>)
        tpu.yield
      }) : () -> ()
      %mul3A_71 = arith.constant 1000 : i32
      %mul3A_72 = arith.muli %arg1, %mul3A_71 : i32
      %add3A_73 = arith.constant 160 : i32
      %add3A_74 = arith.addi %mul3A_72, %add3A_73 : i32
      "tpu.region"() ({
        %run_scoped3A_155 = tpu.sem_alloc : memref<!tpu.dma_semaphore, #tpu.memory_space<semaphore_mem>>
        %dma_start3A_156 = arith.constant 0 : i32
        %dma_start3A_157 = tpu.memref_slice %arg16[%add3A_74, %dma_start3A_156] : memref<10000x128xf32, #tpu.memory_space<vmem_shared>> -> memref<40x128xf32, #tpu.memory_space<vmem_shared>>
        %dma_start3A_158 = arith.constant 0 : i32
        %dma_start3A_159 = tpu.memref_slice %arg16[%add3A_74, %dma_start3A_158] : memref<10000x128xf32, #tpu.memory_space<vmem_shared>> -> memref<40x128xf32, #tpu.memory_space<vmem_shared>>
        tpu.enqueue_dma source(%arg12 : memref<40x128xf32, #tpu.memory_space<vmem>>) target(%dma_start3A_159 : memref<40x128xf32, #tpu.memory_space<vmem_shared>>) target_semaphore(%run_scoped3A_155 : memref<!tpu.dma_semaphore, #tpu.memory_space<semaphore_mem>>)
        %dma_wait3A_160 = arith.constant 0 : i32
        %dma_wait3A_161 = tpu.memref_slice %arg16[%add3A_74, %dma_wait3A_160] : memref<10000x128xf32, #tpu.memory_space<vmem_shared>> -> memref<40x128xf32, #tpu.memory_space<vmem_shared>>
        %dma_wait3A_162 = arith.constant 0 : i32
        %dma_wait3A_163 = tpu.memref_slice %arg16[%add3A_74, %dma_wait3A_162] : memref<10000x128xf32, #tpu.memory_space<vmem_shared>> -> memref<40x128xf32, #tpu.memory_space<vmem_shared>>
        tpu.wait_dma2 semaphore(%run_scoped3A_155 : memref<!tpu.dma_semaphore, #tpu.memory_space<semaphore_mem>>) src(%arg12 : memref<40x128xf32, #tpu.memory_space<vmem>>) dst(%dma_wait3A_163 : memref<40x128xf32, #tpu.memory_space<vmem_shared>>)
        tpu.yield
      }) : () -> ()
      %mul3A_75 = arith.constant 1000 : i32
      %mul3A_76 = arith.muli %arg1, %mul3A_75 : i32
      %add3A_77 = arith.constant 200 : i32
      %add3A_78 = arith.addi %mul3A_76, %add3A_77 : i32
      "tpu.region"() ({
        %run_scoped3A_155 = tpu.sem_alloc : memref<!tpu.dma_semaphore, #tpu.memory_space<semaphore_mem>>
        %dma_start3A_156 = arith.constant 0 : i32
        %dma_start3A_157 = tpu.memref_slice %arg16[%add3A_78, %dma_start3A_156] : memref<10000x128xf32, #tpu.memory_space<vmem_shared>> -> memref<40x128xf32, #tpu.memory_space<vmem_shared>>
        %dma_start3A_158 = arith.constant 0 : i32
        %dma_start3A_159 = tpu.memref_slice %arg16[%add3A_78, %dma_start3A_158] : memref<10000x128xf32, #tpu.memory_space<vmem_shared>> -> memref<40x128xf32, #tpu.memory_space<vmem_shared>>
        tpu.enqueue_dma source(%arg12 : memref<40x128xf32, #tpu.memory_space<vmem>>) target(%dma_start3A_159 : memref<40x128xf32, #tpu.memory_space<vmem_shared>>) target_semaphore(%run_scoped3A_155 : memref<!tpu.dma_semaphore, #tpu.memory_space<semaphore_mem>>)
        %dma_wait3A_160 = arith.constant 0 : i32
        %dma_wait3A_161 = tpu.memref_slice %arg16[%add3A_78, %dma_wait3A_160] : memref<10000x128xf32, #tpu.memory_space<vmem_shared>> -> memref<40x128xf32, #tpu.memory_space<vmem_shared>>
        %dma_wait3A_162 = arith.constant 0 : i32
        %dma_wait3A_163 = tpu.memref_slice %arg16[%add3A_78, %dma_wait3A_162] : memref<10000x128xf32, #tpu.memory_space<vmem_shared>> -> memref<40x128xf32, #tpu.memory_space<vmem_shared>>
        tpu.wait_dma2 semaphore(%run_scoped3A_155 : memref<!tpu.dma_semaphore, #tpu.memory_space<semaphore_mem>>) src(%arg12 : memref<40x128xf32, #tpu.memory_space<vmem>>) dst(%dma_wait3A_163 : memref<40x128xf32, #tpu.memory_space<vmem_shared>>)
        tpu.yield
      }) : () -> ()
      %mul3A_79 = arith.constant 1000 : i32
      %mul3A_80 = arith.muli %arg1, %mul3A_79 : i32
      %add3A_81 = arith.constant 240 : i32
      %add3A_82 = arith.addi %mul3A_80, %add3A_81 : i32
      "tpu.region"() ({
        %run_scoped3A_155 = tpu.sem_alloc : memref<!tpu.dma_semaphore, #tpu.memory_space<semaphore_mem>>
        %dma_start3A_156 = arith.constant 0 : i32
        %dma_start3A_157 = tpu.memref_slice %arg16[%add3A_82, %dma_start3A_156] : memref<10000x128xf32, #tpu.memory_space<vmem_shared>> -> memref<40x128xf32, #tpu.memory_space<vmem_shared>>
        %dma_start3A_158 = arith.constant 0 : i32
        %dma_start3A_159 = tpu.memref_slice %arg16[%add3A_82, %dma_start3A_158] : memref<10000x128xf32, #tpu.memory_space<vmem_shared>> -> memref<40x128xf32, #tpu.memory_space<vmem_shared>>
        tpu.enqueue_dma source(%arg12 : memref<40x128xf32, #tpu.memory_space<vmem>>) target(%dma_start3A_159 : memref<40x128xf32, #tpu.memory_space<vmem_shared>>) target_semaphore(%run_scoped3A_155 : memref<!tpu.dma_semaphore, #tpu.memory_space<semaphore_mem>>)
        %dma_wait3A_160 = arith.constant 0 : i32
        %dma_wait3A_161 = tpu.memref_slice %arg16[%add3A_82, %dma_wait3A_160] : memref<10000x128xf32, #tpu.memory_space<vmem_shared>> -> memref<40x128xf32, #tpu.memory_space<vmem_shared>>
        %dma_wait3A_162 = arith.constant 0 : i32
        %dma_wait3A_163 = tpu.memref_slice %arg16[%add3A_82, %dma_wait3A_162] : memref<10000x128xf32, #tpu.memory_space<vmem_shared>> -> memref<40x128xf32, #tpu.memory_space<vmem_shared>>
        tpu.wait_dma2 semaphore(%run_scoped3A_155 : memref<!tpu.dma_semaphore, #tpu.memory_space<semaphore_mem>>) src(%arg12 : memref<40x128xf32, #tpu.memory_space<vmem>>) dst(%dma_wait3A_163 : memref<40x128xf32, #tpu.memory_space<vmem_shared>>)
        tpu.yield
      }) : () -> ()
      %mul3A_83 = arith.constant 1000 : i32
      %mul3A_84 = arith.muli %arg1, %mul3A_83 : i32
      %add3A_85 = arith.constant 280 : i32
      %add3A_86 = arith.addi %mul3A_84, %add3A_85 : i32
      "tpu.region"() ({
        %run_scoped3A_155 = tpu.sem_alloc : memref<!tpu.dma_semaphore, #tpu.memory_space<semaphore_mem>>
        %dma_start3A_156 = arith.constant 0 : i32
        %dma_start3A_157 = tpu.memref_slice %arg16[%add3A_86, %dma_start3A_156] : memref<10000x128xf32, #tpu.memory_space<vmem_shared>> -> memref<40x128xf32, #tpu.memory_space<vmem_shared>>
        %dma_start3A_158 = arith.constant 0 : i32
        %dma_start3A_159 = tpu.memref_slice %arg16[%add3A_86, %dma_start3A_158] : memref<10000x128xf32, #tpu.memory_space<vmem_shared>> -> memref<40x128xf32, #tpu.memory_space<vmem_shared>>
        tpu.enqueue_dma source(%arg12 : memref<40x128xf32, #tpu.memory_space<vmem>>) target(%dma_start3A_159 : memref<40x128xf32, #tpu.memory_space<vmem_shared>>) target_semaphore(%run_scoped3A_155 : memref<!tpu.dma_semaphore, #tpu.memory_space<semaphore_mem>>)
        %dma_wait3A_160 = arith.constant 0 : i32
        %dma_wait3A_161 = tpu.memref_slice %arg16[%add3A_86, %dma_wait3A_160] : memref<10000x128xf32, #tpu.memory_space<vmem_shared>> -> memref<40x128xf32, #tpu.memory_space<vmem_shared>>
        %dma_wait3A_162 = arith.constant 0 : i32
        %dma_wait3A_163 = tpu.memref_slice %arg16[%add3A_86, %dma_wait3A_162] : memref<10000x128xf32, #tpu.memory_space<vmem_shared>> -> memref<40x128xf32, #tpu.memory_space<vmem_shared>>
        tpu.wait_dma2 semaphore(%run_scoped3A_155 : memref<!tpu.dma_semaphore, #tpu.memory_space<semaphore_mem>>) src(%arg12 : memref<40x128xf32, #tpu.memory_space<vmem>>) dst(%dma_wait3A_163 : memref<40x128xf32, #tpu.memory_space<vmem_shared>>)
        tpu.yield
      }) : () -> ()
      %mul3A_87 = arith.constant 1000 : i32
      %mul3A_88 = arith.muli %arg1, %mul3A_87 : i32
      %add3A_89 = arith.constant 320 : i32
      %add3A_90 = arith.addi %mul3A_88, %add3A_89 : i32
      "tpu.region"() ({
        %run_scoped3A_155 = tpu.sem_alloc : memref<!tpu.dma_semaphore, #tpu.memory_space<semaphore_mem>>
        %dma_start3A_156 = arith.constant 0 : i32
        %dma_start3A_157 = tpu.memref_slice %arg16[%add3A_90, %dma_start3A_156] : memref<10000x128xf32, #tpu.memory_space<vmem_shared>> -> memref<40x128xf32, #tpu.memory_space<vmem_shared>>
        %dma_start3A_158 = arith.constant 0 : i32
        %dma_start3A_159 = tpu.memref_slice %arg16[%add3A_90, %dma_start3A_158] : memref<10000x128xf32, #tpu.memory_space<vmem_shared>> -> memref<40x128xf32, #tpu.memory_space<vmem_shared>>
        tpu.enqueue_dma source(%arg12 : memref<40x128xf32, #tpu.memory_space<vmem>>) target(%dma_start3A_159 : memref<40x128xf32, #tpu.memory_space<vmem_shared>>) target_semaphore(%run_scoped3A_155 : memref<!tpu.dma_semaphore, #tpu.memory_space<semaphore_mem>>)
        %dma_wait3A_160 = arith.constant 0 : i32
        %dma_wait3A_161 = tpu.memref_slice %arg16[%add3A_90, %dma_wait3A_160] : memref<10000x128xf32, #tpu.memory_space<vmem_shared>> -> memref<40x128xf32, #tpu.memory_space<vmem_shared>>
        %dma_wait3A_162 = arith.constant 0 : i32
        %dma_wait3A_163 = tpu.memref_slice %arg16[%add3A_90, %dma_wait3A_162] : memref<10000x128xf32, #tpu.memory_space<vmem_shared>> -> memref<40x128xf32, #tpu.memory_space<vmem_shared>>
        tpu.wait_dma2 semaphore(%run_scoped3A_155 : memref<!tpu.dma_semaphore, #tpu.memory_space<semaphore_mem>>) src(%arg12 : memref<40x128xf32, #tpu.memory_space<vmem>>) dst(%dma_wait3A_163 : memref<40x128xf32, #tpu.memory_space<vmem_shared>>)
        tpu.yield
      }) : () -> ()
      %mul3A_91 = arith.constant 1000 : i32
      %mul3A_92 = arith.muli %arg1, %mul3A_91 : i32
      %add3A_93 = arith.constant 360 : i32
      %add3A_94 = arith.addi %mul3A_92, %add3A_93 : i32
      "tpu.region"() ({
        %run_scoped3A_155 = tpu.sem_alloc : memref<!tpu.dma_semaphore, #tpu.memory_space<semaphore_mem>>
        %dma_start3A_156 = arith.constant 0 : i32
        %dma_start3A_157 = tpu.memref_slice %arg16[%add3A_94, %dma_start3A_156] : memref<10000x128xf32, #tpu.memory_space<vmem_shared>> -> memref<40x128xf32, #tpu.memory_space<vmem_shared>>
        %dma_start3A_158 = arith.constant 0 : i32
        %dma_start3A_159 = tpu.memref_slice %arg16[%add3A_94, %dma_start3A_158] : memref<10000x128xf32, #tpu.memory_space<vmem_shared>> -> memref<40x128xf32, #tpu.memory_space<vmem_shared>>
        tpu.enqueue_dma source(%arg12 : memref<40x128xf32, #tpu.memory_space<vmem>>) target(%dma_start3A_159 : memref<40x128xf32, #tpu.memory_space<vmem_shared>>) target_semaphore(%run_scoped3A_155 : memref<!tpu.dma_semaphore, #tpu.memory_space<semaphore_mem>>)
        %dma_wait3A_160 = arith.constant 0 : i32
        %dma_wait3A_161 = tpu.memref_slice %arg16[%add3A_94, %dma_wait3A_160] : memref<10000x128xf32, #tpu.memory_space<vmem_shared>> -> memref<40x128xf32, #tpu.memory_space<vmem_shared>>
        %dma_wait3A_162 = arith.constant 0 : i32
        %dma_wait3A_163 = tpu.memref_slice %arg16[%add3A_94, %dma_wait3A_162] : memref<10000x128xf32, #tpu.memory_space<vmem_shared>> -> memref<40x128xf32, #tpu.memory_space<vmem_shared>>
        tpu.wait_dma2 semaphore(%run_scoped3A_155 : memref<!tpu.dma_semaphore, #tpu.memory_space<semaphore_mem>>) src(%arg12 : memref<40x128xf32, #tpu.memory_space<vmem>>) dst(%dma_wait3A_163 : memref<40x128xf32, #tpu.memory_space<vmem_shared>>)
        tpu.yield
      }) : () -> ()
      %mul3A_95 = arith.constant 1000 : i32
      %mul3A_96 = arith.muli %arg1, %mul3A_95 : i32
      %add3A_97 = arith.constant 400 : i32
      %add3A_98 = arith.addi %mul3A_96, %add3A_97 : i32
      "tpu.region"() ({
        %run_scoped3A_155 = tpu.sem_alloc : memref<!tpu.dma_semaphore, #tpu.memory_space<semaphore_mem>>
        %dma_start3A_156 = arith.constant 0 : i32
        %dma_start3A_157 = tpu.memref_slice %arg16[%add3A_98, %dma_start3A_156] : memref<10000x128xf32, #tpu.memory_space<vmem_shared>> -> memref<40x128xf32, #tpu.memory_space<vmem_shared>>
        %dma_start3A_158 = arith.constant 0 : i32
        %dma_start3A_159 = tpu.memref_slice %arg16[%add3A_98, %dma_start3A_158] : memref<10000x128xf32, #tpu.memory_space<vmem_shared>> -> memref<40x128xf32, #tpu.memory_space<vmem_shared>>
        tpu.enqueue_dma source(%arg12 : memref<40x128xf32, #tpu.memory_space<vmem>>) target(%dma_start3A_159 : memref<40x128xf32, #tpu.memory_space<vmem_shared>>) target_semaphore(%run_scoped3A_155 : memref<!tpu.dma_semaphore, #tpu.memory_space<semaphore_mem>>)
        %dma_wait3A_160 = arith.constant 0 : i32
        %dma_wait3A_161 = tpu.memref_slice %arg16[%add3A_98, %dma_wait3A_160] : memref<10000x128xf32, #tpu.memory_space<vmem_shared>> -> memref<40x128xf32, #tpu.memory_space<vmem_shared>>
        %dma_wait3A_162 = arith.constant 0 : i32
        %dma_wait3A_163 = tpu.memref_slice %arg16[%add3A_98, %dma_wait3A_162] : memref<10000x128xf32, #tpu.memory_space<vmem_shared>> -> memref<40x128xf32, #tpu.memory_space<vmem_shared>>
        tpu.wait_dma2 semaphore(%run_scoped3A_155 : memref<!tpu.dma_semaphore, #tpu.memory_space<semaphore_mem>>) src(%arg12 : memref<40x128xf32, #tpu.memory_space<vmem>>) dst(%dma_wait3A_163 : memref<40x128xf32, #tpu.memory_space<vmem_shared>>)
        tpu.yield
      }) : () -> ()
      %mul3A_99 = arith.constant 1000 : i32
      %mul3A_100 = arith.muli %arg1, %mul3A_99 : i32
      %add3A_101 = arith.constant 440 : i32
      %add3A_102 = arith.addi %mul3A_100, %add3A_101 : i32
      "tpu.region"() ({
        %run_scoped3A_155 = tpu.sem_alloc : memref<!tpu.dma_semaphore, #tpu.memory_space<semaphore_mem>>
        %dma_start3A_156 = arith.constant 0 : i32
        %dma_start3A_157 = tpu.memref_slice %arg16[%add3A_102, %dma_start3A_156] : memref<10000x128xf32, #tpu.memory_space<vmem_shared>> -> memref<40x128xf32, #tpu.memory_space<vmem_shared>>
        %dma_start3A_158 = arith.constant 0 : i32
        %dma_start3A_159 = tpu.memref_slice %arg16[%add3A_102, %dma_start3A_158] : memref<10000x128xf32, #tpu.memory_space<vmem_shared>> -> memref<40x128xf32, #tpu.memory_space<vmem_shared>>
        tpu.enqueue_dma source(%arg12 : memref<40x128xf32, #tpu.memory_space<vmem>>) target(%dma_start3A_159 : memref<40x128xf32, #tpu.memory_space<vmem_shared>>) target_semaphore(%run_scoped3A_155 : memref<!tpu.dma_semaphore, #tpu.memory_space<semaphore_mem>>)
        %dma_wait3A_160 = arith.constant 0 : i32
        %dma_wait3A_161 = tpu.memref_slice %arg16[%add3A_102, %dma_wait3A_160] : memref<10000x128xf32, #tpu.memory_space<vmem_shared>> -> memref<40x128xf32, #tpu.memory_space<vmem_shared>>
        %dma_wait3A_162 = arith.constant 0 : i32
        %dma_wait3A_163 = tpu.memref_slice %arg16[%add3A_102, %dma_wait3A_162] : memref<10000x128xf32, #tpu.memory_space<vmem_shared>> -> memref<40x128xf32, #tpu.memory_space<vmem_shared>>
        tpu.wait_dma2 semaphore(%run_scoped3A_155 : memref<!tpu.dma_semaphore, #tpu.memory_space<semaphore_mem>>) src(%arg12 : memref<40x128xf32, #tpu.memory_space<vmem>>) dst(%dma_wait3A_163 : memref<40x128xf32, #tpu.memory_space<vmem_shared>>)
        tpu.yield
      }) : () -> ()
      %mul3A_103 = arith.constant 1000 : i32
      %mul3A_104 = arith.muli %arg1, %mul3A_103 : i32
      %add3A_105 = arith.constant 480 : i32
      %add3A_106 = arith.addi %mul3A_104, %add3A_105 : i32
      "tpu.region"() ({
        %run_scoped3A_155 = tpu.sem_alloc : memref<!tpu.dma_semaphore, #tpu.memory_space<semaphore_mem>>
        %dma_start3A_156 = arith.constant 0 : i32
        %dma_start3A_157 = tpu.memref_slice %arg16[%add3A_106, %dma_start3A_156] : memref<10000x128xf32, #tpu.memory_space<vmem_shared>> -> memref<40x128xf32, #tpu.memory_space<vmem_shared>>
        %dma_start3A_158 = arith.constant 0 : i32
        %dma_start3A_159 = tpu.memref_slice %arg16[%add3A_106, %dma_start3A_158] : memref<10000x128xf32, #tpu.memory_space<vmem_shared>> -> memref<40x128xf32, #tpu.memory_space<vmem_shared>>
        tpu.enqueue_dma source(%arg12 : memref<40x128xf32, #tpu.memory_space<vmem>>) target(%dma_start3A_159 : memref<40x128xf32, #tpu.memory_space<vmem_shared>>) target_semaphore(%run_scoped3A_155 : memref<!tpu.dma_semaphore, #tpu.memory_space<semaphore_mem>>)
        %dma_wait3A_160 = arith.constant 0 : i32
        %dma_wait3A_161 = tpu.memref_slice %arg16[%add3A_106, %dma_wait3A_160] : memref<10000x128xf32, #tpu.memory_space<vmem_shared>> -> memref<40x128xf32, #tpu.memory_space<vmem_shared>>
        %dma_wait3A_162 = arith.constant 0 : i32
        %dma_wait3A_163 = tpu.memref_slice %arg16[%add3A_106, %dma_wait3A_162] : memref<10000x128xf32, #tpu.memory_space<vmem_shared>> -> memref<40x128xf32, #tpu.memory_space<vmem_shared>>
        tpu.wait_dma2 semaphore(%run_scoped3A_155 : memref<!tpu.dma_semaphore, #tpu.memory_space<semaphore_mem>>) src(%arg12 : memref<40x128xf32, #tpu.memory_space<vmem>>) dst(%dma_wait3A_163 : memref<40x128xf32, #tpu.memory_space<vmem_shared>>)
        tpu.yield
      }) : () -> ()
      %mul3A_107 = arith.constant 1000 : i32
      %mul3A_108 = arith.muli %arg1, %mul3A_107 : i32
      %add3A_109 = arith.constant 520 : i32
      %add3A_110 = arith.addi %mul3A_108, %add3A_109 : i32
      "tpu.region"() ({
        %run_scoped3A_155 = tpu.sem_alloc : memref<!tpu.dma_semaphore, #tpu.memory_space<semaphore_mem>>
        %dma_start3A_156 = arith.constant 0 : i32
        %dma_start3A_157 = tpu.memref_slice %arg16[%add3A_110, %dma_start3A_156] : memref<10000x128xf32, #tpu.memory_space<vmem_shared>> -> memref<40x128xf32, #tpu.memory_space<vmem_shared>>
        %dma_start3A_158 = arith.constant 0 : i32
        %dma_start3A_159 = tpu.memref_slice %arg16[%add3A_110, %dma_start3A_158] : memref<10000x128xf32, #tpu.memory_space<vmem_shared>> -> memref<40x128xf32, #tpu.memory_space<vmem_shared>>
        tpu.enqueue_dma source(%arg12 : memref<40x128xf32, #tpu.memory_space<vmem>>) target(%dma_start3A_159 : memref<40x128xf32, #tpu.memory_space<vmem_shared>>) target_semaphore(%run_scoped3A_155 : memref<!tpu.dma_semaphore, #tpu.memory_space<semaphore_mem>>)
        %dma_wait3A_160 = arith.constant 0 : i32
        %dma_wait3A_161 = tpu.memref_slice %arg16[%add3A_110, %dma_wait3A_160] : memref<10000x128xf32, #tpu.memory_space<vmem_shared>> -> memref<40x128xf32, #tpu.memory_space<vmem_shared>>
        %dma_wait3A_162 = arith.constant 0 : i32
        %dma_wait3A_163 = tpu.memref_slice %arg16[%add3A_110, %dma_wait3A_162] : memref<10000x128xf32, #tpu.memory_space<vmem_shared>> -> memref<40x128xf32, #tpu.memory_space<vmem_shared>>
        tpu.wait_dma2 semaphore(%run_scoped3A_155 : memref<!tpu.dma_semaphore, #tpu.memory_space<semaphore_mem>>) src(%arg12 : memref<40x128xf32, #tpu.memory_space<vmem>>) dst(%dma_wait3A_163 : memref<40x128xf32, #tpu.memory_space<vmem_shared>>)
        tpu.yield
      }) : () -> ()
      %mul3A_111 = arith.constant 1000 : i32
      %mul3A_112 = arith.muli %arg1, %mul3A_111 : i32
      %add3A_113 = arith.constant 560 : i32
      %add3A_114 = arith.addi %mul3A_112, %add3A_113 : i32
      "tpu.region"() ({
        %run_scoped3A_155 = tpu.sem_alloc : memref<!tpu.dma_semaphore, #tpu.memory_space<semaphore_mem>>
        %dma_start3A_156 = arith.constant 0 : i32
        %dma_start3A_157 = tpu.memref_slice %arg16[%add3A_114, %dma_start3A_156] : memref<10000x128xf32, #tpu.memory_space<vmem_shared>> -> memref<40x128xf32, #tpu.memory_space<vmem_shared>>
        %dma_start3A_158 = arith.constant 0 : i32
        %dma_start3A_159 = tpu.memref_slice %arg16[%add3A_114, %dma_start3A_158] : memref<10000x128xf32, #tpu.memory_space<vmem_shared>> -> memref<40x128xf32, #tpu.memory_space<vmem_shared>>
        tpu.enqueue_dma source(%arg12 : memref<40x128xf32, #tpu.memory_space<vmem>>) target(%dma_start3A_159 : memref<40x128xf32, #tpu.memory_space<vmem_shared>>) target_semaphore(%run_scoped3A_155 : memref<!tpu.dma_semaphore, #tpu.memory_space<semaphore_mem>>)
        %dma_wait3A_160 = arith.constant 0 : i32
        %dma_wait3A_161 = tpu.memref_slice %arg16[%add3A_114, %dma_wait3A_160] : memref<10000x128xf32, #tpu.memory_space<vmem_shared>> -> memref<40x128xf32, #tpu.memory_space<vmem_shared>>
        %dma_wait3A_162 = arith.constant 0 : i32
        %dma_wait3A_163 = tpu.memref_slice %arg16[%add3A_114, %dma_wait3A_162] : memref<10000x128xf32, #tpu.memory_space<vmem_shared>> -> memref<40x128xf32, #tpu.memory_space<vmem_shared>>
        tpu.wait_dma2 semaphore(%run_scoped3A_155 : memref<!tpu.dma_semaphore, #tpu.memory_space<semaphore_mem>>) src(%arg12 : memref<40x128xf32, #tpu.memory_space<vmem>>) dst(%dma_wait3A_163 : memref<40x128xf32, #tpu.memory_space<vmem_shared>>)
        tpu.yield
      }) : () -> ()
      %mul3A_115 = arith.constant 1000 : i32
      %mul3A_116 = arith.muli %arg1, %mul3A_115 : i32
      %add3A_117 = arith.constant 600 : i32
      %add3A_118 = arith.addi %mul3A_116, %add3A_117 : i32
      "tpu.region"() ({
        %run_scoped3A_155 = tpu.sem_alloc : memref<!tpu.dma_semaphore, #tpu.memory_space<semaphore_mem>>
        %dma_start3A_156 = arith.constant 0 : i32
        %dma_start3A_157 = tpu.memref_slice %arg16[%add3A_118, %dma_start3A_156] : memref<10000x128xf32, #tpu.memory_space<vmem_shared>> -> memref<40x128xf32, #tpu.memory_space<vmem_shared>>
        %dma_start3A_158 = arith.constant 0 : i32
        %dma_start3A_159 = tpu.memref_slice %arg16[%add3A_118, %dma_start3A_158] : memref<10000x128xf32, #tpu.memory_space<vmem_shared>> -> memref<40x128xf32, #tpu.memory_space<vmem_shared>>
        tpu.enqueue_dma source(%arg12 : memref<40x128xf32, #tpu.memory_space<vmem>>) target(%dma_start3A_159 : memref<40x128xf32, #tpu.memory_space<vmem_shared>>) target_semaphore(%run_scoped3A_155 : memref<!tpu.dma_semaphore, #tpu.memory_space<semaphore_mem>>)
        %dma_wait3A_160 = arith.constant 0 : i32
        %dma_wait3A_161 = tpu.memref_slice %arg16[%add3A_118, %dma_wait3A_160] : memref<10000x128xf32, #tpu.memory_space<vmem_shared>> -> memref<40x128xf32, #tpu.memory_space<vmem_shared>>
        %dma_wait3A_162 = arith.constant 0 : i32
        %dma_wait3A_163 = tpu.memref_slice %arg16[%add3A_118, %dma_wait3A_162] : memref<10000x128xf32, #tpu.memory_space<vmem_shared>> -> memref<40x128xf32, #tpu.memory_space<vmem_shared>>
        tpu.wait_dma2 semaphore(%run_scoped3A_155 : memref<!tpu.dma_semaphore, #tpu.memory_space<semaphore_mem>>) src(%arg12 : memref<40x128xf32, #tpu.memory_space<vmem>>) dst(%dma_wait3A_163 : memref<40x128xf32, #tpu.memory_space<vmem_shared>>)
        tpu.yield
      }) : () -> ()
      %mul3A_119 = arith.constant 1000 : i32
      %mul3A_120 = arith.muli %arg1, %mul3A_119 : i32
      %add3A_121 = arith.constant 640 : i32
      %add3A_122 = arith.addi %mul3A_120, %add3A_121 : i32
      "tpu.region"() ({
        %run_scoped3A_155 = tpu.sem_alloc : memref<!tpu.dma_semaphore, #tpu.memory_space<semaphore_mem>>
        %dma_start3A_156 = arith.constant 0 : i32
        %dma_start3A_157 = tpu.memref_slice %arg16[%add3A_122, %dma_start3A_156] : memref<10000x128xf32, #tpu.memory_space<vmem_shared>> -> memref<40x128xf32, #tpu.memory_space<vmem_shared>>
        %dma_start3A_158 = arith.constant 0 : i32
        %dma_start3A_159 = tpu.memref_slice %arg16[%add3A_122, %dma_start3A_158] : memref<10000x128xf32, #tpu.memory_space<vmem_shared>> -> memref<40x128xf32, #tpu.memory_space<vmem_shared>>
        tpu.enqueue_dma source(%arg12 : memref<40x128xf32, #tpu.memory_space<vmem>>) target(%dma_start3A_159 : memref<40x128xf32, #tpu.memory_space<vmem_shared>>) target_semaphore(%run_scoped3A_155 : memref<!tpu.dma_semaphore, #tpu.memory_space<semaphore_mem>>)
        %dma_wait3A_160 = arith.constant 0 : i32
        %dma_wait3A_161 = tpu.memref_slice %arg16[%add3A_122, %dma_wait3A_160] : memref<10000x128xf32, #tpu.memory_space<vmem_shared>> -> memref<40x128xf32, #tpu.memory_space<vmem_shared>>
        %dma_wait3A_162 = arith.constant 0 : i32
        %dma_wait3A_163 = tpu.memref_slice %arg16[%add3A_122, %dma_wait3A_162] : memref<10000x128xf32, #tpu.memory_space<vmem_shared>> -> memref<40x128xf32, #tpu.memory_space<vmem_shared>>
        tpu.wait_dma2 semaphore(%run_scoped3A_155 : memref<!tpu.dma_semaphore, #tpu.memory_space<semaphore_mem>>) src(%arg12 : memref<40x128xf32, #tpu.memory_space<vmem>>) dst(%dma_wait3A_163 : memref<40x128xf32, #tpu.memory_space<vmem_shared>>)
        tpu.yield
      }) : () -> ()
      %mul3A_123 = arith.constant 1000 : i32
      %mul3A_124 = arith.muli %arg1, %mul3A_123 : i32
      %add3A_125 = arith.constant 680 : i32
      %add3A_126 = arith.addi %mul3A_124, %add3A_125 : i32
      "tpu.region"() ({
        %run_scoped3A_155 = tpu.sem_alloc : memref<!tpu.dma_semaphore, #tpu.memory_space<semaphore_mem>>
        %dma_start3A_156 = arith.constant 0 : i32
        %dma_start3A_157 = tpu.memref_slice %arg16[%add3A_126, %dma_start3A_156] : memref<10000x128xf32, #tpu.memory_space<vmem_shared>> -> memref<40x128xf32, #tpu.memory_space<vmem_shared>>
        %dma_start3A_158 = arith.constant 0 : i32
        %dma_start3A_159 = tpu.memref_slice %arg16[%add3A_126, %dma_start3A_158] : memref<10000x128xf32, #tpu.memory_space<vmem_shared>> -> memref<40x128xf32, #tpu.memory_space<vmem_shared>>
        tpu.enqueue_dma source(%arg12 : memref<40x128xf32, #tpu.memory_space<vmem>>) target(%dma_start3A_159 : memref<40x128xf32, #tpu.memory_space<vmem_shared>>) target_semaphore(%run_scoped3A_155 : memref<!tpu.dma_semaphore, #tpu.memory_space<semaphore_mem>>)
        %dma_wait3A_160 = arith.constant 0 : i32
        %dma_wait3A_161 = tpu.memref_slice %arg16[%add3A_126, %dma_wait3A_160] : memref<10000x128xf32, #tpu.memory_space<vmem_shared>> -> memref<40x128xf32, #tpu.memory_space<vmem_shared>>
        %dma_wait3A_162 = arith.constant 0 : i32
        %dma_wait3A_163 = tpu.memref_slice %arg16[%add3A_126, %dma_wait3A_162] : memref<10000x128xf32, #tpu.memory_space<vmem_shared>> -> memref<40x128xf32, #tpu.memory_space<vmem_shared>>
        tpu.wait_dma2 semaphore(%run_scoped3A_155 : memref<!tpu.dma_semaphore, #tpu.memory_space<semaphore_mem>>) src(%arg12 : memref<40x128xf32, #tpu.memory_space<vmem>>) dst(%dma_wait3A_163 : memref<40x128xf32, #tpu.memory_space<vmem_shared>>)
        tpu.yield
      }) : () -> ()
      %mul3A_127 = arith.constant 1000 : i32
      %mul3A_128 = arith.muli %arg1, %mul3A_127 : i32
      %add3A_129 = arith.constant 720 : i32
      %add3A_130 = arith.addi %mul3A_128, %add3A_129 : i32
      "tpu.region"() ({
        %run_scoped3A_155 = tpu.sem_alloc : memref<!tpu.dma_semaphore, #tpu.memory_space<semaphore_mem>>
        %dma_start3A_156 = arith.constant 0 : i32
        %dma_start3A_157 = tpu.memref_slice %arg16[%add3A_130, %dma_start3A_156] : memref<10000x128xf32, #tpu.memory_space<vmem_shared>> -> memref<40x128xf32, #tpu.memory_space<vmem_shared>>
        %dma_start3A_158 = arith.constant 0 : i32
        %dma_start3A_159 = tpu.memref_slice %arg16[%add3A_130, %dma_start3A_158] : memref<10000x128xf32, #tpu.memory_space<vmem_shared>> -> memref<40x128xf32, #tpu.memory_space<vmem_shared>>
        tpu.enqueue_dma source(%arg12 : memref<40x128xf32, #tpu.memory_space<vmem>>) target(%dma_start3A_159 : memref<40x128xf32, #tpu.memory_space<vmem_shared>>) target_semaphore(%run_scoped3A_155 : memref<!tpu.dma_semaphore, #tpu.memory_space<semaphore_mem>>)
        %dma_wait3A_160 = arith.constant 0 : i32
        %dma_wait3A_161 = tpu.memref_slice %arg16[%add3A_130, %dma_wait3A_160] : memref<10000x128xf32, #tpu.memory_space<vmem_shared>> -> memref<40x128xf32, #tpu.memory_space<vmem_shared>>
        %dma_wait3A_162 = arith.constant 0 : i32
        %dma_wait3A_163 = tpu.memref_slice %arg16[%add3A_130, %dma_wait3A_162] : memref<10000x128xf32, #tpu.memory_space<vmem_shared>> -> memref<40x128xf32, #tpu.memory_space<vmem_shared>>
        tpu.wait_dma2 semaphore(%run_scoped3A_155 : memref<!tpu.dma_semaphore, #tpu.memory_space<semaphore_mem>>) src(%arg12 : memref<40x128xf32, #tpu.memory_space<vmem>>) dst(%dma_wait3A_163 : memref<40x128xf32, #tpu.memory_space<vmem_shared>>)
        tpu.yield
      }) : () -> ()
      %mul3A_131 = arith.constant 1000 : i32
      %mul3A_132 = arith.muli %arg1, %mul3A_131 : i32
      %add3A_133 = arith.constant 760 : i32
      %add3A_134 = arith.addi %mul3A_132, %add3A_133 : i32
      "tpu.region"() ({
        %run_scoped3A_155 = tpu.sem_alloc : memref<!tpu.dma_semaphore, #tpu.memory_space<semaphore_mem>>
        %dma_start3A_156 = arith.constant 0 : i32
        %dma_start3A_157 = tpu.memref_slice %arg16[%add3A_134, %dma_start3A_156] : memref<10000x128xf32, #tpu.memory_space<vmem_shared>> -> memref<40x128xf32, #tpu.memory_space<vmem_shared>>
        %dma_start3A_158 = arith.constant 0 : i32
        %dma_start3A_159 = tpu.memref_slice %arg16[%add3A_134, %dma_start3A_158] : memref<10000x128xf32, #tpu.memory_space<vmem_shared>> -> memref<40x128xf32, #tpu.memory_space<vmem_shared>>
        tpu.enqueue_dma source(%arg12 : memref<40x128xf32, #tpu.memory_space<vmem>>) target(%dma_start3A_159 : memref<40x128xf32, #tpu.memory_space<vmem_shared>>) target_semaphore(%run_scoped3A_155 : memref<!tpu.dma_semaphore, #tpu.memory_space<semaphore_mem>>)
        %dma_wait3A_160 = arith.constant 0 : i32
        %dma_wait3A_161 = tpu.memref_slice %arg16[%add3A_134, %dma_wait3A_160] : memref<10000x128xf32, #tpu.memory_space<vmem_shared>> -> memref<40x128xf32, #tpu.memory_space<vmem_shared>>
        %dma_wait3A_162 = arith.constant 0 : i32
        %dma_wait3A_163 = tpu.memref_slice %arg16[%add3A_134, %dma_wait3A_162] : memref<10000x128xf32, #tpu.memory_space<vmem_shared>> -> memref<40x128xf32, #tpu.memory_space<vmem_shared>>
        tpu.wait_dma2 semaphore(%run_scoped3A_155 : memref<!tpu.dma_semaphore, #tpu.memory_space<semaphore_mem>>) src(%arg12 : memref<40x128xf32, #tpu.memory_space<vmem>>) dst(%dma_wait3A_163 : memref<40x128xf32, #tpu.memory_space<vmem_shared>>)
        tpu.yield
      }) : () -> ()
      %mul3A_135 = arith.constant 1000 : i32
      %mul3A_136 = arith.muli %arg1, %mul3A_135 : i32
      %add3A_137 = arith.constant 800 : i32
      %add3A_138 = arith.addi %mul3A_136, %add3A_137 : i32
      "tpu.region"() ({
        %run_scoped3A_155 = tpu.sem_alloc : memref<!tpu.dma_semaphore, #tpu.memory_space<semaphore_mem>>
        %dma_start3A_156 = arith.constant 0 : i32
        %dma_start3A_157 = tpu.memref_slice %arg16[%add3A_138, %dma_start3A_156] : memref<10000x128xf32, #tpu.memory_space<vmem_shared>> -> memref<40x128xf32, #tpu.memory_space<vmem_shared>>
        %dma_start3A_158 = arith.constant 0 : i32
        %dma_start3A_159 = tpu.memref_slice %arg16[%add3A_138, %dma_start3A_158] : memref<10000x128xf32, #tpu.memory_space<vmem_shared>> -> memref<40x128xf32, #tpu.memory_space<vmem_shared>>
        tpu.enqueue_dma source(%arg12 : memref<40x128xf32, #tpu.memory_space<vmem>>) target(%dma_start3A_159 : memref<40x128xf32, #tpu.memory_space<vmem_shared>>) target_semaphore(%run_scoped3A_155 : memref<!tpu.dma_semaphore, #tpu.memory_space<semaphore_mem>>)
        %dma_wait3A_160 = arith.constant 0 : i32
        %dma_wait3A_161 = tpu.memref_slice %arg16[%add3A_138, %dma_wait3A_160] : memref<10000x128xf32, #tpu.memory_space<vmem_shared>> -> memref<40x128xf32, #tpu.memory_space<vmem_shared>>
        %dma_wait3A_162 = arith.constant 0 : i32
        %dma_wait3A_163 = tpu.memref_slice %arg16[%add3A_138, %dma_wait3A_162] : memref<10000x128xf32, #tpu.memory_space<vmem_shared>> -> memref<40x128xf32, #tpu.memory_space<vmem_shared>>
        tpu.wait_dma2 semaphore(%run_scoped3A_155 : memref<!tpu.dma_semaphore, #tpu.memory_space<semaphore_mem>>) src(%arg12 : memref<40x128xf32, #tpu.memory_space<vmem>>) dst(%dma_wait3A_163 : memref<40x128xf32, #tpu.memory_space<vmem_shared>>)
        tpu.yield
      }) : () -> ()
      %mul3A_139 = arith.constant 1000 : i32
      %mul3A_140 = arith.muli %arg1, %mul3A_139 : i32
      %add3A_141 = arith.constant 840 : i32
      %add3A_142 = arith.addi %mul3A_140, %add3A_141 : i32
      "tpu.region"() ({
        %run_scoped3A_155 = tpu.sem_alloc : memref<!tpu.dma_semaphore, #tpu.memory_space<semaphore_mem>>
        %dma_start3A_156 = arith.constant 0 : i32
        %dma_start3A_157 = tpu.memref_slice %arg16[%add3A_142, %dma_start3A_156] : memref<10000x128xf32, #tpu.memory_space<vmem_shared>> -> memref<40x128xf32, #tpu.memory_space<vmem_shared>>
        %dma_start3A_158 = arith.constant 0 : i32
        %dma_start3A_159 = tpu.memref_slice %arg16[%add3A_142, %dma_start3A_158] : memref<10000x128xf32, #tpu.memory_space<vmem_shared>> -> memref<40x128xf32, #tpu.memory_space<vmem_shared>>
        tpu.enqueue_dma source(%arg12 : memref<40x128xf32, #tpu.memory_space<vmem>>) target(%dma_start3A_159 : memref<40x128xf32, #tpu.memory_space<vmem_shared>>) target_semaphore(%run_scoped3A_155 : memref<!tpu.dma_semaphore, #tpu.memory_space<semaphore_mem>>)
        %dma_wait3A_160 = arith.constant 0 : i32
        %dma_wait3A_161 = tpu.memref_slice %arg16[%add3A_142, %dma_wait3A_160] : memref<10000x128xf32, #tpu.memory_space<vmem_shared>> -> memref<40x128xf32, #tpu.memory_space<vmem_shared>>
        %dma_wait3A_162 = arith.constant 0 : i32
        %dma_wait3A_163 = tpu.memref_slice %arg16[%add3A_142, %dma_wait3A_162] : memref<10000x128xf32, #tpu.memory_space<vmem_shared>> -> memref<40x128xf32, #tpu.memory_space<vmem_shared>>
        tpu.wait_dma2 semaphore(%run_scoped3A_155 : memref<!tpu.dma_semaphore, #tpu.memory_space<semaphore_mem>>) src(%arg12 : memref<40x128xf32, #tpu.memory_space<vmem>>) dst(%dma_wait3A_163 : memref<40x128xf32, #tpu.memory_space<vmem_shared>>)
        tpu.yield
      }) : () -> ()
      %mul3A_143 = arith.constant 1000 : i32
      %mul3A_144 = arith.muli %arg1, %mul3A_143 : i32
      %add3A_145 = arith.constant 880 : i32
      %add3A_146 = arith.addi %mul3A_144, %add3A_145 : i32
      "tpu.region"() ({
        %run_scoped3A_155 = tpu.sem_alloc : memref<!tpu.dma_semaphore, #tpu.memory_space<semaphore_mem>>
        %dma_start3A_156 = arith.constant 0 : i32
        %dma_start3A_157 = tpu.memref_slice %arg16[%add3A_146, %dma_start3A_156] : memref<10000x128xf32, #tpu.memory_space<vmem_shared>> -> memref<40x128xf32, #tpu.memory_space<vmem_shared>>
        %dma_start3A_158 = arith.constant 0 : i32
        %dma_start3A_159 = tpu.memref_slice %arg16[%add3A_146, %dma_start3A_158] : memref<10000x128xf32, #tpu.memory_space<vmem_shared>> -> memref<40x128xf32, #tpu.memory_space<vmem_shared>>
        tpu.enqueue_dma source(%arg12 : memref<40x128xf32, #tpu.memory_space<vmem>>) target(%dma_start3A_159 : memref<40x128xf32, #tpu.memory_space<vmem_shared>>) target_semaphore(%run_scoped3A_155 : memref<!tpu.dma_semaphore, #tpu.memory_space<semaphore_mem>>)
        %dma_wait3A_160 = arith.constant 0 : i32
        %dma_wait3A_161 = tpu.memref_slice %arg16[%add3A_146, %dma_wait3A_160] : memref<10000x128xf32, #tpu.memory_space<vmem_shared>> -> memref<40x128xf32, #tpu.memory_space<vmem_shared>>
        %dma_wait3A_162 = arith.constant 0 : i32
        %dma_wait3A_163 = tpu.memref_slice %arg16[%add3A_146, %dma_wait3A_162] : memref<10000x128xf32, #tpu.memory_space<vmem_shared>> -> memref<40x128xf32, #tpu.memory_space<vmem_shared>>
        tpu.wait_dma2 semaphore(%run_scoped3A_155 : memref<!tpu.dma_semaphore, #tpu.memory_space<semaphore_mem>>) src(%arg12 : memref<40x128xf32, #tpu.memory_space<vmem>>) dst(%dma_wait3A_163 : memref<40x128xf32, #tpu.memory_space<vmem_shared>>)
        tpu.yield
      }) : () -> ()
      %mul3A_147 = arith.constant 1000 : i32
      %mul3A_148 = arith.muli %arg1, %mul3A_147 : i32
      %add3A_149 = arith.constant 920 : i32
      %add3A_150 = arith.addi %mul3A_148, %add3A_149 : i32
      "tpu.region"() ({
        %run_scoped3A_155 = tpu.sem_alloc : memref<!tpu.dma_semaphore, #tpu.memory_space<semaphore_mem>>
        %dma_start3A_156 = arith.constant 0 : i32
        %dma_start3A_157 = tpu.memref_slice %arg16[%add3A_150, %dma_start3A_156] : memref<10000x128xf32, #tpu.memory_space<vmem_shared>> -> memref<40x128xf32, #tpu.memory_space<vmem_shared>>
        %dma_start3A_158 = arith.constant 0 : i32
        %dma_start3A_159 = tpu.memref_slice %arg16[%add3A_150, %dma_start3A_158] : memref<10000x128xf32, #tpu.memory_space<vmem_shared>> -> memref<40x128xf32, #tpu.memory_space<vmem_shared>>
        tpu.enqueue_dma source(%arg12 : memref<40x128xf32, #tpu.memory_space<vmem>>) target(%dma_start3A_159 : memref<40x128xf32, #tpu.memory_space<vmem_shared>>) target_semaphore(%run_scoped3A_155 : memref<!tpu.dma_semaphore, #tpu.memory_space<semaphore_mem>>)
        %dma_wait3A_160 = arith.constant 0 : i32
        %dma_wait3A_161 = tpu.memref_slice %arg16[%add3A_150, %dma_wait3A_160] : memref<10000x128xf32, #tpu.memory_space<vmem_shared>> -> memref<40x128xf32, #tpu.memory_space<vmem_shared>>
        %dma_wait3A_162 = arith.constant 0 : i32
        %dma_wait3A_163 = tpu.memref_slice %arg16[%add3A_150, %dma_wait3A_162] : memref<10000x128xf32, #tpu.memory_space<vmem_shared>> -> memref<40x128xf32, #tpu.memory_space<vmem_shared>>
        tpu.wait_dma2 semaphore(%run_scoped3A_155 : memref<!tpu.dma_semaphore, #tpu.memory_space<semaphore_mem>>) src(%arg12 : memref<40x128xf32, #tpu.memory_space<vmem>>) dst(%dma_wait3A_163 : memref<40x128xf32, #tpu.memory_space<vmem_shared>>)
        tpu.yield
      }) : () -> ()
      %mul3A_151 = arith.constant 1000 : i32
      %mul3A_152 = arith.muli %arg1, %mul3A_151 : i32
      %add3A_153 = arith.constant 960 : i32
      %add3A_154 = arith.addi %mul3A_152, %add3A_153 : i32
      "tpu.region"() ({
        %run_scoped3A_155 = tpu.sem_alloc : memref<!tpu.dma_semaphore, #tpu.memory_space<semaphore_mem>>
        %dma_start3A_156 = arith.constant 0 : i32
        %dma_start3A_157 = tpu.memref_slice %arg16[%add3A_154, %dma_start3A_156] : memref<10000x128xf32, #tpu.memory_space<vmem_shared>> -> memref<40x128xf32, #tpu.memory_space<vmem_shared>>
        %dma_start3A_158 = arith.constant 0 : i32
        %dma_start3A_159 = tpu.memref_slice %arg16[%add3A_154, %dma_start3A_158] : memref<10000x128xf32, #tpu.memory_space<vmem_shared>> -> memref<40x128xf32, #tpu.memory_space<vmem_shared>>
        tpu.enqueue_dma source(%arg12 : memref<40x128xf32, #tpu.memory_space<vmem>>) target(%dma_start3A_159 : memref<40x128xf32, #tpu.memory_space<vmem_shared>>) target_semaphore(%run_scoped3A_155 : memref<!tpu.dma_semaphore, #tpu.memory_space<semaphore_mem>>)
        %dma_wait3A_160 = arith.constant 0 : i32
        %dma_wait3A_161 = tpu.memref_slice %arg16[%add3A_154, %dma_wait3A_160] : memref<10000x128xf32, #tpu.memory_space<vmem_shared>> -> memref<40x128xf32, #tpu.memory_space<vmem_shared>>
        %dma_wait3A_162 = arith.constant 0 : i32
        %dma_wait3A_163 = tpu.memref_slice %arg16[%add3A_154, %dma_wait3A_162] : memref<10000x128xf32, #tpu.memory_space<vmem_shared>> -> memref<40x128xf32, #tpu.memory_space<vmem_shared>>
        tpu.wait_dma2 semaphore(%run_scoped3A_155 : memref<!tpu.dma_semaphore, #tpu.memory_space<semaphore_mem>>) src(%arg12 : memref<40x128xf32, #tpu.memory_space<vmem>>) dst(%dma_wait3A_163 : memref<40x128xf32, #tpu.memory_space<vmem_shared>>)
        tpu.yield
      }) : () -> ()
    } else {
    }
    %barrier3A = arith.constant 0 : index
    tpu.barrier barrier_id(%barrier3A)
    %run_scoped3A = arith.constant 0 : i32
    %run_scoped3A_5 = arith.constant 0 : i32
    "tpu.region"() ({
      %run_scoped3A_48 = tpu.sem_alloc : memref<!tpu.dma_semaphore, #tpu.memory_space<semaphore_mem>>
      %dma_start3A_49 = arith.constant 0 : i32
      %dma_start3A_50 = arith.constant 0 : i32
      %dma_start3A_51 = tpu.memref_slice %arg8[%run_scoped3A_5, %dma_start3A_49, %dma_start3A_50] : memref<2x25x40xi32, #tpu.memory_space<vmem>> -> memref<1x25x40xi32, #tpu.memory_space<vmem>>
      %dma_start3A_52 = tpu.memref_squeeze %dma_start3A_51 : memref<1x25x40xi32, #tpu.memory_space<vmem>> -> memref<25x40xi32, #tpu.memory_space<vmem>>
      %dma_start3A_53 = arith.constant 0 : i32
      %dma_start3A_54 = arith.constant 0 : i32
      %dma_start3A_55 = tpu.memref_slice %arg5[%add3A, %run_scoped3A, %dma_start3A_53, %dma_start3A_54] : memref<32x10x25x40xi32, #tpu.memory_space<hbm>> -> memref<1x1x25x40xi32, #tpu.memory_space<hbm>>
      %dma_start3A_56 = tpu.memref_squeeze %dma_start3A_55 : memref<1x1x25x40xi32, #tpu.memory_space<hbm>> -> memref<25x40xi32, #tpu.memory_space<hbm>>
      %dma_start3A_57 = arith.constant 0 : i32
      %dma_start3A_58 = arith.constant 0 : i32
      %dma_start3A_59 = tpu.memref_slice %arg8[%run_scoped3A_5, %dma_start3A_57, %dma_start3A_58] : memref<2x25x40xi32, #tpu.memory_space<vmem>> -> memref<1x25x40xi32, #tpu.memory_space<vmem>>
      %dma_start3A_60 = tpu.memref_squeeze %dma_start3A_59 : memref<1x25x40xi32, #tpu.memory_space<vmem>> -> memref<25x40xi32, #tpu.memory_space<vmem>>
      %dma_start3A_61 = arith.constant 0 : i32
      %dma_start3A_62 = arith.constant 0 : i32
      %dma_start3A_63 = tpu.memref_slice %arg5[%add3A, %run_scoped3A, %dma_start3A_61, %dma_start3A_62] : memref<32x10x25x40xi32, #tpu.memory_space<hbm>> -> memref<1x1x25x40xi32, #tpu.memory_space<hbm>>
      %dma_start3A_64 = tpu.memref_squeeze %dma_start3A_63 : memref<1x1x25x40xi32, #tpu.memory_space<hbm>> -> memref<25x40xi32, #tpu.memory_space<hbm>>
      tpu.enqueue_dma source(%dma_start3A_64 : memref<25x40xi32, #tpu.memory_space<hbm>>) target(%dma_start3A_60 : memref<25x40xi32, #tpu.memory_space<vmem>>) target_semaphore(%run_scoped3A_48 : memref<!tpu.dma_semaphore, #tpu.memory_space<semaphore_mem>>)
      %dma_wait3A_65 = arith.constant 0 : i32
      %dma_wait3A_66 = arith.constant 0 : i32
      %dma_wait3A_67 = tpu.memref_slice %arg8[%run_scoped3A_5, %dma_wait3A_65, %dma_wait3A_66] : memref<2x25x40xi32, #tpu.memory_space<vmem>> -> memref<1x25x40xi32, #tpu.memory_space<vmem>>
      %dma_wait3A_68 = tpu.memref_squeeze %dma_wait3A_67 : memref<1x25x40xi32, #tpu.memory_space<vmem>> -> memref<25x40xi32, #tpu.memory_space<vmem>>
      %dma_wait3A_69 = arith.constant 0 : i32
      %dma_wait3A_70 = arith.constant 0 : i32
      %dma_wait3A_71 = tpu.memref_slice %arg5[%add3A, %run_scoped3A, %dma_wait3A_69, %dma_wait3A_70] : memref<32x10x25x40xi32, #tpu.memory_space<hbm>> -> memref<1x1x25x40xi32, #tpu.memory_space<hbm>>
      %dma_wait3A_72 = tpu.memref_squeeze %dma_wait3A_71 : memref<1x1x25x40xi32, #tpu.memory_space<hbm>> -> memref<25x40xi32, #tpu.memory_space<hbm>>
      %dma_wait3A_73 = arith.constant 0 : i32
      %dma_wait3A_74 = arith.constant 0 : i32
      %dma_wait3A_75 = tpu.memref_slice %arg8[%run_scoped3A_5, %dma_wait3A_73, %dma_wait3A_74] : memref<2x25x40xi32, #tpu.memory_space<vmem>> -> memref<1x25x40xi32, #tpu.memory_space<vmem>>
      %dma_wait3A_76 = tpu.memref_squeeze %dma_wait3A_75 : memref<1x25x40xi32, #tpu.memory_space<vmem>> -> memref<25x40xi32, #tpu.memory_space<vmem>>
      %dma_wait3A_77 = arith.constant 0 : i32
      %dma_wait3A_78 = arith.constant 0 : i32
      %dma_wait3A_79 = tpu.memref_slice %arg5[%add3A, %run_scoped3A, %dma_wait3A_77, %dma_wait3A_78] : memref<32x10x25x40xi32, #tpu.memory_space<hbm>> -> memref<1x1x25x40xi32, #tpu.memory_space<hbm>>
      %dma_wait3A_80 = tpu.memref_squeeze %dma_wait3A_79 : memref<1x1x25x40xi32, #tpu.memory_space<hbm>> -> memref<25x40xi32, #tpu.memory_space<hbm>>
      tpu.wait_dma2 semaphore(%run_scoped3A_48 : memref<!tpu.dma_semaphore, #tpu.memory_space<semaphore_mem>>) src(%dma_wait3A_80 : memref<25x40xi32, #tpu.memory_space<hbm>>) dst(%dma_wait3A_76 : memref<25x40xi32, #tpu.memory_space<vmem>>)
      tpu.yield
    }) : () -> ()
    %run_scoped3A_6 = arith.constant 0 : i32
    %run_scoped3A_7 = arith.constant 0 : i32
    "tpu.region"() ({
      %run_scoped3A_48 = tpu.sem_alloc : memref<!tpu.dma_semaphore, #tpu.memory_space<semaphore_mem>>
      %dma_start3A_49 = arith.constant 0 : i32
      %dma_start3A_50 = arith.constant 0 : i32
      %dma_start3A_51 = tpu.memref_slice %arg9[%run_scoped3A_7, %dma_start3A_49, %dma_start3A_50] : memref<2x25x40xi32, #tpu.memory_space<vmem>> -> memref<1x25x40xi32, #tpu.memory_space<vmem>>
      %dma_start3A_52 = tpu.memref_squeeze %dma_start3A_51 : memref<1x25x40xi32, #tpu.memory_space<vmem>> -> memref<25x40xi32, #tpu.memory_space<vmem>>
      %dma_start3A_53 = arith.constant 0 : i32
      %dma_start3A_54 = arith.constant 0 : i32
      %dma_start3A_55 = tpu.memref_slice %arg6[%add3A, %run_scoped3A_6, %dma_start3A_53, %dma_start3A_54] : memref<32x10x25x40xi32, #tpu.memory_space<hbm>> -> memref<1x1x25x40xi32, #tpu.memory_space<hbm>>
      %dma_start3A_56 = tpu.memref_squeeze %dma_start3A_55 : memref<1x1x25x40xi32, #tpu.memory_space<hbm>> -> memref<25x40xi32, #tpu.memory_space<hbm>>
      %dma_start3A_57 = arith.constant 0 : i32
      %dma_start3A_58 = arith.constant 0 : i32
      %dma_start3A_59 = tpu.memref_slice %arg9[%run_scoped3A_7, %dma_start3A_57, %dma_start3A_58] : memref<2x25x40xi32, #tpu.memory_space<vmem>> -> memref<1x25x40xi32, #tpu.memory_space<vmem>>
      %dma_start3A_60 = tpu.memref_squeeze %dma_start3A_59 : memref<1x25x40xi32, #tpu.memory_space<vmem>> -> memref<25x40xi32, #tpu.memory_space<vmem>>
      %dma_start3A_61 = arith.constant 0 : i32
      %dma_start3A_62 = arith.constant 0 : i32
      %dma_start3A_63 = tpu.memref_slice %arg6[%add3A, %run_scoped3A_6, %dma_start3A_61, %dma_start3A_62] : memref<32x10x25x40xi32, #tpu.memory_space<hbm>> -> memref<1x1x25x40xi32, #tpu.memory_space<hbm>>
      %dma_start3A_64 = tpu.memref_squeeze %dma_start3A_63 : memref<1x1x25x40xi32, #tpu.memory_space<hbm>> -> memref<25x40xi32, #tpu.memory_space<hbm>>
      tpu.enqueue_dma source(%dma_start3A_64 : memref<25x40xi32, #tpu.memory_space<hbm>>) target(%dma_start3A_60 : memref<25x40xi32, #tpu.memory_space<vmem>>) target_semaphore(%run_scoped3A_48 : memref<!tpu.dma_semaphore, #tpu.memory_space<semaphore_mem>>)
      %dma_wait3A_65 = arith.constant 0 : i32
      %dma_wait3A_66 = arith.constant 0 : i32
      %dma_wait3A_67 = tpu.memref_slice %arg9[%run_scoped3A_7, %dma_wait3A_65, %dma_wait3A_66] : memref<2x25x40xi32, #tpu.memory_space<vmem>> -> memref<1x25x40xi32, #tpu.memory_space<vmem>>
      %dma_wait3A_68 = tpu.memref_squeeze %dma_wait3A_67 : memref<1x25x40xi32, #tpu.memory_space<vmem>> -> memref<25x40xi32, #tpu.memory_space<vmem>>
      %dma_wait3A_69 = arith.constant 0 : i32
      %dma_wait3A_70 = arith.constant 0 : i32
      %dma_wait3A_71 = tpu.memref_slice %arg6[%add3A, %run_scoped3A_6, %dma_wait3A_69, %dma_wait3A_70] : memref<32x10x25x40xi32, #tpu.memory_space<hbm>> -> memref<1x1x25x40xi32, #tpu.memory_space<hbm>>
      %dma_wait3A_72 = tpu.memref_squeeze %dma_wait3A_71 : memref<1x1x25x40xi32, #tpu.memory_space<hbm>> -> memref<25x40xi32, #tpu.memory_space<hbm>>
      %dma_wait3A_73 = arith.constant 0 : i32
      %dma_wait3A_74 = arith.constant 0 : i32
      %dma_wait3A_75 = tpu.memref_slice %arg9[%run_scoped3A_7, %dma_wait3A_73, %dma_wait3A_74] : memref<2x25x40xi32, #tpu.memory_space<vmem>> -> memref<1x25x40xi32, #tpu.memory_space<vmem>>
      %dma_wait3A_76 = tpu.memref_squeeze %dma_wait3A_75 : memref<1x25x40xi32, #tpu.memory_space<vmem>> -> memref<25x40xi32, #tpu.memory_space<vmem>>
      %dma_wait3A_77 = arith.constant 0 : i32
      %dma_wait3A_78 = arith.constant 0 : i32
      %dma_wait3A_79 = tpu.memref_slice %arg6[%add3A, %run_scoped3A_6, %dma_wait3A_77, %dma_wait3A_78] : memref<32x10x25x40xi32, #tpu.memory_space<hbm>> -> memref<1x1x25x40xi32, #tpu.memory_space<hbm>>
      %dma_wait3A_80 = tpu.memref_squeeze %dma_wait3A_79 : memref<1x1x25x40xi32, #tpu.memory_space<hbm>> -> memref<25x40xi32, #tpu.memory_space<hbm>>
      tpu.wait_dma2 semaphore(%run_scoped3A_48 : memref<!tpu.dma_semaphore, #tpu.memory_space<semaphore_mem>>) src(%dma_wait3A_80 : memref<25x40xi32, #tpu.memory_space<hbm>>) dst(%dma_wait3A_76 : memref<25x40xi32, #tpu.memory_space<vmem>>)
      tpu.yield
    }) : () -> ()
    %rem3A = arith.constant 0 : i32
    %rem3A_8 = arith.constant 2 : i32
    %rem3A_9 = arith.remsi %rem3A, %rem3A_8 : i32
    %rem3A_10 = arith.constant 0 : i32
    %rem3A_11 = arith.constant 25 : i32
    %rem3A_12 = arith.remsi %rem3A_10, %rem3A_11 : i32
    %dma_start3A = arith.constant 0 : i32
    %dma_start3A_13 = tpu.memref_slice %arg8[%rem3A_9, %rem3A_12, %dma_start3A] : memref<2x25x40xi32, #tpu.memory_space<vmem>> -> memref<1x1x40xi32, #tpu.memory_space<vmem>>
    %dma_start3A_14 = tpu.memref_squeeze %dma_start3A_13 : memref<1x1x40xi32, #tpu.memory_space<vmem>> -> memref<40xi32, #tpu.memory_space<vmem>>
    %dma_start3A_15 = arith.constant 0 : i32
    %dma_start3A_16 = arith.constant 0 : i32
    %dma_start3A_17 = tpu.memref_slice %arg2[%dma_start3A_15, %dma_start3A_16] : memref<10000x128xf32, #tpu.memory_space<hbm>> -> memref<10000x128xf32, #tpu.memory_space<hbm>>
    tpu.enqueue_indirect_dma source(%dma_start3A_17 : memref<10000x128xf32, #tpu.memory_space<hbm>>) target(%arg10 : memref<40x128xf32, #tpu.memory_space<vmem>>) offsets(%dma_start3A_14 : memref<40xi32, #tpu.memory_space<vmem>>) semaphore(%arg17 : memref<!tpu.dma_semaphore, #tpu.memory_space<semaphore_mem>>)
    %dma_start3A_18 = arith.constant 0 : i32
    %dma_start3A_19 = tpu.memref_slice %arg9[%rem3A_9, %rem3A_12, %dma_start3A_18] : memref<2x25x40xi32, #tpu.memory_space<vmem>> -> memref<1x1x40xi32, #tpu.memory_space<vmem>>
    %dma_start3A_20 = tpu.memref_squeeze %dma_start3A_19 : memref<1x1x40xi32, #tpu.memory_space<vmem>> -> memref<40xi32, #tpu.memory_space<vmem>>
    %dma_start3A_21 = arith.constant 0 : i32
    %dma_start3A_22 = arith.constant 0 : i32
    %dma_start3A_23 = tpu.memref_slice %arg3[%dma_start3A_21, %dma_start3A_22] : memref<10000x128xf32, #tpu.memory_space<hbm>> -> memref<10000x128xf32, #tpu.memory_space<hbm>>
    tpu.enqueue_indirect_dma source(%dma_start3A_23 : memref<10000x128xf32, #tpu.memory_space<hbm>>) target(%arg11 : memref<40x128xf32, #tpu.memory_space<vmem>>) offsets(%dma_start3A_20 : memref<40xi32, #tpu.memory_space<vmem>>) semaphore(%arg17 : memref<!tpu.dma_semaphore, #tpu.memory_space<semaphore_mem>>)
    %add3A_24 = arith.constant 0 : i32
    %add3A_25 = arith.addi %mul3A_2, %add3A_24 : i32
    %dma_start3A_26 = arith.constant 0 : i32
    %dma_start3A_27 = tpu.memref_slice %arg4[%add3A_25, %dma_start3A_26] : memref<320000x128xf32, #tpu.memory_space<hbm>> -> memref<40x128xf32, #tpu.memory_space<hbm>>
    %dma_start3A_28 = arith.constant 0 : i32
    %dma_start3A_29 = tpu.memref_slice %arg4[%add3A_25, %dma_start3A_28] : memref<320000x128xf32, #tpu.memory_space<hbm>> -> memref<40x128xf32, #tpu.memory_space<hbm>>
    tpu.enqueue_dma source(%dma_start3A_29 : memref<40x128xf32, #tpu.memory_space<hbm>>) target(%arg12 : memref<40x128xf32, #tpu.memory_space<vmem>>) target_semaphore(%arg17 : memref<!tpu.dma_semaphore, #tpu.memory_space<semaphore_mem>>)
    %broadcast_in_dim3A = arith.constant 0.000000e+00 : f32
    %broadcast_in_dim3A_30 = vector.broadcast %broadcast_in_dim3A : f32 to vector<16xf32>
    %scan3A = arith.constant 0 : i32
    %scan3A_31 = arith.constant 0 : i32
    %scan3A_32 = arith.constant 125 : i32
    %scan3A_33 = arith.addi %scan3A_31, %scan3A_32 : i32
    %scan3A_34 = arith.constant 1 : i32
    %scan3A_35 = scf.for %scan3A_48 = %scan3A_31 to %scan3A_33 step %scan3A_34 iter_args(%scan3A_49 = %scan3A) -> (i32)  : i32 {
      %mul3A_50 = arith.constant 2 : i32
      %mul3A_51 = arith.muli %mul3A_50, %scan3A_48 : i32
      %ge3A = arith.constant 1 : i32
      %ge3A_52 = arith.cmpi sge, %mul3A_51, %ge3A : i32
      %convert_element_type3A_53 = arith.extui %ge3A_52 : i1 to i32
      %cond3A_54 = arith.constant 0 : i32
      %cond3A_55 = arith.cmpi ne, %convert_element_type3A_53, %cond3A_54 : i32
      scf.if %cond3A_55 {
        %dma_wait3A_189 = arith.constant 0 : i32
        %dma_wait3A_190 = arith.constant 0 : i32
        %dma_wait3A_191 = tpu.memref_slice %arg4[%dma_wait3A_189, %dma_wait3A_190] : memref<320000x128xf32, #tpu.memory_space<hbm>> -> memref<40x128xf32, #tpu.memory_space<hbm>>
        %dma_wait3A_192 = arith.constant 0 : i32
        %dma_wait3A_193 = arith.constant 0 : i32
        %dma_wait3A_194 = tpu.memref_slice %arg4[%dma_wait3A_192, %dma_wait3A_193] : memref<320000x128xf32, #tpu.memory_space<hbm>> -> memref<40x128xf32, #tpu.memory_space<hbm>>
        tpu.wait_dma2 semaphore(%arg20 : memref<!tpu.dma_semaphore, #tpu.memory_space<semaphore_mem>>) src(%dma_wait3A_194 : memref<40x128xf32, #tpu.memory_space<hbm>>) dst(%arg13 : memref<40x128xf32, #tpu.memory_space<vmem>>)
      } else {
      }
      %add3A_56 = arith.constant 1 : i32
      %add3A_57 = arith.addi %mul3A_51, %add3A_56 : i32
      %lt3A_58 = arith.constant 250 : i32
      %lt3A_59 = arith.cmpi slt, %add3A_57, %lt3A_58 : i32
      %convert_element_type3A_60 = arith.extui %lt3A_59 : i1 to i32
      %cond3A_61 = arith.constant 0 : i32
      %cond3A_62 = arith.cmpi ne, %convert_element_type3A_60, %cond3A_61 : i32
      scf.if %cond3A_62 {
        %add3A_189 = arith.constant 1 : i32
        %add3A_190 = arith.addi %mul3A_51, %add3A_189 : i32
        %jit3A_191 = arith.constant 25 : i32
        %div3A_192 = arith.divsi %add3A_190, %jit3A_191 : i32
        %sign3A_193 = arith.constant 0 : i32
        %sign3A_194 = arith.cmpi sgt, %add3A_190, %sign3A_193 : i32
        %sign3A_195 = arith.extui %sign3A_194 : i1 to i32
        %sign3A_196 = arith.constant 0 : i32
        %sign3A_197 = arith.cmpi slt, %add3A_190, %sign3A_196 : i32
        %sign3A_198 = arith.extui %sign3A_197 : i1 to i32
        %sign3A_199 = arith.subi %sign3A_195, %sign3A_198 : i32
        %sign3A_200 = arith.constant 0 : i32
        %sign3A_201 = arith.cmpi sgt, %jit3A_191, %sign3A_200 : i32
        %sign3A_202 = arith.extui %sign3A_201 : i1 to i32
        %sign3A_203 = arith.constant 0 : i32
        %sign3A_204 = arith.cmpi slt, %jit3A_191, %sign3A_203 : i32
        %sign3A_205 = arith.extui %sign3A_204 : i1 to i32
        %sign3A_206 = arith.subi %sign3A_202, %sign3A_205 : i32
        %ne3A_207 = arith.cmpi ne, %sign3A_199, %sign3A_206 : i32
        %rem3A_208 = arith.remsi %add3A_190, %jit3A_191 : i32
        %ne3A_209 = arith.constant 0 : i32
        %ne3A_210 = arith.cmpi ne, %rem3A_208, %ne3A_209 : i32
        %and3A_211 = arith.andi %ne3A_207, %ne3A_210 : i1
        %sub3A_212 = arith.constant 1 : i32
        %sub3A_213 = arith.subi %div3A_192, %sub3A_212 : i32
        %select_n3A_214 = arith.select %and3A_211, %sub3A_213, %div3A_192 : i32
        %add3A_215 = arith.constant 1 : i32
        %add3A_216 = arith.addi %mul3A_51, %add3A_215 : i32
        %rem3A_217 = arith.constant 25 : i32
        %rem3A_218 = arith.remsi %add3A_216, %rem3A_217 : i32
        %eq3A = arith.constant 0 : i32
        %eq3A_219 = arith.cmpi eq, %rem3A_218, %eq3A : i32
        %convert_element_type3A_220 = arith.extui %eq3A_219 : i1 to i32
        %cond3A_221 = arith.constant 0 : i32
        %cond3A_222 = arith.cmpi ne, %convert_element_type3A_220, %cond3A_221 : i32
        scf.if %cond3A_222 {
          %rem3A_272 = arith.constant 2 : i32
          %rem3A_273 = arith.remsi %select_n3A_214, %rem3A_272 : i32
          "tpu.region"() ({
            %run_scoped3A_274 = tpu.sem_alloc : memref<!tpu.dma_semaphore, #tpu.memory_space<semaphore_mem>>
            %dma_start3A_275 = arith.constant 0 : i32
            %dma_start3A_276 = arith.constant 0 : i32
            %dma_start3A_277 = tpu.memref_slice %arg8[%rem3A_273, %dma_start3A_275, %dma_start3A_276] : memref<2x25x40xi32, #tpu.memory_space<vmem>> -> memref<1x25x40xi32, #tpu.memory_space<vmem>>
            %dma_start3A_278 = tpu.memref_squeeze %dma_start3A_277 : memref<1x25x40xi32, #tpu.memory_space<vmem>> -> memref<25x40xi32, #tpu.memory_space<vmem>>
            %dma_start3A_279 = arith.constant 0 : i32
            %dma_start3A_280 = arith.constant 0 : i32
            %dma_start3A_281 = tpu.memref_slice %arg5[%add3A, %select_n3A_214, %dma_start3A_279, %dma_start3A_280] : memref<32x10x25x40xi32, #tpu.memory_space<hbm>> -> memref<1x1x25x40xi32, #tpu.memory_space<hbm>>
            %dma_start3A_282 = tpu.memref_squeeze %dma_start3A_281 : memref<1x1x25x40xi32, #tpu.memory_space<hbm>> -> memref<25x40xi32, #tpu.memory_space<hbm>>
            %dma_start3A_283 = arith.constant 0 : i32
            %dma_start3A_284 = arith.constant 0 : i32
            %dma_start3A_285 = tpu.memref_slice %arg8[%rem3A_273, %dma_start3A_283, %dma_start3A_284] : memref<2x25x40xi32, #tpu.memory_space<vmem>> -> memref<1x25x40xi32, #tpu.memory_space<vmem>>
            %dma_start3A_286 = tpu.memref_squeeze %dma_start3A_285 : memref<1x25x40xi32, #tpu.memory_space<vmem>> -> memref<25x40xi32, #tpu.memory_space<vmem>>
            %dma_start3A_287 = arith.constant 0 : i32
            %dma_start3A_288 = arith.constant 0 : i32
            %dma_start3A_289 = tpu.memref_slice %arg5[%add3A, %select_n3A_214, %dma_start3A_287, %dma_start3A_288] : memref<32x10x25x40xi32, #tpu.memory_space<hbm>> -> memref<1x1x25x40xi32, #tpu.memory_space<hbm>>
            %dma_start3A_290 = tpu.memref_squeeze %dma_start3A_289 : memref<1x1x25x40xi32, #tpu.memory_space<hbm>> -> memref<25x40xi32, #tpu.memory_space<hbm>>
            tpu.enqueue_dma source(%dma_start3A_290 : memref<25x40xi32, #tpu.memory_space<hbm>>) target(%dma_start3A_286 : memref<25x40xi32, #tpu.memory_space<vmem>>) target_semaphore(%run_scoped3A_274 : memref<!tpu.dma_semaphore, #tpu.memory_space<semaphore_mem>>)
            %dma_wait3A_291 = arith.constant 0 : i32
            %dma_wait3A_292 = arith.constant 0 : i32
            %dma_wait3A_293 = tpu.memref_slice %arg8[%rem3A_273, %dma_wait3A_291, %dma_wait3A_292] : memref<2x25x40xi32, #tpu.memory_space<vmem>> -> memref<1x25x40xi32, #tpu.memory_space<vmem>>
            %dma_wait3A_294 = tpu.memref_squeeze %dma_wait3A_293 : memref<1x25x40xi32, #tpu.memory_space<vmem>> -> memref<25x40xi32, #tpu.memory_space<vmem>>
            %dma_wait3A_295 = arith.constant 0 : i32
            %dma_wait3A_296 = arith.constant 0 : i32
            %dma_wait3A_297 = tpu.memref_slice %arg5[%add3A, %select_n3A_214, %dma_wait3A_295, %dma_wait3A_296] : memref<32x10x25x40xi32, #tpu.memory_space<hbm>> -> memref<1x1x25x40xi32, #tpu.memory_space<hbm>>
            %dma_wait3A_298 = tpu.memref_squeeze %dma_wait3A_297 : memref<1x1x25x40xi32, #tpu.memory_space<hbm>> -> memref<25x40xi32, #tpu.memory_space<hbm>>
            %dma_wait3A_299 = arith.constant 0 : i32
            %dma_wait3A_300 = arith.constant 0 : i32
            %dma_wait3A_301 = tpu.memref_slice %arg8[%rem3A_273, %dma_wait3A_299, %dma_wait3A_300] : memref<2x25x40xi32, #tpu.memory_space<vmem>> -> memref<1x25x40xi32, #tpu.memory_space<vmem>>
            %dma_wait3A_302 = tpu.memref_squeeze %dma_wait3A_301 : memref<1x25x40xi32, #tpu.memory_space<vmem>> -> memref<25x40xi32, #tpu.memory_space<vmem>>
            %dma_wait3A_303 = arith.constant 0 : i32
            %dma_wait3A_304 = arith.constant 0 : i32
            %dma_wait3A_305 = tpu.memref_slice %arg5[%add3A, %select_n3A_214, %dma_wait3A_303, %dma_wait3A_304] : memref<32x10x25x40xi32, #tpu.memory_space<hbm>> -> memref<1x1x25x40xi32, #tpu.memory_space<hbm>>
            %dma_wait3A_306 = tpu.memref_squeeze %dma_wait3A_305 : memref<1x1x25x40xi32, #tpu.memory_space<hbm>> -> memref<25x40xi32, #tpu.memory_space<hbm>>
            tpu.wait_dma2 semaphore(%run_scoped3A_274 : memref<!tpu.dma_semaphore, #tpu.memory_space<semaphore_mem>>) src(%dma_wait3A_306 : memref<25x40xi32, #tpu.memory_space<hbm>>) dst(%dma_wait3A_302 : memref<25x40xi32, #tpu.memory_space<vmem>>)
            tpu.yield
          }) : () -> ()
          "tpu.region"() ({
            %run_scoped3A_274 = tpu.sem_alloc : memref<!tpu.dma_semaphore, #tpu.memory_space<semaphore_mem>>
            %dma_start3A_275 = arith.constant 0 : i32
            %dma_start3A_276 = arith.constant 0 : i32
            %dma_start3A_277 = tpu.memref_slice %arg9[%rem3A_273, %dma_start3A_275, %dma_start3A_276] : memref<2x25x40xi32, #tpu.memory_space<vmem>> -> memref<1x25x40xi32, #tpu.memory_space<vmem>>
            %dma_start3A_278 = tpu.memref_squeeze %dma_start3A_277 : memref<1x25x40xi32, #tpu.memory_space<vmem>> -> memref<25x40xi32, #tpu.memory_space<vmem>>
            %dma_start3A_279 = arith.constant 0 : i32
            %dma_start3A_280 = arith.constant 0 : i32
            %dma_start3A_281 = tpu.memref_slice %arg6[%add3A, %select_n3A_214, %dma_start3A_279, %dma_start3A_280] : memref<32x10x25x40xi32, #tpu.memory_space<hbm>> -> memref<1x1x25x40xi32, #tpu.memory_space<hbm>>
            %dma_start3A_282 = tpu.memref_squeeze %dma_start3A_281 : memref<1x1x25x40xi32, #tpu.memory_space<hbm>> -> memref<25x40xi32, #tpu.memory_space<hbm>>
            %dma_start3A_283 = arith.constant 0 : i32
            %dma_start3A_284 = arith.constant 0 : i32
            %dma_start3A_285 = tpu.memref_slice %arg9[%rem3A_273, %dma_start3A_283, %dma_start3A_284] : memref<2x25x40xi32, #tpu.memory_space<vmem>> -> memref<1x25x40xi32, #tpu.memory_space<vmem>>
            %dma_start3A_286 = tpu.memref_squeeze %dma_start3A_285 : memref<1x25x40xi32, #tpu.memory_space<vmem>> -> memref<25x40xi32, #tpu.memory_space<vmem>>
            %dma_start3A_287 = arith.constant 0 : i32
            %dma_start3A_288 = arith.constant 0 : i32
            %dma_start3A_289 = tpu.memref_slice %arg6[%add3A, %select_n3A_214, %dma_start3A_287, %dma_start3A_288] : memref<32x10x25x40xi32, #tpu.memory_space<hbm>> -> memref<1x1x25x40xi32, #tpu.memory_space<hbm>>
            %dma_start3A_290 = tpu.memref_squeeze %dma_start3A_289 : memref<1x1x25x40xi32, #tpu.memory_space<hbm>> -> memref<25x40xi32, #tpu.memory_space<hbm>>
            tpu.enqueue_dma source(%dma_start3A_290 : memref<25x40xi32, #tpu.memory_space<hbm>>) target(%dma_start3A_286 : memref<25x40xi32, #tpu.memory_space<vmem>>) target_semaphore(%run_scoped3A_274 : memref<!tpu.dma_semaphore, #tpu.memory_space<semaphore_mem>>)
            %dma_wait3A_291 = arith.constant 0 : i32
            %dma_wait3A_292 = arith.constant 0 : i32
            %dma_wait3A_293 = tpu.memref_slice %arg9[%rem3A_273, %dma_wait3A_291, %dma_wait3A_292] : memref<2x25x40xi32, #tpu.memory_space<vmem>> -> memref<1x25x40xi32, #tpu.memory_space<vmem>>
            %dma_wait3A_294 = tpu.memref_squeeze %dma_wait3A_293 : memref<1x25x40xi32, #tpu.memory_space<vmem>> -> memref<25x40xi32, #tpu.memory_space<vmem>>
            %dma_wait3A_295 = arith.constant 0 : i32
            %dma_wait3A_296 = arith.constant 0 : i32
            %dma_wait3A_297 = tpu.memref_slice %arg6[%add3A, %select_n3A_214, %dma_wait3A_295, %dma_wait3A_296] : memref<32x10x25x40xi32, #tpu.memory_space<hbm>> -> memref<1x1x25x40xi32, #tpu.memory_space<hbm>>
            %dma_wait3A_298 = tpu.memref_squeeze %dma_wait3A_297 : memref<1x1x25x40xi32, #tpu.memory_space<hbm>> -> memref<25x40xi32, #tpu.memory_space<hbm>>
            %dma_wait3A_299 = arith.constant 0 : i32
            %dma_wait3A_300 = arith.constant 0 : i32
            %dma_wait3A_301 = tpu.memref_slice %arg9[%rem3A_273, %dma_wait3A_299, %dma_wait3A_300] : memref<2x25x40xi32, #tpu.memory_space<vmem>> -> memref<1x25x40xi32, #tpu.memory_space<vmem>>
            %dma_wait3A_302 = tpu.memref_squeeze %dma_wait3A_301 : memref<1x25x40xi32, #tpu.memory_space<vmem>> -> memref<25x40xi32, #tpu.memory_space<vmem>>
            %dma_wait3A_303 = arith.constant 0 : i32
            %dma_wait3A_304 = arith.constant 0 : i32
            %dma_wait3A_305 = tpu.memref_slice %arg6[%add3A, %select_n3A_214, %dma_wait3A_303, %dma_wait3A_304] : memref<32x10x25x40xi32, #tpu.memory_space<hbm>> -> memref<1x1x25x40xi32, #tpu.memory_space<hbm>>
            %dma_wait3A_306 = tpu.memref_squeeze %dma_wait3A_305 : memref<1x1x25x40xi32, #tpu.memory_space<hbm>> -> memref<25x40xi32, #tpu.memory_space<hbm>>
            tpu.wait_dma2 semaphore(%run_scoped3A_274 : memref<!tpu.dma_semaphore, #tpu.memory_space<semaphore_mem>>) src(%dma_wait3A_306 : memref<25x40xi32, #tpu.memory_space<hbm>>) dst(%dma_wait3A_302 : memref<25x40xi32, #tpu.memory_space<vmem>>)
            tpu.yield
          }) : () -> ()
        } else {
        }
        %add3A_223 = arith.constant 1 : i32
        %add3A_224 = arith.addi %mul3A_51, %add3A_223 : i32
        %jit3A_225 = arith.constant 25 : i32
        %div3A_226 = arith.divsi %add3A_224, %jit3A_225 : i32
        %sign3A_227 = arith.constant 0 : i32
        %sign3A_228 = arith.cmpi sgt, %add3A_224, %sign3A_227 : i32
        %sign3A_229 = arith.extui %sign3A_228 : i1 to i32
        %sign3A_230 = arith.constant 0 : i32
        %sign3A_231 = arith.cmpi slt, %add3A_224, %sign3A_230 : i32
        %sign3A_232 = arith.extui %sign3A_231 : i1 to i32
        %sign3A_233 = arith.subi %sign3A_229, %sign3A_232 : i32
        %sign3A_234 = arith.constant 0 : i32
        %sign3A_235 = arith.cmpi sgt, %jit3A_225, %sign3A_234 : i32
        %sign3A_236 = arith.extui %sign3A_235 : i1 to i32
        %sign3A_237 = arith.constant 0 : i32
        %sign3A_238 = arith.cmpi slt, %jit3A_225, %sign3A_237 : i32
        %sign3A_239 = arith.extui %sign3A_238 : i1 to i32
        %sign3A_240 = arith.subi %sign3A_236, %sign3A_239 : i32
        %ne3A_241 = arith.cmpi ne, %sign3A_233, %sign3A_240 : i32
        %rem3A_242 = arith.remsi %add3A_224, %jit3A_225 : i32
        %ne3A_243 = arith.constant 0 : i32
        %ne3A_244 = arith.cmpi ne, %rem3A_242, %ne3A_243 : i32
        %and3A_245 = arith.andi %ne3A_241, %ne3A_244 : i1
        %sub3A_246 = arith.constant 1 : i32
        %sub3A_247 = arith.subi %div3A_226, %sub3A_246 : i32
        %select_n3A_248 = arith.select %and3A_245, %sub3A_247, %div3A_226 : i32
        %rem3A_249 = arith.constant 2 : i32
        %rem3A_250 = arith.remsi %select_n3A_248, %rem3A_249 : i32
        %rem3A_251 = arith.constant 25 : i32
        %rem3A_252 = arith.remsi %add3A_224, %rem3A_251 : i32
        %dma_start3A_253 = arith.constant 0 : i32
        %dma_start3A_254 = tpu.memref_slice %arg8[%rem3A_250, %rem3A_252, %dma_start3A_253] : memref<2x25x40xi32, #tpu.memory_space<vmem>> -> memref<1x1x40xi32, #tpu.memory_space<vmem>>
        %dma_start3A_255 = tpu.memref_squeeze %dma_start3A_254 : memref<1x1x40xi32, #tpu.memory_space<vmem>> -> memref<40xi32, #tpu.memory_space<vmem>>
        %dma_start3A_256 = arith.constant 0 : i32
        %dma_start3A_257 = arith.constant 0 : i32
        %dma_start3A_258 = tpu.memref_slice %arg2[%dma_start3A_256, %dma_start3A_257] : memref<10000x128xf32, #tpu.memory_space<hbm>> -> memref<10000x128xf32, #tpu.memory_space<hbm>>
        tpu.enqueue_indirect_dma source(%dma_start3A_258 : memref<10000x128xf32, #tpu.memory_space<hbm>>) target(%arg13 : memref<40x128xf32, #tpu.memory_space<vmem>>) offsets(%dma_start3A_255 : memref<40xi32, #tpu.memory_space<vmem>>) semaphore(%arg18 : memref<!tpu.dma_semaphore, #tpu.memory_space<semaphore_mem>>)
        %dma_start3A_259 = arith.constant 0 : i32
        %dma_start3A_260 = tpu.memref_slice %arg9[%rem3A_250, %rem3A_252, %dma_start3A_259] : memref<2x25x40xi32, #tpu.memory_space<vmem>> -> memref<1x1x40xi32, #tpu.memory_space<vmem>>
        %dma_start3A_261 = tpu.memref_squeeze %dma_start3A_260 : memref<1x1x40xi32, #tpu.memory_space<vmem>> -> memref<40xi32, #tpu.memory_space<vmem>>
        %dma_start3A_262 = arith.constant 0 : i32
        %dma_start3A_263 = arith.constant 0 : i32
        %dma_start3A_264 = tpu.memref_slice %arg3[%dma_start3A_262, %dma_start3A_263] : memref<10000x128xf32, #tpu.memory_space<hbm>> -> memref<10000x128xf32, #tpu.memory_space<hbm>>
        tpu.enqueue_indirect_dma source(%dma_start3A_264 : memref<10000x128xf32, #tpu.memory_space<hbm>>) target(%arg14 : memref<40x128xf32, #tpu.memory_space<vmem>>) offsets(%dma_start3A_261 : memref<40xi32, #tpu.memory_space<vmem>>) semaphore(%arg18 : memref<!tpu.dma_semaphore, #tpu.memory_space<semaphore_mem>>)
        %mul3A_265 = arith.constant 40 : i32
        %mul3A_266 = arith.muli %add3A_224, %mul3A_265 : i32
        %add3A_267 = arith.addi %mul3A_2, %mul3A_266 : i32
        %dma_start3A_268 = arith.constant 0 : i32
        %dma_start3A_269 = tpu.memref_slice %arg4[%add3A_267, %dma_start3A_268] : memref<320000x128xf32, #tpu.memory_space<hbm>> -> memref<40x128xf32, #tpu.memory_space<hbm>>
        %dma_start3A_270 = arith.constant 0 : i32
        %dma_start3A_271 = tpu.memref_slice %arg4[%add3A_267, %dma_start3A_270] : memref<320000x128xf32, #tpu.memory_space<hbm>> -> memref<40x128xf32, #tpu.memory_space<hbm>>
        tpu.enqueue_dma source(%dma_start3A_271 : memref<40x128xf32, #tpu.memory_space<hbm>>) target(%arg15 : memref<40x128xf32, #tpu.memory_space<vmem>>) target_semaphore(%arg18 : memref<!tpu.dma_semaphore, #tpu.memory_space<semaphore_mem>>)
      } else {
      }
      %dma_wait3A_63 = arith.constant 0 : i32
      %dma_wait3A_64 = arith.constant 0 : i32
      %dma_wait3A_65 = tpu.memref_slice %arg2[%dma_wait3A_63, %dma_wait3A_64] : memref<10000x128xf32, #tpu.memory_space<hbm>> -> memref<40x128xf32, #tpu.memory_space<hbm>>
      %dma_wait3A_66 = arith.constant 0 : i32
      %dma_wait3A_67 = arith.constant 0 : i32
      %dma_wait3A_68 = tpu.memref_slice %arg2[%dma_wait3A_66, %dma_wait3A_67] : memref<10000x128xf32, #tpu.memory_space<hbm>> -> memref<40x128xf32, #tpu.memory_space<hbm>>
      tpu.wait_dma2 semaphore(%arg17 : memref<!tpu.dma_semaphore, #tpu.memory_space<semaphore_mem>>) src(%dma_wait3A_68 : memref<40x128xf32, #tpu.memory_space<hbm>>) dst(%arg10 : memref<40x128xf32, #tpu.memory_space<vmem>>)
      %dma_wait3A_69 = arith.constant 0 : i32
      %dma_wait3A_70 = arith.constant 0 : i32
      %dma_wait3A_71 = tpu.memref_slice %arg3[%dma_wait3A_69, %dma_wait3A_70] : memref<10000x128xf32, #tpu.memory_space<hbm>> -> memref<40x128xf32, #tpu.memory_space<hbm>>
      %dma_wait3A_72 = arith.constant 0 : i32
      %dma_wait3A_73 = arith.constant 0 : i32
      %dma_wait3A_74 = tpu.memref_slice %arg3[%dma_wait3A_72, %dma_wait3A_73] : memref<10000x128xf32, #tpu.memory_space<hbm>> -> memref<40x128xf32, #tpu.memory_space<hbm>>
      tpu.wait_dma2 semaphore(%arg17 : memref<!tpu.dma_semaphore, #tpu.memory_space<semaphore_mem>>) src(%dma_wait3A_74 : memref<40x128xf32, #tpu.memory_space<hbm>>) dst(%arg11 : memref<40x128xf32, #tpu.memory_space<vmem>>)
      %dma_wait3A_75 = arith.constant 0 : i32
      %dma_wait3A_76 = arith.constant 0 : i32
      %dma_wait3A_77 = tpu.memref_slice %arg4[%dma_wait3A_75, %dma_wait3A_76] : memref<320000x128xf32, #tpu.memory_space<hbm>> -> memref<40x128xf32, #tpu.memory_space<hbm>>
      %dma_wait3A_78 = arith.constant 0 : i32
      %dma_wait3A_79 = arith.constant 0 : i32
      %dma_wait3A_80 = tpu.memref_slice %arg4[%dma_wait3A_78, %dma_wait3A_79] : memref<320000x128xf32, #tpu.memory_space<hbm>> -> memref<40x128xf32, #tpu.memory_space<hbm>>
      tpu.wait_dma2 semaphore(%arg17 : memref<!tpu.dma_semaphore, #tpu.memory_space<semaphore_mem>>) src(%dma_wait3A_80 : memref<40x128xf32, #tpu.memory_space<hbm>>) dst(%arg12 : memref<40x128xf32, #tpu.memory_space<vmem>>)
      %scan3A_81 = arith.constant 0 : i32
      %scan3A_82 = arith.constant 0 : i32
      %scan3A_83 = arith.constant 20 : i32
      %scan3A_84 = arith.addi %scan3A_82, %scan3A_83 : i32
      %scan3A_85 = arith.constant 1 : i32
      %scan3A_86 = scf.for %scan3A_189 = %scan3A_82 to %scan3A_84 step %scan3A_85 iter_args(%scan3A_190 = %scan3A_81) -> (i32)  : i32 {
        %mul3A_191 = arith.constant 2 : i32
        %mul3A_192 = arith.muli %mul3A_191, %scan3A_189 : i32
        %add3A_193 = arith.constant 0 : i32
        %add3A_194 = arith.addi %mul3A_192, %add3A_193 : i32
        %get3A = arith.index_cast %add3A_194 : i32 to index
        %get3A_195 = arith.constant 0 : index
        %get3A_196 = tpu.vector_load %arg10[%get3A, %get3A_195] {strides = array<i32>} : memref<40x128xf32, #tpu.memory_space<vmem>>, vector<1x16xf32>,
        %get3A_197 = vector.shape_cast %get3A_196 : vector<1x16xf32> to vector<16xf32>
        %get3A_198 = arith.index_cast %add3A_194 : i32 to index
        %get3A_199 = arith.constant 0 : index
        %get3A_200 = tpu.vector_load %arg11[%get3A_198, %get3A_199] {strides = array<i32>} : memref<40x128xf32, #tpu.memory_space<vmem>>, vector<1x16xf32>,
        %get3A_201 = vector.shape_cast %get3A_200 : vector<1x16xf32> to vector<16xf32>
        %add3A_202 = arith.addf %get3A_197, %get3A_201 : vector<16xf32>
        %get3A_203 = arith.index_cast %add3A_194 : i32 to index
        %get3A_204 = arith.constant 0 : index
        %get3A_205 = tpu.vector_load %arg12[%get3A_203, %get3A_204] {strides = array<i32>} : memref<40x128xf32, #tpu.memory_space<vmem>>, vector<1x16xf32>,
        %get3A_206 = vector.shape_cast %get3A_205 : vector<1x16xf32> to vector<16xf32>
        %add3A_207 = arith.addf %add3A_202, %get3A_206 : vector<16xf32>
        %max3A = arith.maximumf %add3A_207, %broadcast_in_dim3A_30 : vector<16xf32>
        %swap3A = arith.index_cast %add3A_194 : i32 to index
        %swap3A_208 = arith.constant 0 : index
        %swap3A_209 = tpu.vector_load %arg10[%swap3A, %swap3A_208] {strides = array<i32>} : memref<40x128xf32, #tpu.memory_space<vmem>>, vector<1x16xf32>,
        %swap3A_210 = vector.shape_cast %swap3A_209 : vector<1x16xf32> to vector<16xf32>
        %swap3A_211 = vector.shape_cast %max3A : vector<16xf32> to vector<1x16xf32>
        tpu.vector_store %arg10[%swap3A, %swap3A_208], %swap3A_211 {strides = array<i32>} : memref<40x128xf32, #tpu.memory_space<vmem>>, vector<1x16xf32>,
        %get3A_212 = arith.index_cast %add3A_194 : i32 to index
        %get3A_213 = arith.constant 16 : index
        %get3A_214 = tpu.vector_load %arg10[%get3A_212, %get3A_213] {strides = array<i32>} : memref<40x128xf32, #tpu.memory_space<vmem>>, vector<1x16xf32>,
        %get3A_215 = vector.shape_cast %get3A_214 : vector<1x16xf32> to vector<16xf32>
        %get3A_216 = arith.index_cast %add3A_194 : i32 to index
        %get3A_217 = arith.constant 16 : index
        %get3A_218 = tpu.vector_load %arg11[%get3A_216, %get3A_217] {strides = array<i32>} : memref<40x128xf32, #tpu.memory_space<vmem>>, vector<1x16xf32>,
        %get3A_219 = vector.shape_cast %get3A_218 : vector<1x16xf32> to vector<16xf32>
        %add3A_220 = arith.addf %get3A_215, %get3A_219 : vector<16xf32>
        %get3A_221 = arith.index_cast %add3A_194 : i32 to index
        %get3A_222 = arith.constant 16 : index
        %get3A_223 = tpu.vector_load %arg12[%get3A_221, %get3A_222] {strides = array<i32>} : memref<40x128xf32, #tpu.memory_space<vmem>>, vector<1x16xf32>,
        %get3A_224 = vector.shape_cast %get3A_223 : vector<1x16xf32> to vector<16xf32>
        %add3A_225 = arith.addf %add3A_220, %get3A_224 : vector<16xf32>
        %max3A_226 = arith.maximumf %add3A_225, %broadcast_in_dim3A_30 : vector<16xf32>
        %swap3A_227 = arith.index_cast %add3A_194 : i32 to index
        %swap3A_228 = arith.constant 16 : index
        %swap3A_229 = tpu.vector_load %arg10[%swap3A_227, %swap3A_228] {strides = array<i32>} : memref<40x128xf32, #tpu.memory_space<vmem>>, vector<1x16xf32>,
        %swap3A_230 = vector.shape_cast %swap3A_229 : vector<1x16xf32> to vector<16xf32>
        %swap3A_231 = vector.shape_cast %max3A_226 : vector<16xf32> to vector<1x16xf32>
        tpu.vector_store %arg10[%swap3A_227, %swap3A_228], %swap3A_231 {strides = array<i32>} : memref<40x128xf32, #tpu.memory_space<vmem>>, vector<1x16xf32>,
        %get3A_232 = arith.index_cast %add3A_194 : i32 to index
        %get3A_233 = arith.constant 32 : index
        %get3A_234 = tpu.vector_load %arg10[%get3A_232, %get3A_233] {strides = array<i32>} : memref<40x128xf32, #tpu.memory_space<vmem>>, vector<1x16xf32>,
        %get3A_235 = vector.shape_cast %get3A_234 : vector<1x16xf32> to vector<16xf32>
        %get3A_236 = arith.index_cast %add3A_194 : i32 to index
        %get3A_237 = arith.constant 32 : index
        %get3A_238 = tpu.vector_load %arg11[%get3A_236, %get3A_237] {strides = array<i32>} : memref<40x128xf32, #tpu.memory_space<vmem>>, vector<1x16xf32>,
        %get3A_239 = vector.shape_cast %get3A_238 : vector<1x16xf32> to vector<16xf32>
        %add3A_240 = arith.addf %get3A_235, %get3A_239 : vector<16xf32>
        %get3A_241 = arith.index_cast %add3A_194 : i32 to index
        %get3A_242 = arith.constant 32 : index
        %get3A_243 = tpu.vector_load %arg12[%get3A_241, %get3A_242] {strides = array<i32>} : memref<40x128xf32, #tpu.memory_space<vmem>>, vector<1x16xf32>,
        %get3A_244 = vector.shape_cast %get3A_243 : vector<1x16xf32> to vector<16xf32>
        %add3A_245 = arith.addf %add3A_240, %get3A_244 : vector<16xf32>
        %max3A_246 = arith.maximumf %add3A_245, %broadcast_in_dim3A_30 : vector<16xf32>
        %swap3A_247 = arith.index_cast %add3A_194 : i32 to index
        %swap3A_248 = arith.constant 32 : index
        %swap3A_249 = tpu.vector_load %arg10[%swap3A_247, %swap3A_248] {strides = array<i32>} : memref<40x128xf32, #tpu.memory_space<vmem>>, vector<1x16xf32>,
        %swap3A_250 = vector.shape_cast %swap3A_249 : vector<1x16xf32> to vector<16xf32>
        %swap3A_251 = vector.shape_cast %max3A_246 : vector<16xf32> to vector<1x16xf32>
        tpu.vector_store %arg10[%swap3A_247, %swap3A_248], %swap3A_251 {strides = array<i32>} : memref<40x128xf32, #tpu.memory_space<vmem>>, vector<1x16xf32>,
        %get3A_252 = arith.index_cast %add3A_194 : i32 to index
        %get3A_253 = arith.constant 48 : index
        %get3A_254 = tpu.vector_load %arg10[%get3A_252, %get3A_253] {strides = array<i32>} : memref<40x128xf32, #tpu.memory_space<vmem>>, vector<1x16xf32>,
        %get3A_255 = vector.shape_cast %get3A_254 : vector<1x16xf32> to vector<16xf32>
        %get3A_256 = arith.index_cast %add3A_194 : i32 to index
        %get3A_257 = arith.constant 48 : index
        %get3A_258 = tpu.vector_load %arg11[%get3A_256, %get3A_257] {strides = array<i32>} : memref<40x128xf32, #tpu.memory_space<vmem>>, vector<1x16xf32>,
        %get3A_259 = vector.shape_cast %get3A_258 : vector<1x16xf32> to vector<16xf32>
        %add3A_260 = arith.addf %get3A_255, %get3A_259 : vector<16xf32>
        %get3A_261 = arith.index_cast %add3A_194 : i32 to index
        %get3A_262 = arith.constant 48 : index
        %get3A_263 = tpu.vector_load %arg12[%get3A_261, %get3A_262] {strides = array<i32>} : memref<40x128xf32, #tpu.memory_space<vmem>>, vector<1x16xf32>,
        %get3A_264 = vector.shape_cast %get3A_263 : vector<1x16xf32> to vector<16xf32>
        %add3A_265 = arith.addf %add3A_260, %get3A_264 : vector<16xf32>
        %max3A_266 = arith.maximumf %add3A_265, %broadcast_in_dim3A_30 : vector<16xf32>
        %swap3A_267 = arith.index_cast %add3A_194 : i32 to index
        %swap3A_268 = arith.constant 48 : index
        %swap3A_269 = tpu.vector_load %arg10[%swap3A_267, %swap3A_268] {strides = array<i32>} : memref<40x128xf32, #tpu.memory_space<vmem>>, vector<1x16xf32>,
        %swap3A_270 = vector.shape_cast %swap3A_269 : vector<1x16xf32> to vector<16xf32>
        %swap3A_271 = vector.shape_cast %max3A_266 : vector<16xf32> to vector<1x16xf32>
        tpu.vector_store %arg10[%swap3A_267, %swap3A_268], %swap3A_271 {strides = array<i32>} : memref<40x128xf32, #tpu.memory_space<vmem>>, vector<1x16xf32>,
        %get3A_272 = arith.index_cast %add3A_194 : i32 to index
        %get3A_273 = arith.constant 64 : index
        %get3A_274 = tpu.vector_load %arg10[%get3A_272, %get3A_273] {strides = array<i32>} : memref<40x128xf32, #tpu.memory_space<vmem>>, vector<1x16xf32>,
        %get3A_275 = vector.shape_cast %get3A_274 : vector<1x16xf32> to vector<16xf32>
        %get3A_276 = arith.index_cast %add3A_194 : i32 to index
        %get3A_277 = arith.constant 64 : index
        %get3A_278 = tpu.vector_load %arg11[%get3A_276, %get3A_277] {strides = array<i32>} : memref<40x128xf32, #tpu.memory_space<vmem>>, vector<1x16xf32>,
        %get3A_279 = vector.shape_cast %get3A_278 : vector<1x16xf32> to vector<16xf32>
        %add3A_280 = arith.addf %get3A_275, %get3A_279 : vector<16xf32>
        %get3A_281 = arith.index_cast %add3A_194 : i32 to index
        %get3A_282 = arith.constant 64 : index
        %get3A_283 = tpu.vector_load %arg12[%get3A_281, %get3A_282] {strides = array<i32>} : memref<40x128xf32, #tpu.memory_space<vmem>>, vector<1x16xf32>,
        %get3A_284 = vector.shape_cast %get3A_283 : vector<1x16xf32> to vector<16xf32>
        %add3A_285 = arith.addf %add3A_280, %get3A_284 : vector<16xf32>
        %max3A_286 = arith.maximumf %add3A_285, %broadcast_in_dim3A_30 : vector<16xf32>
        %swap3A_287 = arith.index_cast %add3A_194 : i32 to index
        %swap3A_288 = arith.constant 64 : index
        %swap3A_289 = tpu.vector_load %arg10[%swap3A_287, %swap3A_288] {strides = array<i32>} : memref<40x128xf32, #tpu.memory_space<vmem>>, vector<1x16xf32>,
        %swap3A_290 = vector.shape_cast %swap3A_289 : vector<1x16xf32> to vector<16xf32>
        %swap3A_291 = vector.shape_cast %max3A_286 : vector<16xf32> to vector<1x16xf32>
        tpu.vector_store %arg10[%swap3A_287, %swap3A_288], %swap3A_291 {strides = array<i32>} : memref<40x128xf32, #tpu.memory_space<vmem>>, vector<1x16xf32>,
        %get3A_292 = arith.index_cast %add3A_194 : i32 to index
        %get3A_293 = arith.constant 80 : index
        %get3A_294 = tpu.vector_load %arg10[%get3A_292, %get3A_293] {strides = array<i32>} : memref<40x128xf32, #tpu.memory_space<vmem>>, vector<1x16xf32>,
        %get3A_295 = vector.shape_cast %get3A_294 : vector<1x16xf32> to vector<16xf32>
        %get3A_296 = arith.index_cast %add3A_194 : i32 to index
        %get3A_297 = arith.constant 80 : index
        %get3A_298 = tpu.vector_load %arg11[%get3A_296, %get3A_297] {strides = array<i32>} : memref<40x128xf32, #tpu.memory_space<vmem>>, vector<1x16xf32>,
        %get3A_299 = vector.shape_cast %get3A_298 : vector<1x16xf32> to vector<16xf32>
        %add3A_300 = arith.addf %get3A_295, %get3A_299 : vector<16xf32>
        %get3A_301 = arith.index_cast %add3A_194 : i32 to index
        %get3A_302 = arith.constant 80 : index
        %get3A_303 = tpu.vector_load %arg12[%get3A_301, %get3A_302] {strides = array<i32>} : memref<40x128xf32, #tpu.memory_space<vmem>>, vector<1x16xf32>,
        %get3A_304 = vector.shape_cast %get3A_303 : vector<1x16xf32> to vector<16xf32>
        %add3A_305 = arith.addf %add3A_300, %get3A_304 : vector<16xf32>
        %max3A_306 = arith.maximumf %add3A_305, %broadcast_in_dim3A_30 : vector<16xf32>
        %swap3A_307 = arith.index_cast %add3A_194 : i32 to index
        %swap3A_308 = arith.constant 80 : index
        %swap3A_309 = tpu.vector_load %arg10[%swap3A_307, %swap3A_308] {strides = array<i32>} : memref<40x128xf32, #tpu.memory_space<vmem>>, vector<1x16xf32>,
        %swap3A_310 = vector.shape_cast %swap3A_309 : vector<1x16xf32> to vector<16xf32>
        %swap3A_311 = vector.shape_cast %max3A_306 : vector<16xf32> to vector<1x16xf32>
        tpu.vector_store %arg10[%swap3A_307, %swap3A_308], %swap3A_311 {strides = array<i32>} : memref<40x128xf32, #tpu.memory_space<vmem>>, vector<1x16xf32>,
        %get3A_312 = arith.index_cast %add3A_194 : i32 to index
        %get3A_313 = arith.constant 96 : index
        %get3A_314 = tpu.vector_load %arg10[%get3A_312, %get3A_313] {strides = array<i32>} : memref<40x128xf32, #tpu.memory_space<vmem>>, vector<1x16xf32>,
        %get3A_315 = vector.shape_cast %get3A_314 : vector<1x16xf32> to vector<16xf32>
        %get3A_316 = arith.index_cast %add3A_194 : i32 to index
        %get3A_317 = arith.constant 96 : index
        %get3A_318 = tpu.vector_load %arg11[%get3A_316, %get3A_317] {strides = array<i32>} : memref<40x128xf32, #tpu.memory_space<vmem>>, vector<1x16xf32>,
        %get3A_319 = vector.shape_cast %get3A_318 : vector<1x16xf32> to vector<16xf32>
        %add3A_320 = arith.addf %get3A_315, %get3A_319 : vector<16xf32>
        %get3A_321 = arith.index_cast %add3A_194 : i32 to index
        %get3A_322 = arith.constant 96 : index
        %get3A_323 = tpu.vector_load %arg12[%get3A_321, %get3A_322] {strides = array<i32>} : memref<40x128xf32, #tpu.memory_space<vmem>>, vector<1x16xf32>,
        %get3A_324 = vector.shape_cast %get3A_323 : vector<1x16xf32> to vector<16xf32>
        %add3A_325 = arith.addf %add3A_320, %get3A_324 : vector<16xf32>
        %max3A_326 = arith.maximumf %add3A_325, %broadcast_in_dim3A_30 : vector<16xf32>
        %swap3A_327 = arith.index_cast %add3A_194 : i32 to index
        %swap3A_328 = arith.constant 96 : index
        %swap3A_329 = tpu.vector_load %arg10[%swap3A_327, %swap3A_328] {strides = array<i32>} : memref<40x128xf32, #tpu.memory_space<vmem>>, vector<1x16xf32>,
        %swap3A_330 = vector.shape_cast %swap3A_329 : vector<1x16xf32> to vector<16xf32>
        %swap3A_331 = vector.shape_cast %max3A_326 : vector<16xf32> to vector<1x16xf32>
        tpu.vector_store %arg10[%swap3A_327, %swap3A_328], %swap3A_331 {strides = array<i32>} : memref<40x128xf32, #tpu.memory_space<vmem>>, vector<1x16xf32>,
        %get3A_332 = arith.index_cast %add3A_194 : i32 to index
        %get3A_333 = arith.constant 112 : index
        %get3A_334 = tpu.vector_load %arg10[%get3A_332, %get3A_333] {strides = array<i32>} : memref<40x128xf32, #tpu.memory_space<vmem>>, vector<1x16xf32>,
        %get3A_335 = vector.shape_cast %get3A_334 : vector<1x16xf32> to vector<16xf32>
        %get3A_336 = arith.index_cast %add3A_194 : i32 to index
        %get3A_337 = arith.constant 112 : index
        %get3A_338 = tpu.vector_load %arg11[%get3A_336, %get3A_337] {strides = array<i32>} : memref<40x128xf32, #tpu.memory_space<vmem>>, vector<1x16xf32>,
        %get3A_339 = vector.shape_cast %get3A_338 : vector<1x16xf32> to vector<16xf32>
        %add3A_340 = arith.addf %get3A_335, %get3A_339 : vector<16xf32>
        %get3A_341 = arith.index_cast %add3A_194 : i32 to index
        %get3A_342 = arith.constant 112 : index
        %get3A_343 = tpu.vector_load %arg12[%get3A_341, %get3A_342] {strides = array<i32>} : memref<40x128xf32, #tpu.memory_space<vmem>>, vector<1x16xf32>,
        %get3A_344 = vector.shape_cast %get3A_343 : vector<1x16xf32> to vector<16xf32>
        %add3A_345 = arith.addf %add3A_340, %get3A_344 : vector<16xf32>
        %max3A_346 = arith.maximumf %add3A_345, %broadcast_in_dim3A_30 : vector<16xf32>
        %swap3A_347 = arith.index_cast %add3A_194 : i32 to index
        %swap3A_348 = arith.constant 112 : index
        %swap3A_349 = tpu.vector_load %arg10[%swap3A_347, %swap3A_348] {strides = array<i32>} : memref<40x128xf32, #tpu.memory_space<vmem>>, vector<1x16xf32>,
        %swap3A_350 = vector.shape_cast %swap3A_349 : vector<1x16xf32> to vector<16xf32>
        %swap3A_351 = vector.shape_cast %max3A_346 : vector<16xf32> to vector<1x16xf32>
        tpu.vector_store %arg10[%swap3A_347, %swap3A_348], %swap3A_351 {strides = array<i32>} : memref<40x128xf32, #tpu.memory_space<vmem>>, vector<1x16xf32>,
        %mul3A_352 = arith.constant 2 : i32
        %mul3A_353 = arith.muli %mul3A_352, %scan3A_189 : i32
        %add3A_354 = arith.constant 1 : i32
        %add3A_355 = arith.addi %mul3A_353, %add3A_354 : i32
        %get3A_356 = arith.index_cast %add3A_355 : i32 to index
        %get3A_357 = arith.constant 0 : index
        %get3A_358 = tpu.vector_load %arg10[%get3A_356, %get3A_357] {strides = array<i32>} : memref<40x128xf32, #tpu.memory_space<vmem>>, vector<1x16xf32>,
        %get3A_359 = vector.shape_cast %get3A_358 : vector<1x16xf32> to vector<16xf32>
        %get3A_360 = arith.index_cast %add3A_355 : i32 to index
        %get3A_361 = arith.constant 0 : index
        %get3A_362 = tpu.vector_load %arg11[%get3A_360, %get3A_361] {strides = array<i32>} : memref<40x128xf32, #tpu.memory_space<vmem>>, vector<1x16xf32>,
        %get3A_363 = vector.shape_cast %get3A_362 : vector<1x16xf32> to vector<16xf32>
        %add3A_364 = arith.addf %get3A_359, %get3A_363 : vector<16xf32>
        %get3A_365 = arith.index_cast %add3A_355 : i32 to index
        %get3A_366 = arith.constant 0 : index
        %get3A_367 = tpu.vector_load %arg12[%get3A_365, %get3A_366] {strides = array<i32>} : memref<40x128xf32, #tpu.memory_space<vmem>>, vector<1x16xf32>,
        %get3A_368 = vector.shape_cast %get3A_367 : vector<1x16xf32> to vector<16xf32>
        %add3A_369 = arith.addf %add3A_364, %get3A_368 : vector<16xf32>
        %max3A_370 = arith.maximumf %add3A_369, %broadcast_in_dim3A_30 : vector<16xf32>
        %swap3A_371 = arith.index_cast %add3A_355 : i32 to index
        %swap3A_372 = arith.constant 0 : index
        %swap3A_373 = tpu.vector_load %arg10[%swap3A_371, %swap3A_372] {strides = array<i32>} : memref<40x128xf32, #tpu.memory_space<vmem>>, vector<1x16xf32>,
        %swap3A_374 = vector.shape_cast %swap3A_373 : vector<1x16xf32> to vector<16xf32>
        %swap3A_375 = vector.shape_cast %max3A_370 : vector<16xf32> to vector<1x16xf32>
        tpu.vector_store %arg10[%swap3A_371, %swap3A_372], %swap3A_375 {strides = array<i32>} : memref<40x128xf32, #tpu.memory_space<vmem>>, vector<1x16xf32>,
        %get3A_376 = arith.index_cast %add3A_355 : i32 to index
        %get3A_377 = arith.constant 16 : index
        %get3A_378 = tpu.vector_load %arg10[%get3A_376, %get3A_377] {strides = array<i32>} : memref<40x128xf32, #tpu.memory_space<vmem>>, vector<1x16xf32>,
        %get3A_379 = vector.shape_cast %get3A_378 : vector<1x16xf32> to vector<16xf32>
        %get3A_380 = arith.index_cast %add3A_355 : i32 to index
        %get3A_381 = arith.constant 16 : index
        %get3A_382 = tpu.vector_load %arg11[%get3A_380, %get3A_381] {strides = array<i32>} : memref<40x128xf32, #tpu.memory_space<vmem>>, vector<1x16xf32>,
        %get3A_383 = vector.shape_cast %get3A_382 : vector<1x16xf32> to vector<16xf32>
        %add3A_384 = arith.addf %get3A_379, %get3A_383 : vector<16xf32>
        %get3A_385 = arith.index_cast %add3A_355 : i32 to index
        %get3A_386 = arith.constant 16 : index
        %get3A_387 = tpu.vector_load %arg12[%get3A_385, %get3A_386] {strides = array<i32>} : memref<40x128xf32, #tpu.memory_space<vmem>>, vector<1x16xf32>,
        %get3A_388 = vector.shape_cast %get3A_387 : vector<1x16xf32> to vector<16xf32>
        %add3A_389 = arith.addf %add3A_384, %get3A_388 : vector<16xf32>
        %max3A_390 = arith.maximumf %add3A_389, %broadcast_in_dim3A_30 : vector<16xf32>
        %swap3A_391 = arith.index_cast %add3A_355 : i32 to index
        %swap3A_392 = arith.constant 16 : index
        %swap3A_393 = tpu.vector_load %arg10[%swap3A_391, %swap3A_392] {strides = array<i32>} : memref<40x128xf32, #tpu.memory_space<vmem>>, vector<1x16xf32>,
        %swap3A_394 = vector.shape_cast %swap3A_393 : vector<1x16xf32> to vector<16xf32>
        %swap3A_395 = vector.shape_cast %max3A_390 : vector<16xf32> to vector<1x16xf32>
        tpu.vector_store %arg10[%swap3A_391, %swap3A_392], %swap3A_395 {strides = array<i32>} : memref<40x128xf32, #tpu.memory_space<vmem>>, vector<1x16xf32>,
        %get3A_396 = arith.index_cast %add3A_355 : i32 to index
        %get3A_397 = arith.constant 32 : index
        %get3A_398 = tpu.vector_load %arg10[%get3A_396, %get3A_397] {strides = array<i32>} : memref<40x128xf32, #tpu.memory_space<vmem>>, vector<1x16xf32>,
        %get3A_399 = vector.shape_cast %get3A_398 : vector<1x16xf32> to vector<16xf32>
        %get3A_400 = arith.index_cast %add3A_355 : i32 to index
        %get3A_401 = arith.constant 32 : index
        %get3A_402 = tpu.vector_load %arg11[%get3A_400, %get3A_401] {strides = array<i32>} : memref<40x128xf32, #tpu.memory_space<vmem>>, vector<1x16xf32>,
        %get3A_403 = vector.shape_cast %get3A_402 : vector<1x16xf32> to vector<16xf32>
        %add3A_404 = arith.addf %get3A_399, %get3A_403 : vector<16xf32>
        %get3A_405 = arith.index_cast %add3A_355 : i32 to index
        %get3A_406 = arith.constant 32 : index
        %get3A_407 = tpu.vector_load %arg12[%get3A_405, %get3A_406] {strides = array<i32>} : memref<40x128xf32, #tpu.memory_space<vmem>>, vector<1x16xf32>,
        %get3A_408 = vector.shape_cast %get3A_407 : vector<1x16xf32> to vector<16xf32>
        %add3A_409 = arith.addf %add3A_404, %get3A_408 : vector<16xf32>
        %max3A_410 = arith.maximumf %add3A_409, %broadcast_in_dim3A_30 : vector<16xf32>
        %swap3A_411 = arith.index_cast %add3A_355 : i32 to index
        %swap3A_412 = arith.constant 32 : index
        %swap3A_413 = tpu.vector_load %arg10[%swap3A_411, %swap3A_412] {strides = array<i32>} : memref<40x128xf32, #tpu.memory_space<vmem>>, vector<1x16xf32>,
        %swap3A_414 = vector.shape_cast %swap3A_413 : vector<1x16xf32> to vector<16xf32>
        %swap3A_415 = vector.shape_cast %max3A_410 : vector<16xf32> to vector<1x16xf32>
        tpu.vector_store %arg10[%swap3A_411, %swap3A_412], %swap3A_415 {strides = array<i32>} : memref<40x128xf32, #tpu.memory_space<vmem>>, vector<1x16xf32>,
        %get3A_416 = arith.index_cast %add3A_355 : i32 to index
        %get3A_417 = arith.constant 48 : index
        %get3A_418 = tpu.vector_load %arg10[%get3A_416, %get3A_417] {strides = array<i32>} : memref<40x128xf32, #tpu.memory_space<vmem>>, vector<1x16xf32>,
        %get3A_419 = vector.shape_cast %get3A_418 : vector<1x16xf32> to vector<16xf32>
        %get3A_420 = arith.index_cast %add3A_355 : i32 to index
        %get3A_421 = arith.constant 48 : index
        %get3A_422 = tpu.vector_load %arg11[%get3A_420, %get3A_421] {strides = array<i32>} : memref<40x128xf32, #tpu.memory_space<vmem>>, vector<1x16xf32>,
        %get3A_423 = vector.shape_cast %get3A_422 : vector<1x16xf32> to vector<16xf32>
        %add3A_424 = arith.addf %get3A_419, %get3A_423 : vector<16xf32>
        %get3A_425 = arith.index_cast %add3A_355 : i32 to index
        %get3A_426 = arith.constant 48 : index
        %get3A_427 = tpu.vector_load %arg12[%get3A_425, %get3A_426] {strides = array<i32>} : memref<40x128xf32, #tpu.memory_space<vmem>>, vector<1x16xf32>,
        %get3A_428 = vector.shape_cast %get3A_427 : vector<1x16xf32> to vector<16xf32>
        %add3A_429 = arith.addf %add3A_424, %get3A_428 : vector<16xf32>
        %max3A_430 = arith.maximumf %add3A_429, %broadcast_in_dim3A_30 : vector<16xf32>
        %swap3A_431 = arith.index_cast %add3A_355 : i32 to index
        %swap3A_432 = arith.constant 48 : index
        %swap3A_433 = tpu.vector_load %arg10[%swap3A_431, %swap3A_432] {strides = array<i32>} : memref<40x128xf32, #tpu.memory_space<vmem>>, vector<1x16xf32>,
        %swap3A_434 = vector.shape_cast %swap3A_433 : vector<1x16xf32> to vector<16xf32>
        %swap3A_435 = vector.shape_cast %max3A_430 : vector<16xf32> to vector<1x16xf32>
        tpu.vector_store %arg10[%swap3A_431, %swap3A_432], %swap3A_435 {strides = array<i32>} : memref<40x128xf32, #tpu.memory_space<vmem>>, vector<1x16xf32>,
        %get3A_436 = arith.index_cast %add3A_355 : i32 to index
        %get3A_437 = arith.constant 64 : index
        %get3A_438 = tpu.vector_load %arg10[%get3A_436, %get3A_437] {strides = array<i32>} : memref<40x128xf32, #tpu.memory_space<vmem>>, vector<1x16xf32>,
        %get3A_439 = vector.shape_cast %get3A_438 : vector<1x16xf32> to vector<16xf32>
        %get3A_440 = arith.index_cast %add3A_355 : i32 to index
        %get3A_441 = arith.constant 64 : index
        %get3A_442 = tpu.vector_load %arg11[%get3A_440, %get3A_441] {strides = array<i32>} : memref<40x128xf32, #tpu.memory_space<vmem>>, vector<1x16xf32>,
        %get3A_443 = vector.shape_cast %get3A_442 : vector<1x16xf32> to vector<16xf32>
        %add3A_444 = arith.addf %get3A_439, %get3A_443 : vector<16xf32>
        %get3A_445 = arith.index_cast %add3A_355 : i32 to index
        %get3A_446 = arith.constant 64 : index
        %get3A_447 = tpu.vector_load %arg12[%get3A_445, %get3A_446] {strides = array<i32>} : memref<40x128xf32, #tpu.memory_space<vmem>>, vector<1x16xf32>,
        %get3A_448 = vector.shape_cast %get3A_447 : vector<1x16xf32> to vector<16xf32>
        %add3A_449 = arith.addf %add3A_444, %get3A_448 : vector<16xf32>
        %max3A_450 = arith.maximumf %add3A_449, %broadcast_in_dim3A_30 : vector<16xf32>
        %swap3A_451 = arith.index_cast %add3A_355 : i32 to index
        %swap3A_452 = arith.constant 64 : index
        %swap3A_453 = tpu.vector_load %arg10[%swap3A_451, %swap3A_452] {strides = array<i32>} : memref<40x128xf32, #tpu.memory_space<vmem>>, vector<1x16xf32>,
        %swap3A_454 = vector.shape_cast %swap3A_453 : vector<1x16xf32> to vector<16xf32>
        %swap3A_455 = vector.shape_cast %max3A_450 : vector<16xf32> to vector<1x16xf32>
        tpu.vector_store %arg10[%swap3A_451, %swap3A_452], %swap3A_455 {strides = array<i32>} : memref<40x128xf32, #tpu.memory_space<vmem>>, vector<1x16xf32>,
        %get3A_456 = arith.index_cast %add3A_355 : i32 to index
        %get3A_457 = arith.constant 80 : index
        %get3A_458 = tpu.vector_load %arg10[%get3A_456, %get3A_457] {strides = array<i32>} : memref<40x128xf32, #tpu.memory_space<vmem>>, vector<1x16xf32>,
        %get3A_459 = vector.shape_cast %get3A_458 : vector<1x16xf32> to vector<16xf32>
        %get3A_460 = arith.index_cast %add3A_355 : i32 to index
        %get3A_461 = arith.constant 80 : index
        %get3A_462 = tpu.vector_load %arg11[%get3A_460, %get3A_461] {strides = array<i32>} : memref<40x128xf32, #tpu.memory_space<vmem>>, vector<1x16xf32>,
        %get3A_463 = vector.shape_cast %get3A_462 : vector<1x16xf32> to vector<16xf32>
        %add3A_464 = arith.addf %get3A_459, %get3A_463 : vector<16xf32>
        %get3A_465 = arith.index_cast %add3A_355 : i32 to index
        %get3A_466 = arith.constant 80 : index
        %get3A_467 = tpu.vector_load %arg12[%get3A_465, %get3A_466] {strides = array<i32>} : memref<40x128xf32, #tpu.memory_space<vmem>>, vector<1x16xf32>,
        %get3A_468 = vector.shape_cast %get3A_467 : vector<1x16xf32> to vector<16xf32>
        %add3A_469 = arith.addf %add3A_464, %get3A_468 : vector<16xf32>
        %max3A_470 = arith.maximumf %add3A_469, %broadcast_in_dim3A_30 : vector<16xf32>
        %swap3A_471 = arith.index_cast %add3A_355 : i32 to index
        %swap3A_472 = arith.constant 80 : index
        %swap3A_473 = tpu.vector_load %arg10[%swap3A_471, %swap3A_472] {strides = array<i32>} : memref<40x128xf32, #tpu.memory_space<vmem>>, vector<1x16xf32>,
        %swap3A_474 = vector.shape_cast %swap3A_473 : vector<1x16xf32> to vector<16xf32>
        %swap3A_475 = vector.shape_cast %max3A_470 : vector<16xf32> to vector<1x16xf32>
        tpu.vector_store %arg10[%swap3A_471, %swap3A_472], %swap3A_475 {strides = array<i32>} : memref<40x128xf32, #tpu.memory_space<vmem>>, vector<1x16xf32>,
        %get3A_476 = arith.index_cast %add3A_355 : i32 to index
        %get3A_477 = arith.constant 96 : index
        %get3A_478 = tpu.vector_load %arg10[%get3A_476, %get3A_477] {strides = array<i32>} : memref<40x128xf32, #tpu.memory_space<vmem>>, vector<1x16xf32>,
        %get3A_479 = vector.shape_cast %get3A_478 : vector<1x16xf32> to vector<16xf32>
        %get3A_480 = arith.index_cast %add3A_355 : i32 to index
        %get3A_481 = arith.constant 96 : index
        %get3A_482 = tpu.vector_load %arg11[%get3A_480, %get3A_481] {strides = array<i32>} : memref<40x128xf32, #tpu.memory_space<vmem>>, vector<1x16xf32>,
        %get3A_483 = vector.shape_cast %get3A_482 : vector<1x16xf32> to vector<16xf32>
        %add3A_484 = arith.addf %get3A_479, %get3A_483 : vector<16xf32>
        %get3A_485 = arith.index_cast %add3A_355 : i32 to index
        %get3A_486 = arith.constant 96 : index
        %get3A_487 = tpu.vector_load %arg12[%get3A_485, %get3A_486] {strides = array<i32>} : memref<40x128xf32, #tpu.memory_space<vmem>>, vector<1x16xf32>,
        %get3A_488 = vector.shape_cast %get3A_487 : vector<1x16xf32> to vector<16xf32>
        %add3A_489 = arith.addf %add3A_484, %get3A_488 : vector<16xf32>
        %max3A_490 = arith.maximumf %add3A_489, %broadcast_in_dim3A_30 : vector<16xf32>
        %swap3A_491 = arith.index_cast %add3A_355 : i32 to index
        %swap3A_492 = arith.constant 96 : index
        %swap3A_493 = tpu.vector_load %arg10[%swap3A_491, %swap3A_492] {strides = array<i32>} : memref<40x128xf32, #tpu.memory_space<vmem>>, vector<1x16xf32>,
        %swap3A_494 = vector.shape_cast %swap3A_493 : vector<1x16xf32> to vector<16xf32>
        %swap3A_495 = vector.shape_cast %max3A_490 : vector<16xf32> to vector<1x16xf32>
        tpu.vector_store %arg10[%swap3A_491, %swap3A_492], %swap3A_495 {strides = array<i32>} : memref<40x128xf32, #tpu.memory_space<vmem>>, vector<1x16xf32>,
        %get3A_496 = arith.index_cast %add3A_355 : i32 to index
        %get3A_497 = arith.constant 112 : index
        %get3A_498 = tpu.vector_load %arg10[%get3A_496, %get3A_497] {strides = array<i32>} : memref<40x128xf32, #tpu.memory_space<vmem>>, vector<1x16xf32>,
        %get3A_499 = vector.shape_cast %get3A_498 : vector<1x16xf32> to vector<16xf32>
        %get3A_500 = arith.index_cast %add3A_355 : i32 to index
        %get3A_501 = arith.constant 112 : index
        %get3A_502 = tpu.vector_load %arg11[%get3A_500, %get3A_501] {strides = array<i32>} : memref<40x128xf32, #tpu.memory_space<vmem>>, vector<1x16xf32>,
        %get3A_503 = vector.shape_cast %get3A_502 : vector<1x16xf32> to vector<16xf32>
        %add3A_504 = arith.addf %get3A_499, %get3A_503 : vector<16xf32>
        %get3A_505 = arith.index_cast %add3A_355 : i32 to index
        %get3A_506 = arith.constant 112 : index
        %get3A_507 = tpu.vector_load %arg12[%get3A_505, %get3A_506] {strides = array<i32>} : memref<40x128xf32, #tpu.memory_space<vmem>>, vector<1x16xf32>,
        %get3A_508 = vector.shape_cast %get3A_507 : vector<1x16xf32> to vector<16xf32>
        %add3A_509 = arith.addf %add3A_504, %get3A_508 : vector<16xf32>
        %max3A_510 = arith.maximumf %add3A_509, %broadcast_in_dim3A_30 : vector<16xf32>
        %swap3A_511 = arith.index_cast %add3A_355 : i32 to index
        %swap3A_512 = arith.constant 112 : index
        %swap3A_513 = tpu.vector_load %arg10[%swap3A_511, %swap3A_512] {strides = array<i32>} : memref<40x128xf32, #tpu.memory_space<vmem>>, vector<1x16xf32>,
        %swap3A_514 = vector.shape_cast %swap3A_513 : vector<1x16xf32> to vector<16xf32>
        %swap3A_515 = vector.shape_cast %max3A_510 : vector<16xf32> to vector<1x16xf32>
        tpu.vector_store %arg10[%swap3A_511, %swap3A_512], %swap3A_515 {strides = array<i32>} : memref<40x128xf32, #tpu.memory_space<vmem>>, vector<1x16xf32>,
        %scan3A_516 = arith.constant 0 : i32
        scf.yield %scan3A_516 : i32
      }
      %scan3A_87 = arith.constant 20 : i32
      %jit3A = arith.constant 25 : i32
      %div3A = arith.divsi %mul3A_51, %jit3A : i32
      %sign3A = arith.constant 0 : i32
      %sign3A_88 = arith.cmpi sgt, %mul3A_51, %sign3A : i32
      %sign3A_89 = arith.extui %sign3A_88 : i1 to i32
      %sign3A_90 = arith.constant 0 : i32
      %sign3A_91 = arith.cmpi slt, %mul3A_51, %sign3A_90 : i32
      %sign3A_92 = arith.extui %sign3A_91 : i1 to i32
      %sign3A_93 = arith.subi %sign3A_89, %sign3A_92 : i32
      %sign3A_94 = arith.constant 0 : i32
      %sign3A_95 = arith.cmpi sgt, %jit3A, %sign3A_94 : i32
      %sign3A_96 = arith.extui %sign3A_95 : i1 to i32
      %sign3A_97 = arith.constant 0 : i32
      %sign3A_98 = arith.cmpi slt, %jit3A, %sign3A_97 : i32
      %sign3A_99 = arith.extui %sign3A_98 : i1 to i32
      %sign3A_100 = arith.subi %sign3A_96, %sign3A_99 : i32
      %ne3A = arith.cmpi ne, %sign3A_93, %sign3A_100 : i32
      %rem3A_101 = arith.remsi %mul3A_51, %jit3A : i32
      %ne3A_102 = arith.constant 0 : i32
      %ne3A_103 = arith.cmpi ne, %rem3A_101, %ne3A_102 : i32
      %and3A = arith.andi %ne3A, %ne3A_103 : i1
      %sub3A = arith.constant 1 : i32
      %sub3A_104 = arith.subi %div3A, %sub3A : i32
      %select_n3A = arith.select %and3A, %sub3A_104, %div3A : i32
      %rem3A_105 = arith.constant 2 : i32
      %rem3A_106 = arith.remsi %select_n3A, %rem3A_105 : i32
      %rem3A_107 = arith.constant 25 : i32
      %rem3A_108 = arith.remsi %mul3A_51, %rem3A_107 : i32
      %dma_start3A_109 = arith.constant 0 : i32
      %dma_start3A_110 = tpu.memref_slice %arg9[%rem3A_106, %rem3A_108, %dma_start3A_109] : memref<2x25x40xi32, #tpu.memory_space<vmem>> -> memref<1x1x40xi32, #tpu.memory_space<vmem>>
      %dma_start3A_111 = tpu.memref_squeeze %dma_start3A_110 : memref<1x1x40xi32, #tpu.memory_space<vmem>> -> memref<40xi32, #tpu.memory_space<vmem>>
      %dma_start3A_112 = arith.constant 0 : i32
      %dma_start3A_113 = arith.constant 0 : i32
      %dma_start3A_114 = tpu.memref_slice %arg16[%dma_start3A_112, %dma_start3A_113] : memref<10000x128xf32, #tpu.memory_space<vmem_shared>> -> memref<10000x128xf32, #tpu.memory_space<vmem_shared>>
      tpu.enqueue_indirect_dma source(%arg10 : memref<40x128xf32, #tpu.memory_space<vmem>>) target(%dma_start3A_114 : memref<10000x128xf32, #tpu.memory_space<vmem_shared>>) offsets(%dma_start3A_111 : memref<40xi32, #tpu.memory_space<vmem>>) semaphore(%arg19 : memref<!tpu.dma_semaphore, #tpu.memory_space<semaphore_mem>>) {add = true}
      %add3A_115 = arith.constant 1 : i32
      %add3A_116 = arith.addi %mul3A_51, %add3A_115 : i32
      %ge3A_117 = arith.constant 1 : i32
      %ge3A_118 = arith.cmpi sge, %add3A_116, %ge3A_117 : i32
      %convert_element_type3A_119 = arith.extui %ge3A_118 : i1 to i32
      %cond3A_120 = arith.constant 0 : i32
      %cond3A_121 = arith.cmpi ne, %convert_element_type3A_119, %cond3A_120 : i32
      scf.if %cond3A_121 {
        %dma_wait3A_189 = arith.constant 0 : i32
        %dma_wait3A_190 = arith.constant 0 : i32
        %dma_wait3A_191 = tpu.memref_slice %arg4[%dma_wait3A_189, %dma_wait3A_190] : memref<320000x128xf32, #tpu.memory_space<hbm>> -> memref<40x128xf32, #tpu.memory_space<hbm>>
        %dma_wait3A_192 = arith.constant 0 : i32
        %dma_wait3A_193 = arith.constant 0 : i32
        %dma_wait3A_194 = tpu.memref_slice %arg4[%dma_wait3A_192, %dma_wait3A_193] : memref<320000x128xf32, #tpu.memory_space<hbm>> -> memref<40x128xf32, #tpu.memory_space<hbm>>
        tpu.wait_dma2 semaphore(%arg19 : memref<!tpu.dma_semaphore, #tpu.memory_space<semaphore_mem>>) src(%dma_wait3A_194 : memref<40x128xf32, #tpu.memory_space<hbm>>) dst(%arg10 : memref<40x128xf32, #tpu.memory_space<vmem>>)
      } else {
      }
      %add3A_122 = arith.constant 1 : i32
      %add3A_123 = arith.addi %add3A_116, %add3A_122 : i32
      %lt3A_124 = arith.constant 250 : i32
      %lt3A_125 = arith.cmpi slt, %add3A_123, %lt3A_124 : i32
      %convert_element_type3A_126 = arith.extui %lt3A_125 : i1 to i32
      %cond3A_127 = arith.constant 0 : i32
      %cond3A_128 = arith.cmpi ne, %convert_element_type3A_126, %cond3A_127 : i32
      scf.if %cond3A_128 {
        %add3A_189 = arith.constant 1 : i32
        %add3A_190 = arith.addi %add3A_116, %add3A_189 : i32
        %jit3A_191 = arith.constant 25 : i32
        %div3A_192 = arith.divsi %add3A_190, %jit3A_191 : i32
        %sign3A_193 = arith.constant 0 : i32
        %sign3A_194 = arith.cmpi sgt, %add3A_190, %sign3A_193 : i32
        %sign3A_195 = arith.extui %sign3A_194 : i1 to i32
        %sign3A_196 = arith.constant 0 : i32
        %sign3A_197 = arith.cmpi slt, %add3A_190, %sign3A_196 : i32
        %sign3A_198 = arith.extui %sign3A_197 : i1 to i32
        %sign3A_199 = arith.subi %sign3A_195, %sign3A_198 : i32
        %sign3A_200 = arith.constant 0 : i32
        %sign3A_201 = arith.cmpi sgt, %jit3A_191, %sign3A_200 : i32
        %sign3A_202 = arith.extui %sign3A_201 : i1 to i32
        %sign3A_203 = arith.constant 0 : i32
        %sign3A_204 = arith.cmpi slt, %jit3A_191, %sign3A_203 : i32
        %sign3A_205 = arith.extui %sign3A_204 : i1 to i32
        %sign3A_206 = arith.subi %sign3A_202, %sign3A_205 : i32
        %ne3A_207 = arith.cmpi ne, %sign3A_199, %sign3A_206 : i32
        %rem3A_208 = arith.remsi %add3A_190, %jit3A_191 : i32
        %ne3A_209 = arith.constant 0 : i32
        %ne3A_210 = arith.cmpi ne, %rem3A_208, %ne3A_209 : i32
        %and3A_211 = arith.andi %ne3A_207, %ne3A_210 : i1
        %sub3A_212 = arith.constant 1 : i32
        %sub3A_213 = arith.subi %div3A_192, %sub3A_212 : i32
        %select_n3A_214 = arith.select %and3A_211, %sub3A_213, %div3A_192 : i32
        %add3A_215 = arith.constant 1 : i32
        %add3A_216 = arith.addi %add3A_116, %add3A_215 : i32
        %rem3A_217 = arith.constant 25 : i32
        %rem3A_218 = arith.remsi %add3A_216, %rem3A_217 : i32
        %eq3A = arith.constant 0 : i32
        %eq3A_219 = arith.cmpi eq, %rem3A_218, %eq3A : i32
        %convert_element_type3A_220 = arith.extui %eq3A_219 : i1 to i32
        %cond3A_221 = arith.constant 0 : i32
        %cond3A_222 = arith.cmpi ne, %convert_element_type3A_220, %cond3A_221 : i32
        scf.if %cond3A_222 {
          %rem3A_272 = arith.constant 2 : i32
          %rem3A_273 = arith.remsi %select_n3A_214, %rem3A_272 : i32
          "tpu.region"() ({
            %run_scoped3A_274 = tpu.sem_alloc : memref<!tpu.dma_semaphore, #tpu.memory_space<semaphore_mem>>
            %dma_start3A_275 = arith.constant 0 : i32
            %dma_start3A_276 = arith.constant 0 : i32
            %dma_start3A_277 = tpu.memref_slice %arg8[%rem3A_273, %dma_start3A_275, %dma_start3A_276] : memref<2x25x40xi32, #tpu.memory_space<vmem>> -> memref<1x25x40xi32, #tpu.memory_space<vmem>>
            %dma_start3A_278 = tpu.memref_squeeze %dma_start3A_277 : memref<1x25x40xi32, #tpu.memory_space<vmem>> -> memref<25x40xi32, #tpu.memory_space<vmem>>
            %dma_start3A_279 = arith.constant 0 : i32
            %dma_start3A_280 = arith.constant 0 : i32
            %dma_start3A_281 = tpu.memref_slice %arg5[%add3A, %select_n3A_214, %dma_start3A_279, %dma_start3A_280] : memref<32x10x25x40xi32, #tpu.memory_space<hbm>> -> memref<1x1x25x40xi32, #tpu.memory_space<hbm>>
            %dma_start3A_282 = tpu.memref_squeeze %dma_start3A_281 : memref<1x1x25x40xi32, #tpu.memory_space<hbm>> -> memref<25x40xi32, #tpu.memory_space<hbm>>
            %dma_start3A_283 = arith.constant 0 : i32
            %dma_start3A_284 = arith.constant 0 : i32
            %dma_start3A_285 = tpu.memref_slice %arg8[%rem3A_273, %dma_start3A_283, %dma_start3A_284] : memref<2x25x40xi32, #tpu.memory_space<vmem>> -> memref<1x25x40xi32, #tpu.memory_space<vmem>>
            %dma_start3A_286 = tpu.memref_squeeze %dma_start3A_285 : memref<1x25x40xi32, #tpu.memory_space<vmem>> -> memref<25x40xi32, #tpu.memory_space<vmem>>
            %dma_start3A_287 = arith.constant 0 : i32
            %dma_start3A_288 = arith.constant 0 : i32
            %dma_start3A_289 = tpu.memref_slice %arg5[%add3A, %select_n3A_214, %dma_start3A_287, %dma_start3A_288] : memref<32x10x25x40xi32, #tpu.memory_space<hbm>> -> memref<1x1x25x40xi32, #tpu.memory_space<hbm>>
            %dma_start3A_290 = tpu.memref_squeeze %dma_start3A_289 : memref<1x1x25x40xi32, #tpu.memory_space<hbm>> -> memref<25x40xi32, #tpu.memory_space<hbm>>
            tpu.enqueue_dma source(%dma_start3A_290 : memref<25x40xi32, #tpu.memory_space<hbm>>) target(%dma_start3A_286 : memref<25x40xi32, #tpu.memory_space<vmem>>) target_semaphore(%run_scoped3A_274 : memref<!tpu.dma_semaphore, #tpu.memory_space<semaphore_mem>>)
            %dma_wait3A_291 = arith.constant 0 : i32
            %dma_wait3A_292 = arith.constant 0 : i32
            %dma_wait3A_293 = tpu.memref_slice %arg8[%rem3A_273, %dma_wait3A_291, %dma_wait3A_292] : memref<2x25x40xi32, #tpu.memory_space<vmem>> -> memref<1x25x40xi32, #tpu.memory_space<vmem>>
            %dma_wait3A_294 = tpu.memref_squeeze %dma_wait3A_293 : memref<1x25x40xi32, #tpu.memory_space<vmem>> -> memref<25x40xi32, #tpu.memory_space<vmem>>
            %dma_wait3A_295 = arith.constant 0 : i32
            %dma_wait3A_296 = arith.constant 0 : i32
            %dma_wait3A_297 = tpu.memref_slice %arg5[%add3A, %select_n3A_214, %dma_wait3A_295, %dma_wait3A_296] : memref<32x10x25x40xi32, #tpu.memory_space<hbm>> -> memref<1x1x25x40xi32, #tpu.memory_space<hbm>>
            %dma_wait3A_298 = tpu.memref_squeeze %dma_wait3A_297 : memref<1x1x25x40xi32, #tpu.memory_space<hbm>> -> memref<25x40xi32, #tpu.memory_space<hbm>>
            %dma_wait3A_299 = arith.constant 0 : i32
            %dma_wait3A_300 = arith.constant 0 : i32
            %dma_wait3A_301 = tpu.memref_slice %arg8[%rem3A_273, %dma_wait3A_299, %dma_wait3A_300] : memref<2x25x40xi32, #tpu.memory_space<vmem>> -> memref<1x25x40xi32, #tpu.memory_space<vmem>>
            %dma_wait3A_302 = tpu.memref_squeeze %dma_wait3A_301 : memref<1x25x40xi32, #tpu.memory_space<vmem>> -> memref<25x40xi32, #tpu.memory_space<vmem>>
            %dma_wait3A_303 = arith.constant 0 : i32
            %dma_wait3A_304 = arith.constant 0 : i32
            %dma_wait3A_305 = tpu.memref_slice %arg5[%add3A, %select_n3A_214, %dma_wait3A_303, %dma_wait3A_304] : memref<32x10x25x40xi32, #tpu.memory_space<hbm>> -> memref<1x1x25x40xi32, #tpu.memory_space<hbm>>
            %dma_wait3A_306 = tpu.memref_squeeze %dma_wait3A_305 : memref<1x1x25x40xi32, #tpu.memory_space<hbm>> -> memref<25x40xi32, #tpu.memory_space<hbm>>
            tpu.wait_dma2 semaphore(%run_scoped3A_274 : memref<!tpu.dma_semaphore, #tpu.memory_space<semaphore_mem>>) src(%dma_wait3A_306 : memref<25x40xi32, #tpu.memory_space<hbm>>) dst(%dma_wait3A_302 : memref<25x40xi32, #tpu.memory_space<vmem>>)
            tpu.yield
          }) : () -> ()
          "tpu.region"() ({
            %run_scoped3A_274 = tpu.sem_alloc : memref<!tpu.dma_semaphore, #tpu.memory_space<semaphore_mem>>
            %dma_start3A_275 = arith.constant 0 : i32
            %dma_start3A_276 = arith.constant 0 : i32
            %dma_start3A_277 = tpu.memref_slice %arg9[%rem3A_273, %dma_start3A_275, %dma_start3A_276] : memref<2x25x40xi32, #tpu.memory_space<vmem>> -> memref<1x25x40xi32, #tpu.memory_space<vmem>>
            %dma_start3A_278 = tpu.memref_squeeze %dma_start3A_277 : memref<1x25x40xi32, #tpu.memory_space<vmem>> -> memref<25x40xi32, #tpu.memory_space<vmem>>
            %dma_start3A_279 = arith.constant 0 : i32
            %dma_start3A_280 = arith.constant 0 : i32
            %dma_start3A_281 = tpu.memref_slice %arg6[%add3A, %select_n3A_214, %dma_start3A_279, %dma_start3A_280] : memref<32x10x25x40xi32, #tpu.memory_space<hbm>> -> memref<1x1x25x40xi32, #tpu.memory_space<hbm>>
            %dma_start3A_282 = tpu.memref_squeeze %dma_start3A_281 : memref<1x1x25x40xi32, #tpu.memory_space<hbm>> -> memref<25x40xi32, #tpu.memory_space<hbm>>
            %dma_start3A_283 = arith.constant 0 : i32
            %dma_start3A_284 = arith.constant 0 : i32
            %dma_start3A_285 = tpu.memref_slice %arg9[%rem3A_273, %dma_start3A_283, %dma_start3A_284] : memref<2x25x40xi32, #tpu.memory_space<vmem>> -> memref<1x25x40xi32, #tpu.memory_space<vmem>>
            %dma_start3A_286 = tpu.memref_squeeze %dma_start3A_285 : memref<1x25x40xi32, #tpu.memory_space<vmem>> -> memref<25x40xi32, #tpu.memory_space<vmem>>
            %dma_start3A_287 = arith.constant 0 : i32
            %dma_start3A_288 = arith.constant 0 : i32
            %dma_start3A_289 = tpu.memref_slice %arg6[%add3A, %select_n3A_214, %dma_start3A_287, %dma_start3A_288] : memref<32x10x25x40xi32, #tpu.memory_space<hbm>> -> memref<1x1x25x40xi32, #tpu.memory_space<hbm>>
            %dma_start3A_290 = tpu.memref_squeeze %dma_start3A_289 : memref<1x1x25x40xi32, #tpu.memory_space<hbm>> -> memref<25x40xi32, #tpu.memory_space<hbm>>
            tpu.enqueue_dma source(%dma_start3A_290 : memref<25x40xi32, #tpu.memory_space<hbm>>) target(%dma_start3A_286 : memref<25x40xi32, #tpu.memory_space<vmem>>) target_semaphore(%run_scoped3A_274 : memref<!tpu.dma_semaphore, #tpu.memory_space<semaphore_mem>>)
            %dma_wait3A_291 = arith.constant 0 : i32
            %dma_wait3A_292 = arith.constant 0 : i32
            %dma_wait3A_293 = tpu.memref_slice %arg9[%rem3A_273, %dma_wait3A_291, %dma_wait3A_292] : memref<2x25x40xi32, #tpu.memory_space<vmem>> -> memref<1x25x40xi32, #tpu.memory_space<vmem>>
            %dma_wait3A_294 = tpu.memref_squeeze %dma_wait3A_293 : memref<1x25x40xi32, #tpu.memory_space<vmem>> -> memref<25x40xi32, #tpu.memory_space<vmem>>
            %dma_wait3A_295 = arith.constant 0 : i32
            %dma_wait3A_296 = arith.constant 0 : i32
            %dma_wait3A_297 = tpu.memref_slice %arg6[%add3A, %select_n3A_214, %dma_wait3A_295, %dma_wait3A_296] : memref<32x10x25x40xi32, #tpu.memory_space<hbm>> -> memref<1x1x25x40xi32, #tpu.memory_space<hbm>>
            %dma_wait3A_298 = tpu.memref_squeeze %dma_wait3A_297 : memref<1x1x25x40xi32, #tpu.memory_space<hbm>> -> memref<25x40xi32, #tpu.memory_space<hbm>>
            %dma_wait3A_299 = arith.constant 0 : i32
            %dma_wait3A_300 = arith.constant 0 : i32
            %dma_wait3A_301 = tpu.memref_slice %arg9[%rem3A_273, %dma_wait3A_299, %dma_wait3A_300] : memref<2x25x40xi32, #tpu.memory_space<vmem>> -> memref<1x25x40xi32, #tpu.memory_space<vmem>>
            %dma_wait3A_302 = tpu.memref_squeeze %dma_wait3A_301 : memref<1x25x40xi32, #tpu.memory_space<vmem>> -> memref<25x40xi32, #tpu.memory_space<vmem>>
            %dma_wait3A_303 = arith.constant 0 : i32
            %dma_wait3A_304 = arith.constant 0 : i32
            %dma_wait3A_305 = tpu.memref_slice %arg6[%add3A, %select_n3A_214, %dma_wait3A_303, %dma_wait3A_304] : memref<32x10x25x40xi32, #tpu.memory_space<hbm>> -> memref<1x1x25x40xi32, #tpu.memory_space<hbm>>
            %dma_wait3A_306 = tpu.memref_squeeze %dma_wait3A_305 : memref<1x1x25x40xi32, #tpu.memory_space<hbm>> -> memref<25x40xi32, #tpu.memory_space<hbm>>
            tpu.wait_dma2 semaphore(%run_scoped3A_274 : memref<!tpu.dma_semaphore, #tpu.memory_space<semaphore_mem>>) src(%dma_wait3A_306 : memref<25x40xi32, #tpu.memory_space<hbm>>) dst(%dma_wait3A_302 : memref<25x40xi32, #tpu.memory_space<vmem>>)
            tpu.yield
          }) : () -> ()
        } else {
        }
        %add3A_223 = arith.constant 1 : i32
        %add3A_224 = arith.addi %add3A_116, %add3A_223 : i32
        %jit3A_225 = arith.constant 25 : i32
        %div3A_226 = arith.divsi %add3A_224, %jit3A_225 : i32
        %sign3A_227 = arith.constant 0 : i32
        %sign3A_228 = arith.cmpi sgt, %add3A_224, %sign3A_227 : i32
        %sign3A_229 = arith.extui %sign3A_228 : i1 to i32
        %sign3A_230 = arith.constant 0 : i32
        %sign3A_231 = arith.cmpi slt, %add3A_224, %sign3A_230 : i32
        %sign3A_232 = arith.extui %sign3A_231 : i1 to i32
        %sign3A_233 = arith.subi %sign3A_229, %sign3A_232 : i32
        %sign3A_234 = arith.constant 0 : i32
        %sign3A_235 = arith.cmpi sgt, %jit3A_225, %sign3A_234 : i32
        %sign3A_236 = arith.extui %sign3A_235 : i1 to i32
        %sign3A_237 = arith.constant 0 : i32
        %sign3A_238 = arith.cmpi slt, %jit3A_225, %sign3A_237 : i32
        %sign3A_239 = arith.extui %sign3A_238 : i1 to i32
        %sign3A_240 = arith.subi %sign3A_236, %sign3A_239 : i32
        %ne3A_241 = arith.cmpi ne, %sign3A_233, %sign3A_240 : i32
        %rem3A_242 = arith.remsi %add3A_224, %jit3A_225 : i32
        %ne3A_243 = arith.constant 0 : i32
        %ne3A_244 = arith.cmpi ne, %rem3A_242, %ne3A_243 : i32
        %and3A_245 = arith.andi %ne3A_241, %ne3A_244 : i1
        %sub3A_246 = arith.constant 1 : i32
        %sub3A_247 = arith.subi %div3A_226, %sub3A_246 : i32
        %select_n3A_248 = arith.select %and3A_245, %sub3A_247, %div3A_226 : i32
        %rem3A_249 = arith.constant 2 : i32
        %rem3A_250 = arith.remsi %select_n3A_248, %rem3A_249 : i32
        %rem3A_251 = arith.constant 25 : i32
        %rem3A_252 = arith.remsi %add3A_224, %rem3A_251 : i32
        %dma_start3A_253 = arith.constant 0 : i32
        %dma_start3A_254 = tpu.memref_slice %arg8[%rem3A_250, %rem3A_252, %dma_start3A_253] : memref<2x25x40xi32, #tpu.memory_space<vmem>> -> memref<1x1x40xi32, #tpu.memory_space<vmem>>
        %dma_start3A_255 = tpu.memref_squeeze %dma_start3A_254 : memref<1x1x40xi32, #tpu.memory_space<vmem>> -> memref<40xi32, #tpu.memory_space<vmem>>
        %dma_start3A_256 = arith.constant 0 : i32
        %dma_start3A_257 = arith.constant 0 : i32
        %dma_start3A_258 = tpu.memref_slice %arg2[%dma_start3A_256, %dma_start3A_257] : memref<10000x128xf32, #tpu.memory_space<hbm>> -> memref<10000x128xf32, #tpu.memory_space<hbm>>
        tpu.enqueue_indirect_dma source(%dma_start3A_258 : memref<10000x128xf32, #tpu.memory_space<hbm>>) target(%arg10 : memref<40x128xf32, #tpu.memory_space<vmem>>) offsets(%dma_start3A_255 : memref<40xi32, #tpu.memory_space<vmem>>) semaphore(%arg17 : memref<!tpu.dma_semaphore, #tpu.memory_space<semaphore_mem>>)
        %dma_start3A_259 = arith.constant 0 : i32
        %dma_start3A_260 = tpu.memref_slice %arg9[%rem3A_250, %rem3A_252, %dma_start3A_259] : memref<2x25x40xi32, #tpu.memory_space<vmem>> -> memref<1x1x40xi32, #tpu.memory_space<vmem>>
        %dma_start3A_261 = tpu.memref_squeeze %dma_start3A_260 : memref<1x1x40xi32, #tpu.memory_space<vmem>> -> memref<40xi32, #tpu.memory_space<vmem>>
        %dma_start3A_262 = arith.constant 0 : i32
        %dma_start3A_263 = arith.constant 0 : i32
        %dma_start3A_264 = tpu.memref_slice %arg3[%dma_start3A_262, %dma_start3A_263] : memref<10000x128xf32, #tpu.memory_space<hbm>> -> memref<10000x128xf32, #tpu.memory_space<hbm>>
        tpu.enqueue_indirect_dma source(%dma_start3A_264 : memref<10000x128xf32, #tpu.memory_space<hbm>>) target(%arg11 : memref<40x128xf32, #tpu.memory_space<vmem>>) offsets(%dma_start3A_261 : memref<40xi32, #tpu.memory_space<vmem>>) semaphore(%arg17 : memref<!tpu.dma_semaphore, #tpu.memory_space<semaphore_mem>>)
        %mul3A_265 = arith.constant 40 : i32
        %mul3A_266 = arith.muli %add3A_224, %mul3A_265 : i32
        %add3A_267 = arith.addi %mul3A_2, %mul3A_266 : i32
        %dma_start3A_268 = arith.constant 0 : i32
        %dma_start3A_269 = tpu.memref_slice %arg4[%add3A_267, %dma_start3A_268] : memref<320000x128xf32, #tpu.memory_space<hbm>> -> memref<40x128xf32, #tpu.memory_space<hbm>>
        %dma_start3A_270 = arith.constant 0 : i32
        %dma_start3A_271 = tpu.memref_slice %arg4[%add3A_267, %dma_start3A_270] : memref<320000x128xf32, #tpu.memory_space<hbm>> -> memref<40x128xf32, #tpu.memory_space<hbm>>
        tpu.enqueue_dma source(%dma_start3A_271 : memref<40x128xf32, #tpu.memory_space<hbm>>) target(%arg12 : memref<40x128xf32, #tpu.memory_space<vmem>>) target_semaphore(%arg17 : memref<!tpu.dma_semaphore, #tpu.memory_space<semaphore_mem>>)
      } else {
      }
      %dma_wait3A_129 = arith.constant 0 : i32
      %dma_wait3A_130 = arith.constant 0 : i32
      %dma_wait3A_131 = tpu.memref_slice %arg2[%dma_wait3A_129, %dma_wait3A_130] : memref<10000x128xf32, #tpu.memory_space<hbm>> -> memref<40x128xf32, #tpu.memory_space<hbm>>
      %dma_wait3A_132 = arith.constant 0 : i32
      %dma_wait3A_133 = arith.constant 0 : i32
      %dma_wait3A_134 = tpu.memref_slice %arg2[%dma_wait3A_132, %dma_wait3A_133] : memref<10000x128xf32, #tpu.memory_space<hbm>> -> memref<40x128xf32, #tpu.memory_space<hbm>>
      tpu.wait_dma2 semaphore(%arg18 : memref<!tpu.dma_semaphore, #tpu.memory_space<semaphore_mem>>) src(%dma_wait3A_134 : memref<40x128xf32, #tpu.memory_space<hbm>>) dst(%arg13 : memref<40x128xf32, #tpu.memory_space<vmem>>)
      %dma_wait3A_135 = arith.constant 0 : i32
      %dma_wait3A_136 = arith.constant 0 : i32
      %dma_wait3A_137 = tpu.memref_slice %arg3[%dma_wait3A_135, %dma_wait3A_136] : memref<10000x128xf32, #tpu.memory_space<hbm>> -> memref<40x128xf32, #tpu.memory_space<hbm>>
      %dma_wait3A_138 = arith.constant 0 : i32
      %dma_wait3A_139 = arith.constant 0 : i32
      %dma_wait3A_140 = tpu.memref_slice %arg3[%dma_wait3A_138, %dma_wait3A_139] : memref<10000x128xf32, #tpu.memory_space<hbm>> -> memref<40x128xf32, #tpu.memory_space<hbm>>
      tpu.wait_dma2 semaphore(%arg18 : memref<!tpu.dma_semaphore, #tpu.memory_space<semaphore_mem>>) src(%dma_wait3A_140 : memref<40x128xf32, #tpu.memory_space<hbm>>) dst(%arg14 : memref<40x128xf32, #tpu.memory_space<vmem>>)
      %dma_wait3A_141 = arith.constant 0 : i32
      %dma_wait3A_142 = arith.constant 0 : i32
      %dma_wait3A_143 = tpu.memref_slice %arg4[%dma_wait3A_141, %dma_wait3A_142] : memref<320000x128xf32, #tpu.memory_space<hbm>> -> memref<40x128xf32, #tpu.memory_space<hbm>>
      %dma_wait3A_144 = arith.constant 0 : i32
      %dma_wait3A_145 = arith.constant 0 : i32
      %dma_wait3A_146 = tpu.memref_slice %arg4[%dma_wait3A_144, %dma_wait3A_145] : memref<320000x128xf32, #tpu.memory_space<hbm>> -> memref<40x128xf32, #tpu.memory_space<hbm>>
      tpu.wait_dma2 semaphore(%arg18 : memref<!tpu.dma_semaphore, #tpu.memory_space<semaphore_mem>>) src(%dma_wait3A_146 : memref<40x128xf32, #tpu.memory_space<hbm>>) dst(%arg15 : memref<40x128xf32, #tpu.memory_space<vmem>>)
      %scan3A_147 = arith.constant 0 : i32
      %scan3A_148 = arith.constant 0 : i32
      %scan3A_149 = arith.constant 20 : i32
      %scan3A_150 = arith.addi %scan3A_148, %scan3A_149 : i32
      %scan3A_151 = arith.constant 1 : i32
      %scan3A_152 = scf.for %scan3A_189 = %scan3A_148 to %scan3A_150 step %scan3A_151 iter_args(%scan3A_190 = %scan3A_147) -> (i32)  : i32 {
        %mul3A_191 = arith.constant 2 : i32
        %mul3A_192 = arith.muli %mul3A_191, %scan3A_189 : i32
        %add3A_193 = arith.constant 0 : i32
        %add3A_194 = arith.addi %mul3A_192, %add3A_193 : i32
        %get3A = arith.index_cast %add3A_194 : i32 to index
        %get3A_195 = arith.constant 0 : index
        %get3A_196 = tpu.vector_load %arg13[%get3A, %get3A_195] {strides = array<i32>} : memref<40x128xf32, #tpu.memory_space<vmem>>, vector<1x16xf32>,
        %get3A_197 = vector.shape_cast %get3A_196 : vector<1x16xf32> to vector<16xf32>
        %get3A_198 = arith.index_cast %add3A_194 : i32 to index
        %get3A_199 = arith.constant 0 : index
        %get3A_200 = tpu.vector_load %arg14[%get3A_198, %get3A_199] {strides = array<i32>} : memref<40x128xf32, #tpu.memory_space<vmem>>, vector<1x16xf32>,
        %get3A_201 = vector.shape_cast %get3A_200 : vector<1x16xf32> to vector<16xf32>
        %add3A_202 = arith.addf %get3A_197, %get3A_201 : vector<16xf32>
        %get3A_203 = arith.index_cast %add3A_194 : i32 to index
        %get3A_204 = arith.constant 0 : index
        %get3A_205 = tpu.vector_load %arg15[%get3A_203, %get3A_204] {strides = array<i32>} : memref<40x128xf32, #tpu.memory_space<vmem>>, vector<1x16xf32>,
        %get3A_206 = vector.shape_cast %get3A_205 : vector<1x16xf32> to vector<16xf32>
        %add3A_207 = arith.addf %add3A_202, %get3A_206 : vector<16xf32>
        %max3A = arith.maximumf %add3A_207, %broadcast_in_dim3A_30 : vector<16xf32>
        %swap3A = arith.index_cast %add3A_194 : i32 to index
        %swap3A_208 = arith.constant 0 : index
        %swap3A_209 = tpu.vector_load %arg13[%swap3A, %swap3A_208] {strides = array<i32>} : memref<40x128xf32, #tpu.memory_space<vmem>>, vector<1x16xf32>,
        %swap3A_210 = vector.shape_cast %swap3A_209 : vector<1x16xf32> to vector<16xf32>
        %swap3A_211 = vector.shape_cast %max3A : vector<16xf32> to vector<1x16xf32>
        tpu.vector_store %arg13[%swap3A, %swap3A_208], %swap3A_211 {strides = array<i32>} : memref<40x128xf32, #tpu.memory_space<vmem>>, vector<1x16xf32>,
        %get3A_212 = arith.index_cast %add3A_194 : i32 to index
        %get3A_213 = arith.constant 16 : index
        %get3A_214 = tpu.vector_load %arg13[%get3A_212, %get3A_213] {strides = array<i32>} : memref<40x128xf32, #tpu.memory_space<vmem>>, vector<1x16xf32>,
        %get3A_215 = vector.shape_cast %get3A_214 : vector<1x16xf32> to vector<16xf32>
        %get3A_216 = arith.index_cast %add3A_194 : i32 to index
        %get3A_217 = arith.constant 16 : index
        %get3A_218 = tpu.vector_load %arg14[%get3A_216, %get3A_217] {strides = array<i32>} : memref<40x128xf32, #tpu.memory_space<vmem>>, vector<1x16xf32>,
        %get3A_219 = vector.shape_cast %get3A_218 : vector<1x16xf32> to vector<16xf32>
        %add3A_220 = arith.addf %get3A_215, %get3A_219 : vector<16xf32>
        %get3A_221 = arith.index_cast %add3A_194 : i32 to index
        %get3A_222 = arith.constant 16 : index
        %get3A_223 = tpu.vector_load %arg15[%get3A_221, %get3A_222] {strides = array<i32>} : memref<40x128xf32, #tpu.memory_space<vmem>>, vector<1x16xf32>,
        %get3A_224 = vector.shape_cast %get3A_223 : vector<1x16xf32> to vector<16xf32>
        %add3A_225 = arith.addf %add3A_220, %get3A_224 : vector<16xf32>
        %max3A_226 = arith.maximumf %add3A_225, %broadcast_in_dim3A_30 : vector<16xf32>
        %swap3A_227 = arith.index_cast %add3A_194 : i32 to index
        %swap3A_228 = arith.constant 16 : index
        %swap3A_229 = tpu.vector_load %arg13[%swap3A_227, %swap3A_228] {strides = array<i32>} : memref<40x128xf32, #tpu.memory_space<vmem>>, vector<1x16xf32>,
        %swap3A_230 = vector.shape_cast %swap3A_229 : vector<1x16xf32> to vector<16xf32>
        %swap3A_231 = vector.shape_cast %max3A_226 : vector<16xf32> to vector<1x16xf32>
        tpu.vector_store %arg13[%swap3A_227, %swap3A_228], %swap3A_231 {strides = array<i32>} : memref<40x128xf32, #tpu.memory_space<vmem>>, vector<1x16xf32>,
        %get3A_232 = arith.index_cast %add3A_194 : i32 to index
        %get3A_233 = arith.constant 32 : index
        %get3A_234 = tpu.vector_load %arg13[%get3A_232, %get3A_233] {strides = array<i32>} : memref<40x128xf32, #tpu.memory_space<vmem>>, vector<1x16xf32>,
        %get3A_235 = vector.shape_cast %get3A_234 : vector<1x16xf32> to vector<16xf32>
        %get3A_236 = arith.index_cast %add3A_194 : i32 to index
        %get3A_237 = arith.constant 32 : index
        %get3A_238 = tpu.vector_load %arg14[%get3A_236, %get3A_237] {strides = array<i32>} : memref<40x128xf32, #tpu.memory_space<vmem>>, vector<1x16xf32>,
        %get3A_239 = vector.shape_cast %get3A_238 : vector<1x16xf32> to vector<16xf32>
        %add3A_240 = arith.addf %get3A_235, %get3A_239 : vector<16xf32>
        %get3A_241 = arith.index_cast %add3A_194 : i32 to index
        %get3A_242 = arith.constant 32 : index
        %get3A_243 = tpu.vector_load %arg15[%get3A_241, %get3A_242] {strides = array<i32>} : memref<40x128xf32, #tpu.memory_space<vmem>>, vector<1x16xf32>,
        %get3A_244 = vector.shape_cast %get3A_243 : vector<1x16xf32> to vector<16xf32>
        %add3A_245 = arith.addf %add3A_240, %get3A_244 : vector<16xf32>
        %max3A_246 = arith.maximumf %add3A_245, %broadcast_in_dim3A_30 : vector<16xf32>
        %swap3A_247 = arith.index_cast %add3A_194 : i32 to index
        %swap3A_248 = arith.constant 32 : index
        %swap3A_249 = tpu.vector_load %arg13[%swap3A_247, %swap3A_248] {strides = array<i32>} : memref<40x128xf32, #tpu.memory_space<vmem>>, vector<1x16xf32>,
        %swap3A_250 = vector.shape_cast %swap3A_249 : vector<1x16xf32> to vector<16xf32>
        %swap3A_251 = vector.shape_cast %max3A_246 : vector<16xf32> to vector<1x16xf32>
        tpu.vector_store %arg13[%swap3A_247, %swap3A_248], %swap3A_251 {strides = array<i32>} : memref<40x128xf32, #tpu.memory_space<vmem>>, vector<1x16xf32>,
        %get3A_252 = arith.index_cast %add3A_194 : i32 to index
        %get3A_253 = arith.constant 48 : index
        %get3A_254 = tpu.vector_load %arg13[%get3A_252, %get3A_253] {strides = array<i32>} : memref<40x128xf32, #tpu.memory_space<vmem>>, vector<1x16xf32>,
        %get3A_255 = vector.shape_cast %get3A_254 : vector<1x16xf32> to vector<16xf32>
        %get3A_256 = arith.index_cast %add3A_194 : i32 to index
        %get3A_257 = arith.constant 48 : index
        %get3A_258 = tpu.vector_load %arg14[%get3A_256, %get3A_257] {strides = array<i32>} : memref<40x128xf32, #tpu.memory_space<vmem>>, vector<1x16xf32>,
        %get3A_259 = vector.shape_cast %get3A_258 : vector<1x16xf32> to vector<16xf32>
        %add3A_260 = arith.addf %get3A_255, %get3A_259 : vector<16xf32>
        %get3A_261 = arith.index_cast %add3A_194 : i32 to index
        %get3A_262 = arith.constant 48 : index
        %get3A_263 = tpu.vector_load %arg15[%get3A_261, %get3A_262] {strides = array<i32>} : memref<40x128xf32, #tpu.memory_space<vmem>>, vector<1x16xf32>,
        %get3A_264 = vector.shape_cast %get3A_263 : vector<1x16xf32> to vector<16xf32>
        %add3A_265 = arith.addf %add3A_260, %get3A_264 : vector<16xf32>
        %max3A_266 = arith.maximumf %add3A_265, %broadcast_in_dim3A_30 : vector<16xf32>
        %swap3A_267 = arith.index_cast %add3A_194 : i32 to index
        %swap3A_268 = arith.constant 48 : index
        %swap3A_269 = tpu.vector_load %arg13[%swap3A_267, %swap3A_268] {strides = array<i32>} : memref<40x128xf32, #tpu.memory_space<vmem>>, vector<1x16xf32>,
        %swap3A_270 = vector.shape_cast %swap3A_269 : vector<1x16xf32> to vector<16xf32>
        %swap3A_271 = vector.shape_cast %max3A_266 : vector<16xf32> to vector<1x16xf32>
        tpu.vector_store %arg13[%swap3A_267, %swap3A_268], %swap3A_271 {strides = array<i32>} : memref<40x128xf32, #tpu.memory_space<vmem>>, vector<1x16xf32>,
        %get3A_272 = arith.index_cast %add3A_194 : i32 to index
        %get3A_273 = arith.constant 64 : index
        %get3A_274 = tpu.vector_load %arg13[%get3A_272, %get3A_273] {strides = array<i32>} : memref<40x128xf32, #tpu.memory_space<vmem>>, vector<1x16xf32>,
        %get3A_275 = vector.shape_cast %get3A_274 : vector<1x16xf32> to vector<16xf32>
        %get3A_276 = arith.index_cast %add3A_194 : i32 to index
        %get3A_277 = arith.constant 64 : index
        %get3A_278 = tpu.vector_load %arg14[%get3A_276, %get3A_277] {strides = array<i32>} : memref<40x128xf32, #tpu.memory_space<vmem>>, vector<1x16xf32>,
        %get3A_279 = vector.shape_cast %get3A_278 : vector<1x16xf32> to vector<16xf32>
        %add3A_280 = arith.addf %get3A_275, %get3A_279 : vector<16xf32>
        %get3A_281 = arith.index_cast %add3A_194 : i32 to index
        %get3A_282 = arith.constant 64 : index
        %get3A_283 = tpu.vector_load %arg15[%get3A_281, %get3A_282] {strides = array<i32>} : memref<40x128xf32, #tpu.memory_space<vmem>>, vector<1x16xf32>,
        %get3A_284 = vector.shape_cast %get3A_283 : vector<1x16xf32> to vector<16xf32>
        %add3A_285 = arith.addf %add3A_280, %get3A_284 : vector<16xf32>
        %max3A_286 = arith.maximumf %add3A_285, %broadcast_in_dim3A_30 : vector<16xf32>
        %swap3A_287 = arith.index_cast %add3A_194 : i32 to index
        %swap3A_288 = arith.constant 64 : index
        %swap3A_289 = tpu.vector_load %arg13[%swap3A_287, %swap3A_288] {strides = array<i32>} : memref<40x128xf32, #tpu.memory_space<vmem>>, vector<1x16xf32>,
        %swap3A_290 = vector.shape_cast %swap3A_289 : vector<1x16xf32> to vector<16xf32>
        %swap3A_291 = vector.shape_cast %max3A_286 : vector<16xf32> to vector<1x16xf32>
        tpu.vector_store %arg13[%swap3A_287, %swap3A_288], %swap3A_291 {strides = array<i32>} : memref<40x128xf32, #tpu.memory_space<vmem>>, vector<1x16xf32>,
        %get3A_292 = arith.index_cast %add3A_194 : i32 to index
        %get3A_293 = arith.constant 80 : index
        %get3A_294 = tpu.vector_load %arg13[%get3A_292, %get3A_293] {strides = array<i32>} : memref<40x128xf32, #tpu.memory_space<vmem>>, vector<1x16xf32>,
        %get3A_295 = vector.shape_cast %get3A_294 : vector<1x16xf32> to vector<16xf32>
        %get3A_296 = arith.index_cast %add3A_194 : i32 to index
        %get3A_297 = arith.constant 80 : index
        %get3A_298 = tpu.vector_load %arg14[%get3A_296, %get3A_297] {strides = array<i32>} : memref<40x128xf32, #tpu.memory_space<vmem>>, vector<1x16xf32>,
        %get3A_299 = vector.shape_cast %get3A_298 : vector<1x16xf32> to vector<16xf32>
        %add3A_300 = arith.addf %get3A_295, %get3A_299 : vector<16xf32>
        %get3A_301 = arith.index_cast %add3A_194 : i32 to index
        %get3A_302 = arith.constant 80 : index
        %get3A_303 = tpu.vector_load %arg15[%get3A_301, %get3A_302] {strides = array<i32>} : memref<40x128xf32, #tpu.memory_space<vmem>>, vector<1x16xf32>,
        %get3A_304 = vector.shape_cast %get3A_303 : vector<1x16xf32> to vector<16xf32>
        %add3A_305 = arith.addf %add3A_300, %get3A_304 : vector<16xf32>
        %max3A_306 = arith.maximumf %add3A_305, %broadcast_in_dim3A_30 : vector<16xf32>
        %swap3A_307 = arith.index_cast %add3A_194 : i32 to index
        %swap3A_308 = arith.constant 80 : index
        %swap3A_309 = tpu.vector_load %arg13[%swap3A_307, %swap3A_308] {strides = array<i32>} : memref<40x128xf32, #tpu.memory_space<vmem>>, vector<1x16xf32>,
        %swap3A_310 = vector.shape_cast %swap3A_309 : vector<1x16xf32> to vector<16xf32>
        %swap3A_311 = vector.shape_cast %max3A_306 : vector<16xf32> to vector<1x16xf32>
        tpu.vector_store %arg13[%swap3A_307, %swap3A_308], %swap3A_311 {strides = array<i32>} : memref<40x128xf32, #tpu.memory_space<vmem>>, vector<1x16xf32>,
        %get3A_312 = arith.index_cast %add3A_194 : i32 to index
        %get3A_313 = arith.constant 96 : index
        %get3A_314 = tpu.vector_load %arg13[%get3A_312, %get3A_313] {strides = array<i32>} : memref<40x128xf32, #tpu.memory_space<vmem>>, vector<1x16xf32>,
        %get3A_315 = vector.shape_cast %get3A_314 : vector<1x16xf32> to vector<16xf32>
        %get3A_316 = arith.index_cast %add3A_194 : i32 to index
        %get3A_317 = arith.constant 96 : index
        %get3A_318 = tpu.vector_load %arg14[%get3A_316, %get3A_317] {strides = array<i32>} : memref<40x128xf32, #tpu.memory_space<vmem>>, vector<1x16xf32>,
        %get3A_319 = vector.shape_cast %get3A_318 : vector<1x16xf32> to vector<16xf32>
        %add3A_320 = arith.addf %get3A_315, %get3A_319 : vector<16xf32>
        %get3A_321 = arith.index_cast %add3A_194 : i32 to index
        %get3A_322 = arith.constant 96 : index
        %get3A_323 = tpu.vector_load %arg15[%get3A_321, %get3A_322] {strides = array<i32>} : memref<40x128xf32, #tpu.memory_space<vmem>>, vector<1x16xf32>,
        %get3A_324 = vector.shape_cast %get3A_323 : vector<1x16xf32> to vector<16xf32>
        %add3A_325 = arith.addf %add3A_320, %get3A_324 : vector<16xf32>
        %max3A_326 = arith.maximumf %add3A_325, %broadcast_in_dim3A_30 : vector<16xf32>
        %swap3A_327 = arith.index_cast %add3A_194 : i32 to index
        %swap3A_328 = arith.constant 96 : index
        %swap3A_329 = tpu.vector_load %arg13[%swap3A_327, %swap3A_328] {strides = array<i32>} : memref<40x128xf32, #tpu.memory_space<vmem>>, vector<1x16xf32>,
        %swap3A_330 = vector.shape_cast %swap3A_329 : vector<1x16xf32> to vector<16xf32>
        %swap3A_331 = vector.shape_cast %max3A_326 : vector<16xf32> to vector<1x16xf32>
        tpu.vector_store %arg13[%swap3A_327, %swap3A_328], %swap3A_331 {strides = array<i32>} : memref<40x128xf32, #tpu.memory_space<vmem>>, vector<1x16xf32>,
        %get3A_332 = arith.index_cast %add3A_194 : i32 to index
        %get3A_333 = arith.constant 112 : index
        %get3A_334 = tpu.vector_load %arg13[%get3A_332, %get3A_333] {strides = array<i32>} : memref<40x128xf32, #tpu.memory_space<vmem>>, vector<1x16xf32>,
        %get3A_335 = vector.shape_cast %get3A_334 : vector<1x16xf32> to vector<16xf32>
        %get3A_336 = arith.index_cast %add3A_194 : i32 to index
        %get3A_337 = arith.constant 112 : index
        %get3A_338 = tpu.vector_load %arg14[%get3A_336, %get3A_337] {strides = array<i32>} : memref<40x128xf32, #tpu.memory_space<vmem>>, vector<1x16xf32>,
        %get3A_339 = vector.shape_cast %get3A_338 : vector<1x16xf32> to vector<16xf32>
        %add3A_340 = arith.addf %get3A_335, %get3A_339 : vector<16xf32>
        %get3A_341 = arith.index_cast %add3A_194 : i32 to index
        %get3A_342 = arith.constant 112 : index
        %get3A_343 = tpu.vector_load %arg15[%get3A_341, %get3A_342] {strides = array<i32>} : memref<40x128xf32, #tpu.memory_space<vmem>>, vector<1x16xf32>,
        %get3A_344 = vector.shape_cast %get3A_343 : vector<1x16xf32> to vector<16xf32>
        %add3A_345 = arith.addf %add3A_340, %get3A_344 : vector<16xf32>
        %max3A_346 = arith.maximumf %add3A_345, %broadcast_in_dim3A_30 : vector<16xf32>
        %swap3A_347 = arith.index_cast %add3A_194 : i32 to index
        %swap3A_348 = arith.constant 112 : index
        %swap3A_349 = tpu.vector_load %arg13[%swap3A_347, %swap3A_348] {strides = array<i32>} : memref<40x128xf32, #tpu.memory_space<vmem>>, vector<1x16xf32>,
        %swap3A_350 = vector.shape_cast %swap3A_349 : vector<1x16xf32> to vector<16xf32>
        %swap3A_351 = vector.shape_cast %max3A_346 : vector<16xf32> to vector<1x16xf32>
        tpu.vector_store %arg13[%swap3A_347, %swap3A_348], %swap3A_351 {strides = array<i32>} : memref<40x128xf32, #tpu.memory_space<vmem>>, vector<1x16xf32>,
        %mul3A_352 = arith.constant 2 : i32
        %mul3A_353 = arith.muli %mul3A_352, %scan3A_189 : i32
        %add3A_354 = arith.constant 1 : i32
        %add3A_355 = arith.addi %mul3A_353, %add3A_354 : i32
        %get3A_356 = arith.index_cast %add3A_355 : i32 to index
        %get3A_357 = arith.constant 0 : index
        %get3A_358 = tpu.vector_load %arg13[%get3A_356, %get3A_357] {strides = array<i32>} : memref<40x128xf32, #tpu.memory_space<vmem>>, vector<1x16xf32>,
        %get3A_359 = vector.shape_cast %get3A_358 : vector<1x16xf32> to vector<16xf32>
        %get3A_360 = arith.index_cast %add3A_355 : i32 to index
        %get3A_361 = arith.constant 0 : index
        %get3A_362 = tpu.vector_load %arg14[%get3A_360, %get3A_361] {strides = array<i32>} : memref<40x128xf32, #tpu.memory_space<vmem>>, vector<1x16xf32>,
        %get3A_363 = vector.shape_cast %get3A_362 : vector<1x16xf32> to vector<16xf32>
        %add3A_364 = arith.addf %get3A_359, %get3A_363 : vector<16xf32>
        %get3A_365 = arith.index_cast %add3A_355 : i32 to index
        %get3A_366 = arith.constant 0 : index
        %get3A_367 = tpu.vector_load %arg15[%get3A_365, %get3A_366] {strides = array<i32>} : memref<40x128xf32, #tpu.memory_space<vmem>>, vector<1x16xf32>,
        %get3A_368 = vector.shape_cast %get3A_367 : vector<1x16xf32> to vector<16xf32>
        %add3A_369 = arith.addf %add3A_364, %get3A_368 : vector<16xf32>
        %max3A_370 = arith.maximumf %add3A_369, %broadcast_in_dim3A_30 : vector<16xf32>
        %swap3A_371 = arith.index_cast %add3A_355 : i32 to index
        %swap3A_372 = arith.constant 0 : index
        %swap3A_373 = tpu.vector_load %arg13[%swap3A_371, %swap3A_372] {strides = array<i32>} : memref<40x128xf32, #tpu.memory_space<vmem>>, vector<1x16xf32>,
        %swap3A_374 = vector.shape_cast %swap3A_373 : vector<1x16xf32> to vector<16xf32>
        %swap3A_375 = vector.shape_cast %max3A_370 : vector<16xf32> to vector<1x16xf32>
        tpu.vector_store %arg13[%swap3A_371, %swap3A_372], %swap3A_375 {strides = array<i32>} : memref<40x128xf32, #tpu.memory_space<vmem>>, vector<1x16xf32>,
        %get3A_376 = arith.index_cast %add3A_355 : i32 to index
        %get3A_377 = arith.constant 16 : index
        %get3A_378 = tpu.vector_load %arg13[%get3A_376, %get3A_377] {strides = array<i32>} : memref<40x128xf32, #tpu.memory_space<vmem>>, vector<1x16xf32>,
        %get3A_379 = vector.shape_cast %get3A_378 : vector<1x16xf32> to vector<16xf32>
        %get3A_380 = arith.index_cast %add3A_355 : i32 to index
        %get3A_381 = arith.constant 16 : index
        %get3A_382 = tpu.vector_load %arg14[%get3A_380, %get3A_381] {strides = array<i32>} : memref<40x128xf32, #tpu.memory_space<vmem>>, vector<1x16xf32>,
        %get3A_383 = vector.shape_cast %get3A_382 : vector<1x16xf32> to vector<16xf32>
        %add3A_384 = arith.addf %get3A_379, %get3A_383 : vector<16xf32>
        %get3A_385 = arith.index_cast %add3A_355 : i32 to index
        %get3A_386 = arith.constant 16 : index
        %get3A_387 = tpu.vector_load %arg15[%get3A_385, %get3A_386] {strides = array<i32>} : memref<40x128xf32, #tpu.memory_space<vmem>>, vector<1x16xf32>,
        %get3A_388 = vector.shape_cast %get3A_387 : vector<1x16xf32> to vector<16xf32>
        %add3A_389 = arith.addf %add3A_384, %get3A_388 : vector<16xf32>
        %max3A_390 = arith.maximumf %add3A_389, %broadcast_in_dim3A_30 : vector<16xf32>
        %swap3A_391 = arith.index_cast %add3A_355 : i32 to index
        %swap3A_392 = arith.constant 16 : index
        %swap3A_393 = tpu.vector_load %arg13[%swap3A_391, %swap3A_392] {strides = array<i32>} : memref<40x128xf32, #tpu.memory_space<vmem>>, vector<1x16xf32>,
        %swap3A_394 = vector.shape_cast %swap3A_393 : vector<1x16xf32> to vector<16xf32>
        %swap3A_395 = vector.shape_cast %max3A_390 : vector<16xf32> to vector<1x16xf32>
        tpu.vector_store %arg13[%swap3A_391, %swap3A_392], %swap3A_395 {strides = array<i32>} : memref<40x128xf32, #tpu.memory_space<vmem>>, vector<1x16xf32>,
        %get3A_396 = arith.index_cast %add3A_355 : i32 to index
        %get3A_397 = arith.constant 32 : index
        %get3A_398 = tpu.vector_load %arg13[%get3A_396, %get3A_397] {strides = array<i32>} : memref<40x128xf32, #tpu.memory_space<vmem>>, vector<1x16xf32>,
        %get3A_399 = vector.shape_cast %get3A_398 : vector<1x16xf32> to vector<16xf32>
        %get3A_400 = arith.index_cast %add3A_355 : i32 to index
        %get3A_401 = arith.constant 32 : index
        %get3A_402 = tpu.vector_load %arg14[%get3A_400, %get3A_401] {strides = array<i32>} : memref<40x128xf32, #tpu.memory_space<vmem>>, vector<1x16xf32>,
        %get3A_403 = vector.shape_cast %get3A_402 : vector<1x16xf32> to vector<16xf32>
        %add3A_404 = arith.addf %get3A_399, %get3A_403 : vector<16xf32>
        %get3A_405 = arith.index_cast %add3A_355 : i32 to index
        %get3A_406 = arith.constant 32 : index
        %get3A_407 = tpu.vector_load %arg15[%get3A_405, %get3A_406] {strides = array<i32>} : memref<40x128xf32, #tpu.memory_space<vmem>>, vector<1x16xf32>,
        %get3A_408 = vector.shape_cast %get3A_407 : vector<1x16xf32> to vector<16xf32>
        %add3A_409 = arith.addf %add3A_404, %get3A_408 : vector<16xf32>
        %max3A_410 = arith.maximumf %add3A_409, %broadcast_in_dim3A_30 : vector<16xf32>
        %swap3A_411 = arith.index_cast %add3A_355 : i32 to index
        %swap3A_412 = arith.constant 32 : index
        %swap3A_413 = tpu.vector_load %arg13[%swap3A_411, %swap3A_412] {strides = array<i32>} : memref<40x128xf32, #tpu.memory_space<vmem>>, vector<1x16xf32>,
        %swap3A_414 = vector.shape_cast %swap3A_413 : vector<1x16xf32> to vector<16xf32>
        %swap3A_415 = vector.shape_cast %max3A_410 : vector<16xf32> to vector<1x16xf32>
        tpu.vector_store %arg13[%swap3A_411, %swap3A_412], %swap3A_415 {strides = array<i32>} : memref<40x128xf32, #tpu.memory_space<vmem>>, vector<1x16xf32>,
        %get3A_416 = arith.index_cast %add3A_355 : i32 to index
        %get3A_417 = arith.constant 48 : index
        %get3A_418 = tpu.vector_load %arg13[%get3A_416, %get3A_417] {strides = array<i32>} : memref<40x128xf32, #tpu.memory_space<vmem>>, vector<1x16xf32>,
        %get3A_419 = vector.shape_cast %get3A_418 : vector<1x16xf32> to vector<16xf32>
        %get3A_420 = arith.index_cast %add3A_355 : i32 to index
        %get3A_421 = arith.constant 48 : index
        %get3A_422 = tpu.vector_load %arg14[%get3A_420, %get3A_421] {strides = array<i32>} : memref<40x128xf32, #tpu.memory_space<vmem>>, vector<1x16xf32>,
        %get3A_423 = vector.shape_cast %get3A_422 : vector<1x16xf32> to vector<16xf32>
        %add3A_424 = arith.addf %get3A_419, %get3A_423 : vector<16xf32>
        %get3A_425 = arith.index_cast %add3A_355 : i32 to index
        %get3A_426 = arith.constant 48 : index
        %get3A_427 = tpu.vector_load %arg15[%get3A_425, %get3A_426] {strides = array<i32>} : memref<40x128xf32, #tpu.memory_space<vmem>>, vector<1x16xf32>,
        %get3A_428 = vector.shape_cast %get3A_427 : vector<1x16xf32> to vector<16xf32>
        %add3A_429 = arith.addf %add3A_424, %get3A_428 : vector<16xf32>
        %max3A_430 = arith.maximumf %add3A_429, %broadcast_in_dim3A_30 : vector<16xf32>
        %swap3A_431 = arith.index_cast %add3A_355 : i32 to index
        %swap3A_432 = arith.constant 48 : index
        %swap3A_433 = tpu.vector_load %arg13[%swap3A_431, %swap3A_432] {strides = array<i32>} : memref<40x128xf32, #tpu.memory_space<vmem>>, vector<1x16xf32>,
        %swap3A_434 = vector.shape_cast %swap3A_433 : vector<1x16xf32> to vector<16xf32>
        %swap3A_435 = vector.shape_cast %max3A_430 : vector<16xf32> to vector<1x16xf32>
        tpu.vector_store %arg13[%swap3A_431, %swap3A_432], %swap3A_435 {strides = array<i32>} : memref<40x128xf32, #tpu.memory_space<vmem>>, vector<1x16xf32>,
        %get3A_436 = arith.index_cast %add3A_355 : i32 to index
        %get3A_437 = arith.constant 64 : index
        %get3A_438 = tpu.vector_load %arg13[%get3A_436, %get3A_437] {strides = array<i32>} : memref<40x128xf32, #tpu.memory_space<vmem>>, vector<1x16xf32>,
        %get3A_439 = vector.shape_cast %get3A_438 : vector<1x16xf32> to vector<16xf32>
        %get3A_440 = arith.index_cast %add3A_355 : i32 to index
        %get3A_441 = arith.constant 64 : index
        %get3A_442 = tpu.vector_load %arg14[%get3A_440, %get3A_441] {strides = array<i32>} : memref<40x128xf32, #tpu.memory_space<vmem>>, vector<1x16xf32>,
        %get3A_443 = vector.shape_cast %get3A_442 : vector<1x16xf32> to vector<16xf32>
        %add3A_444 = arith.addf %get3A_439, %get3A_443 : vector<16xf32>
        %get3A_445 = arith.index_cast %add3A_355 : i32 to index
        %get3A_446 = arith.constant 64 : index
        %get3A_447 = tpu.vector_load %arg15[%get3A_445, %get3A_446] {strides = array<i32>} : memref<40x128xf32, #tpu.memory_space<vmem>>, vector<1x16xf32>,
        %get3A_448 = vector.shape_cast %get3A_447 : vector<1x16xf32> to vector<16xf32>
        %add3A_449 = arith.addf %add3A_444, %get3A_448 : vector<16xf32>
        %max3A_450 = arith.maximumf %add3A_449, %broadcast_in_dim3A_30 : vector<16xf32>
        %swap3A_451 = arith.index_cast %add3A_355 : i32 to index
        %swap3A_452 = arith.constant 64 : index
        %swap3A_453 = tpu.vector_load %arg13[%swap3A_451, %swap3A_452] {strides = array<i32>} : memref<40x128xf32, #tpu.memory_space<vmem>>, vector<1x16xf32>,
        %swap3A_454 = vector.shape_cast %swap3A_453 : vector<1x16xf32> to vector<16xf32>
        %swap3A_455 = vector.shape_cast %max3A_450 : vector<16xf32> to vector<1x16xf32>
        tpu.vector_store %arg13[%swap3A_451, %swap3A_452], %swap3A_455 {strides = array<i32>} : memref<40x128xf32, #tpu.memory_space<vmem>>, vector<1x16xf32>,
        %get3A_456 = arith.index_cast %add3A_355 : i32 to index
        %get3A_457 = arith.constant 80 : index
        %get3A_458 = tpu.vector_load %arg13[%get3A_456, %get3A_457] {strides = array<i32>} : memref<40x128xf32, #tpu.memory_space<vmem>>, vector<1x16xf32>,
        %get3A_459 = vector.shape_cast %get3A_458 : vector<1x16xf32> to vector<16xf32>
        %get3A_460 = arith.index_cast %add3A_355 : i32 to index
        %get3A_461 = arith.constant 80 : index
        %get3A_462 = tpu.vector_load %arg14[%get3A_460, %get3A_461] {strides = array<i32>} : memref<40x128xf32, #tpu.memory_space<vmem>>, vector<1x16xf32>,
        %get3A_463 = vector.shape_cast %get3A_462 : vector<1x16xf32> to vector<16xf32>
        %add3A_464 = arith.addf %get3A_459, %get3A_463 : vector<16xf32>
        %get3A_465 = arith.index_cast %add3A_355 : i32 to index
        %get3A_466 = arith.constant 80 : index
        %get3A_467 = tpu.vector_load %arg15[%get3A_465, %get3A_466] {strides = array<i32>} : memref<40x128xf32, #tpu.memory_space<vmem>>, vector<1x16xf32>,
        %get3A_468 = vector.shape_cast %get3A_467 : vector<1x16xf32> to vector<16xf32>
        %add3A_469 = arith.addf %add3A_464, %get3A_468 : vector<16xf32>
        %max3A_470 = arith.maximumf %add3A_469, %broadcast_in_dim3A_30 : vector<16xf32>
        %swap3A_471 = arith.index_cast %add3A_355 : i32 to index
        %swap3A_472 = arith.constant 80 : index
        %swap3A_473 = tpu.vector_load %arg13[%swap3A_471, %swap3A_472] {strides = array<i32>} : memref<40x128xf32, #tpu.memory_space<vmem>>, vector<1x16xf32>,
        %swap3A_474 = vector.shape_cast %swap3A_473 : vector<1x16xf32> to vector<16xf32>
        %swap3A_475 = vector.shape_cast %max3A_470 : vector<16xf32> to vector<1x16xf32>
        tpu.vector_store %arg13[%swap3A_471, %swap3A_472], %swap3A_475 {strides = array<i32>} : memref<40x128xf32, #tpu.memory_space<vmem>>, vector<1x16xf32>,
        %get3A_476 = arith.index_cast %add3A_355 : i32 to index
        %get3A_477 = arith.constant 96 : index
        %get3A_478 = tpu.vector_load %arg13[%get3A_476, %get3A_477] {strides = array<i32>} : memref<40x128xf32, #tpu.memory_space<vmem>>, vector<1x16xf32>,
        %get3A_479 = vector.shape_cast %get3A_478 : vector<1x16xf32> to vector<16xf32>
        %get3A_480 = arith.index_cast %add3A_355 : i32 to index
        %get3A_481 = arith.constant 96 : index
        %get3A_482 = tpu.vector_load %arg14[%get3A_480, %get3A_481] {strides = array<i32>} : memref<40x128xf32, #tpu.memory_space<vmem>>, vector<1x16xf32>,
        %get3A_483 = vector.shape_cast %get3A_482 : vector<1x16xf32> to vector<16xf32>
        %add3A_484 = arith.addf %get3A_479, %get3A_483 : vector<16xf32>
        %get3A_485 = arith.index_cast %add3A_355 : i32 to index
        %get3A_486 = arith.constant 96 : index
        %get3A_487 = tpu.vector_load %arg15[%get3A_485, %get3A_486] {strides = array<i32>} : memref<40x128xf32, #tpu.memory_space<vmem>>, vector<1x16xf32>,
        %get3A_488 = vector.shape_cast %get3A_487 : vector<1x16xf32> to vector<16xf32>
        %add3A_489 = arith.addf %add3A_484, %get3A_488 : vector<16xf32>
        %max3A_490 = arith.maximumf %add3A_489, %broadcast_in_dim3A_30 : vector<16xf32>
        %swap3A_491 = arith.index_cast %add3A_355 : i32 to index
        %swap3A_492 = arith.constant 96 : index
        %swap3A_493 = tpu.vector_load %arg13[%swap3A_491, %swap3A_492] {strides = array<i32>} : memref<40x128xf32, #tpu.memory_space<vmem>>, vector<1x16xf32>,
        %swap3A_494 = vector.shape_cast %swap3A_493 : vector<1x16xf32> to vector<16xf32>
        %swap3A_495 = vector.shape_cast %max3A_490 : vector<16xf32> to vector<1x16xf32>
        tpu.vector_store %arg13[%swap3A_491, %swap3A_492], %swap3A_495 {strides = array<i32>} : memref<40x128xf32, #tpu.memory_space<vmem>>, vector<1x16xf32>,
        %get3A_496 = arith.index_cast %add3A_355 : i32 to index
        %get3A_497 = arith.constant 112 : index
        %get3A_498 = tpu.vector_load %arg13[%get3A_496, %get3A_497] {strides = array<i32>} : memref<40x128xf32, #tpu.memory_space<vmem>>, vector<1x16xf32>,
        %get3A_499 = vector.shape_cast %get3A_498 : vector<1x16xf32> to vector<16xf32>
        %get3A_500 = arith.index_cast %add3A_355 : i32 to index
        %get3A_501 = arith.constant 112 : index
        %get3A_502 = tpu.vector_load %arg14[%get3A_500, %get3A_501] {strides = array<i32>} : memref<40x128xf32, #tpu.memory_space<vmem>>, vector<1x16xf32>,
        %get3A_503 = vector.shape_cast %get3A_502 : vector<1x16xf32> to vector<16xf32>
        %add3A_504 = arith.addf %get3A_499, %get3A_503 : vector<16xf32>
        %get3A_505 = arith.index_cast %add3A_355 : i32 to index
        %get3A_506 = arith.constant 112 : index
        %get3A_507 = tpu.vector_load %arg15[%get3A_505, %get3A_506] {strides = array<i32>} : memref<40x128xf32, #tpu.memory_space<vmem>>, vector<1x16xf32>,
        %get3A_508 = vector.shape_cast %get3A_507 : vector<1x16xf32> to vector<16xf32>
        %add3A_509 = arith.addf %add3A_504, %get3A_508 : vector<16xf32>
        %max3A_510 = arith.maximumf %add3A_509, %broadcast_in_dim3A_30 : vector<16xf32>
        %swap3A_511 = arith.index_cast %add3A_355 : i32 to index
        %swap3A_512 = arith.constant 112 : index
        %swap3A_513 = tpu.vector_load %arg13[%swap3A_511, %swap3A_512] {strides = array<i32>} : memref<40x128xf32, #tpu.memory_space<vmem>>, vector<1x16xf32>,
        %swap3A_514 = vector.shape_cast %swap3A_513 : vector<1x16xf32> to vector<16xf32>
        %swap3A_515 = vector.shape_cast %max3A_510 : vector<16xf32> to vector<1x16xf32>
        tpu.vector_store %arg13[%swap3A_511, %swap3A_512], %swap3A_515 {strides = array<i32>} : memref<40x128xf32, #tpu.memory_space<vmem>>, vector<1x16xf32>,
        %scan3A_516 = arith.constant 0 : i32
        scf.yield %scan3A_516 : i32
      }
      %scan3A_153 = arith.constant 20 : i32
      %jit3A_154 = arith.constant 25 : i32
      %div3A_155 = arith.divsi %add3A_116, %jit3A_154 : i32
      %sign3A_156 = arith.constant 0 : i32
      %sign3A_157 = arith.cmpi sgt, %add3A_116, %sign3A_156 : i32
      %sign3A_158 = arith.extui %sign3A_157 : i1 to i32
      %sign3A_159 = arith.constant 0 : i32
      %sign3A_160 = arith.cmpi slt, %add3A_116, %sign3A_159 : i32
      %sign3A_161 = arith.extui %sign3A_160 : i1 to i32
      %sign3A_162 = arith.subi %sign3A_158, %sign3A_161 : i32
      %sign3A_163 = arith.constant 0 : i32
      %sign3A_164 = arith.cmpi sgt, %jit3A_154, %sign3A_163 : i32
      %sign3A_165 = arith.extui %sign3A_164 : i1 to i32
      %sign3A_166 = arith.constant 0 : i32
      %sign3A_167 = arith.cmpi slt, %jit3A_154, %sign3A_166 : i32
      %sign3A_168 = arith.extui %sign3A_167 : i1 to i32
      %sign3A_169 = arith.subi %sign3A_165, %sign3A_168 : i32
      %ne3A_170 = arith.cmpi ne, %sign3A_162, %sign3A_169 : i32
      %rem3A_171 = arith.remsi %add3A_116, %jit3A_154 : i32
      %ne3A_172 = arith.constant 0 : i32
      %ne3A_173 = arith.cmpi ne, %rem3A_171, %ne3A_172 : i32
      %and3A_174 = arith.andi %ne3A_170, %ne3A_173 : i1
      %sub3A_175 = arith.constant 1 : i32
      %sub3A_176 = arith.subi %div3A_155, %sub3A_175 : i32
      %select_n3A_177 = arith.select %and3A_174, %sub3A_176, %div3A_155 : i32
      %rem3A_178 = arith.constant 2 : i32
      %rem3A_179 = arith.remsi %select_n3A_177, %rem3A_178 : i32
      %rem3A_180 = arith.constant 25 : i32
      %rem3A_181 = arith.remsi %add3A_116, %rem3A_180 : i32
      %dma_start3A_182 = arith.constant 0 : i32
      %dma_start3A_183 = tpu.memref_slice %arg9[%rem3A_179, %rem3A_181, %dma_start3A_182] : memref<2x25x40xi32, #tpu.memory_space<vmem>> -> memref<1x1x40xi32, #tpu.memory_space<vmem>>
      %dma_start3A_184 = tpu.memref_squeeze %dma_start3A_183 : memref<1x1x40xi32, #tpu.memory_space<vmem>> -> memref<40xi32, #tpu.memory_space<vmem>>
      %dma_start3A_185 = arith.constant 0 : i32
      %dma_start3A_186 = arith.constant 0 : i32
      %dma_start3A_187 = tpu.memref_slice %arg16[%dma_start3A_185, %dma_start3A_186] : memref<10000x128xf32, #tpu.memory_space<vmem_shared>> -> memref<10000x128xf32, #tpu.memory_space<vmem_shared>>
      tpu.enqueue_indirect_dma source(%arg13 : memref<40x128xf32, #tpu.memory_space<vmem>>) target(%dma_start3A_187 : memref<10000x128xf32, #tpu.memory_space<vmem_shared>>) offsets(%dma_start3A_184 : memref<40xi32, #tpu.memory_space<vmem>>) semaphore(%arg20 : memref<!tpu.dma_semaphore, #tpu.memory_space<semaphore_mem>>) {add = true}
      %scan3A_188 = arith.constant 0 : i32
      scf.yield %scan3A_188 : i32
    }
    %scan3A_36 = arith.constant 125 : i32
    %dma_wait3A = arith.constant 0 : i32
    %dma_wait3A_37 = arith.constant 0 : i32
    %dma_wait3A_38 = tpu.memref_slice %arg4[%dma_wait3A, %dma_wait3A_37] : memref<320000x128xf32, #tpu.memory_space<hbm>> -> memref<40x128xf32, #tpu.memory_space<hbm>>
    %dma_wait3A_39 = arith.constant 0 : i32
    %dma_wait3A_40 = arith.constant 0 : i32
    %dma_wait3A_41 = tpu.memref_slice %arg4[%dma_wait3A_39, %dma_wait3A_40] : memref<320000x128xf32, #tpu.memory_space<hbm>> -> memref<40x128xf32, #tpu.memory_space<hbm>>
    tpu.wait_dma2 semaphore(%arg20 : memref<!tpu.dma_semaphore, #tpu.memory_space<semaphore_mem>>) src(%dma_wait3A_41 : memref<40x128xf32, #tpu.memory_space<hbm>>) dst(%arg13 : memref<40x128xf32, #tpu.memory_space<vmem>>)
    %barrier3A_42 = arith.constant 0 : index
    tpu.barrier barrier_id(%barrier3A_42)
    %lt3A_43 = arith.constant 10 : i32
    %lt3A_44 = arith.cmpi slt, %arg1, %lt3A_43 : i32
    %convert_element_type3A_45 = arith.extui %lt3A_44 : i1 to i32
    %cond3A_46 = arith.constant 0 : i32
    %cond3A_47 = arith.cmpi ne, %convert_element_type3A_45, %cond3A_46 : i32
    scf.if %cond3A_47 {
      %mul3A_48 = arith.constant 1000 : i32
      %mul3A_49 = arith.muli %arg1, %mul3A_48 : i32
      %mul3A_50 = arith.constant 1000 : i32
      %mul3A_51 = arith.muli %arg1, %mul3A_50 : i32
      "tpu.region"() ({
        %run_scoped3A_52 = tpu.sem_alloc : memref<!tpu.dma_semaphore, #tpu.memory_space<semaphore_mem>>
        %dma_start3A_53 = arith.constant 0 : i32
        %dma_start3A_54 = tpu.memref_slice %arg7[%arg0, %mul3A_51, %dma_start3A_53] : memref<2x10000x128xf32, #tpu.memory_space<hbm>> -> memref<1x1000x128xf32, #tpu.memory_space<hbm>>
        %dma_start3A_55 = tpu.memref_squeeze %dma_start3A_54 : memref<1x1000x128xf32, #tpu.memory_space<hbm>> -> memref<1000x128xf32, #tpu.memory_space<hbm>>
        %dma_start3A_56 = arith.constant 0 : i32
        %dma_start3A_57 = tpu.memref_slice %arg16[%mul3A_49, %dma_start3A_56] : memref<10000x128xf32, #tpu.memory_space<vmem_shared>> -> memref<1000x128xf32, #tpu.memory_space<vmem_shared>>
        tpu.enqueue_dma source(%dma_start3A_57 : memref<1000x128xf32, #tpu.memory_space<vmem_shared>>) target(%dma_start3A_55 : memref<1000x128xf32, #tpu.memory_space<hbm>>) target_semaphore(%run_scoped3A_52 : memref<!tpu.dma_semaphore, #tpu.memory_space<semaphore_mem>>)
        %dma_wait3A_58 = arith.constant 0 : i32
        %dma_wait3A_59 = tpu.memref_slice %arg7[%arg0, %mul3A_51, %dma_wait3A_58] : memref<2x10000x128xf32, #tpu.memory_space<hbm>> -> memref<1x1000x128xf32, #tpu.memory_space<hbm>>
        %dma_wait3A_60 = tpu.memref_squeeze %dma_wait3A_59 : memref<1x1000x128xf32, #tpu.memory_space<hbm>> -> memref<1000x128xf32, #tpu.memory_space<hbm>>
        %dma_wait3A_61 = arith.constant 0 : i32
        %dma_wait3A_62 = tpu.memref_slice %arg16[%mul3A_49, %dma_wait3A_61] : memref<10000x128xf32, #tpu.memory_space<vmem_shared>> -> memref<1000x128xf32, #tpu.memory_space<vmem_shared>>
        tpu.wait_dma2 semaphore(%run_scoped3A_52 : memref<!tpu.dma_semaphore, #tpu.memory_space<semaphore_mem>>) src(%dma_wait3A_62 : memref<1000x128xf32, #tpu.memory_space<vmem_shared>>) dst(%dma_wait3A_60 : memref<1000x128xf32, #tpu.memory_space<hbm>>)
        tpu.yield
      }) : () -> ()
    } else {
    }
    return
  }
}

module attributes {stable_mosaic.version = 14 : i64} {
  func.func @_proj_body(%arg0: i32, %arg1: memref<1000x128xf32, #tpu.memory_space<vmem>>, %arg2: memref<256x128xf32, #tpu.memory_space<vmem>>, %arg3: memref<1000x128xf32, #tpu.memory_space<vmem>>, %arg4: memref<1000x128xf32, #tpu.memory_space<vmem>>) attributes {dimension_semantics = [#tpu.dimension_semantics<arbitrary>], iteration_bounds = array<i64: 10>, scalar_prefetch = 0 : i64, scratch_operands = 0 : i64, tpu.core_type = #tpu.core_type<tc>, window_params = [{transform_indices = @transform_0, window_bounds = array<i64: 1000, 128>}, {pipeline_mode = #tpu.pipeline_mode<synchronous>, transform_indices = @transform_1, window_bounds = array<i64: 256, 128>}, {transform_indices = @transform_2, window_bounds = array<i64: 1000, 128>}, {transform_indices = @transform_3, window_bounds = array<i64: 1000, 128>}]} {
    %get3A = arith.constant 0 : index
    %get3A_0 = arith.constant 0 : index
    %get3A_1 = vector.load %arg1[%get3A, %get3A_0] : memref<1000x128xf32, #tpu.memory_space<vmem>>, vector<1000x128xf32>
    %get3A_2 = arith.constant 0 : index
    %get3A_3 = arith.constant 0 : index
    %get3A_4 = vector.load %arg2[%get3A_2, %get3A_3] : memref<256x128xf32, #tpu.memory_space<vmem>>, vector<128x128xf32>
    %dot_general3A = arith.constant dense<0.000000e+00> : vector<1000x128xf32>
    %dot_general3A_5 = tpu.matmul %get3A_1, %get3A_4, %dot_general3A {dimension_numbers = #tpu.dot_dimension_numbers<[1], [0], [0], [1], [0, 0, 1, 1], [], []>, transpose_lhs_hint = false} : vector<1000x128xf32>, vector<128x128xf32>, vector<1000x128xf32> -> vector<1000x128xf32>
    %swap3A = arith.constant 0 : index
    %swap3A_6 = arith.constant 0 : index
    %swap3A_7 = vector.load %arg3[%swap3A, %swap3A_6] : memref<1000x128xf32, #tpu.memory_space<vmem>>, vector<1000x128xf32>
    tpu.vector_store %arg3[%swap3A, %swap3A_6], %dot_general3A_5 {strides = array<i32>} : memref<1000x128xf32, #tpu.memory_space<vmem>>, vector<1000x128xf32>,
    %get3A_8 = arith.constant 128 : index
    %get3A_9 = arith.constant 0 : index
    %get3A_10 = vector.load %arg2[%get3A_8, %get3A_9] : memref<256x128xf32, #tpu.memory_space<vmem>>, vector<128x128xf32>
    %dot_general3A_11 = arith.constant dense<0.000000e+00> : vector<1000x128xf32>
    %dot_general3A_12 = tpu.matmul %get3A_1, %get3A_10, %dot_general3A_11 {dimension_numbers = #tpu.dot_dimension_numbers<[1], [0], [0], [1], [0, 0, 1, 1], [], []>, transpose_lhs_hint = false} : vector<1000x128xf32>, vector<128x128xf32>, vector<1000x128xf32> -> vector<1000x128xf32>
    %swap3A_13 = arith.constant 0 : index
    %swap3A_14 = arith.constant 0 : index
    %swap3A_15 = vector.load %arg4[%swap3A_13, %swap3A_14] : memref<1000x128xf32, #tpu.memory_space<vmem>>, vector<1000x128xf32>
    tpu.vector_store %arg4[%swap3A_13, %swap3A_14], %dot_general3A_12 {strides = array<i32>} : memref<1000x128xf32, #tpu.memory_space<vmem>>, vector<1000x128xf32>,
    return
  }
  func.func @transform_0(%arg0: i32) -> (i32, i32) {
    %c0_i32 = arith.constant 0 : i32
    %c0_i32_0 = arith.constant 0 : i32
    return %arg0, %c0_i32 : i32, i32
  }
  func.func @transform_1(%arg0: i32) -> (i32, i32) {
    %c0_i32 = arith.constant 0 : i32
    %c0_i32_0 = arith.constant 0 : i32
    %c0_i32_1 = arith.constant 0 : i32
    return %c0_i32, %c0_i32_0 : i32, i32
  }
  func.func @transform_2(%arg0: i32) -> (i32, i32) {
    %c0_i32 = arith.constant 0 : i32
    %c0_i32_0 = arith.constant 0 : i32
    return %arg0, %c0_i32 : i32, i32
  }
  func.func @transform_3(%arg0: i32) -> (i32, i32) {
    %c0_i32 = arith.constant 0 : i32
    %c0_i32_0 = arith.constant 0 : i32
    return %arg0, %c0_i32 : i32, i32
  }
}

module attributes {stable_mosaic.version = 14 : i64} {
  func.func @_edge_proj_body(%arg0: i32, %arg1: memref<16x6400xf32, #tpu.memory_space<vmem>>, %arg2: memref<16x128xf32, #tpu.memory_space<vmem>>, %arg3: memref<1x128xf32, #tpu.memory_space<vmem>>, %arg4: memref<6400x128xf32, #tpu.memory_space<vmem>>) attributes {dimension_semantics = [#tpu.dimension_semantics<arbitrary>], iteration_bounds = array<i64: 50>, scalar_prefetch = 0 : i64, scratch_operands = 0 : i64, tpu.core_type = #tpu.core_type<tc>, window_params = [{transform_indices = @transform_0, window_bounds = array<i64: 16, 6400>}, {pipeline_mode = #tpu.pipeline_mode<synchronous>, transform_indices = @transform_1, window_bounds = array<i64: 16, 128>}, {pipeline_mode = #tpu.pipeline_mode<synchronous>, transform_indices = @transform_2, window_bounds = array<i64: 1, 128>}, {transform_indices = @transform_3, window_bounds = array<i64: 6400, 128>}]} {
    %get3A = arith.constant 0 : index
    %get3A_0 = arith.constant 0 : index
    %get3A_1 = vector.load %arg1[%get3A, %get3A_0] : memref<16x6400xf32, #tpu.memory_space<vmem>>, vector<16x6400xf32>
    %get3A_2 = arith.constant 0 : index
    %get3A_3 = arith.constant 0 : index
    %get3A_4 = vector.load %arg2[%get3A_2, %get3A_3] : memref<16x128xf32, #tpu.memory_space<vmem>>, vector<16x128xf32>
    %dot_general3A = arith.constant dense<0.000000e+00> : vector<6400x128xf32>
    %dot_general3A_5 = tpu.matmul %get3A_1, %get3A_4, %dot_general3A {dimension_numbers = #tpu.dot_dimension_numbers<[0], [0], [1], [1], [0, 1, 1, 1], [], []>, transpose_lhs_hint = false} : vector<16x6400xf32>, vector<16x128xf32>, vector<6400x128xf32> -> vector<6400x128xf32>
    %get3A_6 = arith.constant 0 : index
    %get3A_7 = arith.constant 0 : index
    %get3A_8 = vector.load %arg3[%get3A_6, %get3A_7] : memref<1x128xf32, #tpu.memory_space<vmem>>, vector<1x128xf32>
    %add3A = vector.broadcast %get3A_8 : vector<1x128xf32> to vector<6400x128xf32>
    %add3A_9 = arith.addf %dot_general3A_5, %add3A : vector<6400x128xf32>
    %swap3A = arith.constant 0 : index
    %swap3A_10 = arith.constant 0 : index
    %swap3A_11 = vector.load %arg4[%swap3A, %swap3A_10] : memref<6400x128xf32, #tpu.memory_space<vmem>>, vector<6400x128xf32>
    tpu.vector_store %arg4[%swap3A, %swap3A_10], %add3A_9 {strides = array<i32>} : memref<6400x128xf32, #tpu.memory_space<vmem>>, vector<6400x128xf32>,
    return
  }
  func.func @transform_0(%arg0: i32) -> (i32, i32) {
    %c0_i32 = arith.constant 0 : i32
    %c0_i32_0 = arith.constant 0 : i32
    return %c0_i32, %arg0 : i32, i32
  }
  func.func @transform_1(%arg0: i32) -> (i32, i32) {
    %c0_i32 = arith.constant 0 : i32
    %c0_i32_0 = arith.constant 0 : i32
    %c0_i32_1 = arith.constant 0 : i32
    return %c0_i32, %c0_i32_0 : i32, i32
  }
  func.func @transform_2(%arg0: i32) -> (i32, i32) {
    %c0_i32 = arith.constant 0 : i32
    %c0_i32_0 = arith.constant 0 : i32
    %c0_i32_1 = arith.constant 0 : i32
    return %c0_i32, %c0_i32_0 : i32, i32
  }
  func.func @transform_3(%arg0: i32) -> (i32, i32) {
    %c0_i32 = arith.constant 0 : i32
    %c0_i32_0 = arith.constant 0 : i32
    return %arg0, %c0_i32 : i32, i32
  }
}

module attributes {stable_mosaic.version = 14 : i64} {
  func.func @_gru_body(%arg0: i32, %arg1: memref<2x1000x128xf32, #tpu.memory_space<vmem>>, %arg2: memref<1000x128xf32, #tpu.memory_space<vmem>>, %arg3: memref<128x384xf32, #tpu.memory_space<vmem>>, %arg4: memref<128x384xf32, #tpu.memory_space<vmem>>, %arg5: memref<1x384xf32, #tpu.memory_space<vmem>>, %arg6: memref<1000x128xf32, #tpu.memory_space<vmem>>) attributes {dimension_semantics = [#tpu.dimension_semantics<arbitrary>], iteration_bounds = array<i64: 10>, scalar_prefetch = 0 : i64, scratch_operands = 0 : i64, tpu.core_type = #tpu.core_type<tc>, window_params = [{transform_indices = @transform_0, window_bounds = array<i64: 2, 1000, 128>}, {transform_indices = @transform_1, window_bounds = array<i64: 1000, 128>}, {pipeline_mode = #tpu.pipeline_mode<synchronous>, transform_indices = @transform_2, window_bounds = array<i64: 128, 384>}, {pipeline_mode = #tpu.pipeline_mode<synchronous>, transform_indices = @transform_3, window_bounds = array<i64: 128, 384>}, {pipeline_mode = #tpu.pipeline_mode<synchronous>, transform_indices = @transform_4, window_bounds = array<i64: 1, 384>}, {transform_indices = @transform_5, window_bounds = array<i64: 1000, 128>}]} {
    %get3A = arith.constant 0 : index
    %get3A_0 = arith.constant 0 : index
    %get3A_1 = arith.constant 0 : index
    %get3A_2 = vector.load %arg1[%get3A, %get3A_0, %get3A_1] : memref<2x1000x128xf32, #tpu.memory_space<vmem>>, vector<1x1000x128xf32>
    %get3A_3 = vector.shape_cast %get3A_2 : vector<1x1000x128xf32> to vector<1000x128xf32>
    %get3A_4 = arith.constant 1 : index
    %get3A_5 = arith.constant 0 : index
    %get3A_6 = arith.constant 0 : index
    %get3A_7 = vector.load %arg1[%get3A_4, %get3A_5, %get3A_6] : memref<2x1000x128xf32, #tpu.memory_space<vmem>>, vector<1x1000x128xf32>
    %get3A_8 = vector.shape_cast %get3A_7 : vector<1x1000x128xf32> to vector<1000x128xf32>
    %add3A = arith.addf %get3A_3, %get3A_8 : vector<1000x128xf32>
    %get3A_9 = arith.constant 0 : index
    %get3A_10 = arith.constant 0 : index
    %get3A_11 = vector.load %arg2[%get3A_9, %get3A_10] : memref<1000x128xf32, #tpu.memory_space<vmem>>, vector<1000x128xf32>
    %get3A_12 = arith.constant 0 : index
    %get3A_13 = arith.constant 0 : index
    %get3A_14 = vector.load %arg3[%get3A_12, %get3A_13] : memref<128x384xf32, #tpu.memory_space<vmem>>, vector<128x384xf32>
    %dot_general3A = arith.constant dense<0.000000e+00> : vector<1000x384xf32>
    %dot_general3A_15 = tpu.matmul %add3A, %get3A_14, %dot_general3A {dimension_numbers = #tpu.dot_dimension_numbers<[1], [0], [0], [1], [0, 0, 1, 1], [], []>, transpose_lhs_hint = false} : vector<1000x128xf32>, vector<128x384xf32>, vector<1000x384xf32> -> vector<1000x384xf32>
    %get3A_16 = arith.constant 0 : index
    %get3A_17 = arith.constant 0 : index
    %get3A_18 = vector.load %arg5[%get3A_16, %get3A_17] : memref<1x384xf32, #tpu.memory_space<vmem>>, vector<1x384xf32>
    %add3A_19 = vector.broadcast %get3A_18 : vector<1x384xf32> to vector<1000x384xf32>
    %add3A_20 = arith.addf %dot_general3A_15, %add3A_19 : vector<1000x384xf32>
    %get3A_21 = arith.constant 0 : index
    %get3A_22 = arith.constant 0 : index
    %get3A_23 = vector.load %arg4[%get3A_21, %get3A_22] : memref<128x384xf32, #tpu.memory_space<vmem>>, vector<128x384xf32>
    %dot_general3A_24 = arith.constant dense<0.000000e+00> : vector<1000x384xf32>
    %dot_general3A_25 = tpu.matmul %get3A_11, %get3A_23, %dot_general3A_24 {dimension_numbers = #tpu.dot_dimension_numbers<[1], [0], [0], [1], [0, 0, 1, 1], [], []>, transpose_lhs_hint = false} : vector<1000x128xf32>, vector<128x384xf32>, vector<1000x384xf32> -> vector<1000x384xf32>
    %slice3A = vector.extract_strided_slice %add3A_20 {offsets = [0, 0], sizes = [1000, 128], strides = [1, 1]} : vector<1000x384xf32> to vector<1000x128xf32>
    %slice3A_26 = vector.extract_strided_slice %dot_general3A_25 {offsets = [0, 0], sizes = [1000, 128], strides = [1, 1]} : vector<1000x384xf32> to vector<1000x128xf32>
    %add3A_27 = arith.addf %slice3A, %slice3A_26 : vector<1000x128xf32>
    %logistic3A = arith.negf %add3A_27 : vector<1000x128xf32>
    %logistic3A_28 = math.exp %logistic3A : vector<1000x128xf32>
    %logistic3A_29 = arith.constant 1.000000e+00 : f32
    %logistic3A_30 = vector.broadcast %logistic3A_29 : f32 to vector<1000x128xf32>
    %logistic3A_31 = arith.addf %logistic3A_30, %logistic3A_28 : vector<1000x128xf32>
    %logistic3A_32 = arith.divf %logistic3A_30, %logistic3A_31 : vector<1000x128xf32>
    %slice3A_33 = vector.extract_strided_slice %add3A_20 {offsets = [0, 128], sizes = [1000, 128], strides = [1, 1]} : vector<1000x384xf32> to vector<1000x128xf32>
    %slice3A_34 = vector.extract_strided_slice %dot_general3A_25 {offsets = [0, 128], sizes = [1000, 128], strides = [1, 1]} : vector<1000x384xf32> to vector<1000x128xf32>
    %add3A_35 = arith.addf %slice3A_33, %slice3A_34 : vector<1000x128xf32>
    %logistic3A_36 = arith.negf %add3A_35 : vector<1000x128xf32>
    %logistic3A_37 = math.exp %logistic3A_36 : vector<1000x128xf32>
    %logistic3A_38 = arith.constant 1.000000e+00 : f32
    %logistic3A_39 = vector.broadcast %logistic3A_38 : f32 to vector<1000x128xf32>
    %logistic3A_40 = arith.addf %logistic3A_39, %logistic3A_37 : vector<1000x128xf32>
    %logistic3A_41 = arith.divf %logistic3A_39, %logistic3A_40 : vector<1000x128xf32>
    %slice3A_42 = vector.extract_strided_slice %add3A_20 {offsets = [0, 256], sizes = [1000, 128], strides = [1, 1]} : vector<1000x384xf32> to vector<1000x128xf32>
    %slice3A_43 = vector.extract_strided_slice %dot_general3A_25 {offsets = [0, 256], sizes = [1000, 128], strides = [1, 1]} : vector<1000x384xf32> to vector<1000x128xf32>
    %mul3A = arith.mulf %logistic3A_41, %slice3A_43 : vector<1000x128xf32>
    %add3A_44 = arith.addf %slice3A_42, %mul3A : vector<1000x128xf32>
    %tanh3A = math.tanh %add3A_44 : vector<1000x128xf32>
    %sub3A = arith.constant 1.000000e+00 : f32
    %sub3A_45 = vector.broadcast %sub3A : f32 to vector<1000x128xf32>
    %sub3A_46 = arith.subf %sub3A_45, %logistic3A_32 : vector<1000x128xf32>
    %mul3A_47 = arith.mulf %sub3A_46, %get3A_11 : vector<1000x128xf32>
    %mul3A_48 = arith.mulf %logistic3A_32, %tanh3A : vector<1000x128xf32>
    %add3A_49 = arith.addf %mul3A_47, %mul3A_48 : vector<1000x128xf32>
    %swap3A = arith.constant 0 : index
    %swap3A_50 = arith.constant 0 : index
    %swap3A_51 = vector.load %arg6[%swap3A, %swap3A_50] : memref<1000x128xf32, #tpu.memory_space<vmem>>, vector<1000x128xf32>
    tpu.vector_store %arg6[%swap3A, %swap3A_50], %add3A_49 {strides = array<i32>} : memref<1000x128xf32, #tpu.memory_space<vmem>>, vector<1000x128xf32>,
    return
  }
  func.func @transform_0(%arg0: i32) -> (i32, i32, i32) {
    %c0_i32 = arith.constant 0 : i32
    %c0_i32_0 = arith.constant 0 : i32
    %c0_i32_1 = arith.constant 0 : i32
    return %c0_i32, %arg0, %c0_i32_0 : i32, i32, i32
  }
  func.func @transform_1(%arg0: i32) -> (i32, i32) {
    %c0_i32 = arith.constant 0 : i32
    %c0_i32_0 = arith.constant 0 : i32
    return %arg0, %c0_i32 : i32, i32
  }
  func.func @transform_2(%arg0: i32) -> (i32, i32) {
    %c0_i32 = arith.constant 0 : i32
    %c0_i32_0 = arith.constant 0 : i32
    %c0_i32_1 = arith.constant 0 : i32
    return %c0_i32, %c0_i32_0 : i32, i32
  }
  func.func @transform_3(%arg0: i32) -> (i32, i32) {
    %c0_i32 = arith.constant 0 : i32
    %c0_i32_0 = arith.constant 0 : i32
    %c0_i32_1 = arith.constant 0 : i32
    return %c0_i32, %c0_i32_0 : i32, i32
  }
  func.func @transform_4(%arg0: i32) -> (i32, i32) {
    %c0_i32 = arith.constant 0 : i32
    %c0_i32_0 = arith.constant 0 : i32
    %c0_i32_1 = arith.constant 0 : i32
    return %c0_i32, %c0_i32_0 : i32, i32
  }
  func.func @transform_5(%arg0: i32) -> (i32, i32) {
    %c0_i32 = arith.constant 0 : i32
    %c0_i32_0 = arith.constant 0 : i32
    return %arg0, %c0_i32 : i32, i32
  }
}

</mosaic_0001>

<sc_bundles>
// kernel: kernel.6.cloned.1.call-start
scs
__scs_entry_jumppad:
0x0: {  	(pc) =	sbr.rel $0x88, $3  }
0x1: {  	(tag) =	ssettag $0x0;
	lr =	simm.s32 $0x1  }
0x2: {  	[smem:$0x3F99] =	sst lr;
	_ =	strace $0xD0000000  }
0x3: {  	_ = 	snop  }
0x4: {  	_ = 	snop  }
0x5: {  	_ = 	snop  }
0x6: {  	_ = 	snop  }
0x7: {  	_ = 	snop  }
__scs_overlays_trampoline_lowered:
0x8: {  	[smem:$0x3FA8] =	sst s0  }
0x9: {  	[smem:$0x3FA9] =	sst s1  }
0xa: {  	[smem:$0x3FAA] =	sst s2  }
0xb: {  	[smem:$0x3FAB] =	sst s3  }
0xc: {  	[smem:$0x3FAC] =	sst s4  }
0xd: {  	[smem:$0x3FAD] =	sst s5  }
0xe: {  	[smem:$0x3FAE] =	sst s6  }
0xf: {  	[smem:$0x3FAF] =	sst s7  }
0x10: {  	[smem:$0x3FB0] =	sst s8  }
0x11: {  	[smem:$0x3FB1] =	sst s9;
	s0 =	simm.s32 @!p0 $0x0  }
0x12: {  	s1 =	sld [smem:$0x3F97];
	s0 =	simm.s32 @p0 $0x1  }
0x13: {  	[smem:$0x3FB2] =	sst s0;
	s0 =	simm.s32 @!p1 $0x0  }
0x14: {  	s2 =	sld [smem:$0x3F96];
	s0 =	simm.s32 @p1 $0x1  }
0x15: {  	[smem:$0x3FB3] =	sst s0;
	s0 =	simm.s32 @!p2 $0x0  }
0x16: {  	s3 =	sld [smem:$0x3FDB];
	s0 =	simm.s32 @p2 $0x1  }
0x17: {  	s4 =	simm.s32 $0x1BF5;
	[smem:$0x3FB5] =	sst s0  }
0x18: {  	s0 =	sld [smem:$0x3F98];
	_ =	swait.ge [sflag:s4], $0x0  }
0x19: {  	s7 =	sld [smem:$0x3F99]  }
0x1a: {  	s8 =	sadd.s32 $0xFFFFE003, lr  }
0x1b: {  	s9 =	sadd.s32 $0xFFFFFEF7, lr;
	s5 =	simm.s32 $0xFFFFFFFF;
	p2 =	slt.u32 s8, $0xFFFFF086  }
0x1c: {  	p1 =	slt.u32 s9, $0xF7A;
	s5 =	simm.s32 @!p2 $0x0  }
0x1d: {  	s5 =	simm.s32 @p1 $0x1;
	p0 =	seq.s32 s7, s2  }
0x1e: {  	s7 =	smul.u32 @!p0 $0xF7A, s2;
	p2 =	seq.s32 @!p0 s5, $0x0  }
0x1f: {  	s9 =	smul.u32 $0xF7A, s1;
	s8 =	simm.s32 @!p0 $0x1BF5;
	p2 =	por !p2, p0  }
0x20: {  	[sflag:s8] =	ssyncset.s32 @!p0 $0xFFFFF086;
	s6 =	sadd.s32 @!p0 s3, s7;
	s7 =	simm.s32 @!p0 $0x108  }
0x21: {  	s3 =	sadd.s32 s3, s9;
	s6 =	sadd.s32 @!p0 $0x88, s6;
	s7 =	simm.s32 @p2 $0x1082  }
0x22: {  	[simem:s7], [sflag:s8] =	dma.local @!p0 [hbm:s6], $0xF7A  }
0x23: {  	s9 =	sor.u32 $0xD0000000, s2;
	s6 =	simm.s32 $0x108;
	_ =	swait.ge @!p0 [sflag:s8], $0x0  }
0x24: {  	s3 =	sadd.s32 $0x88, s3;
	s6 =	simm.s32 @!p1 $0x1082;
	[sflag:s4] =	ssyncset.s32 $0xFFFFF086  }
0x25: {  	[simem:s6], [sflag:s4] =	dma.local [hbm:s3], $0xF7A  }
0x26: {  	[smem:$0x3F99] =	sst s1;
	(tag) =	ssettag s2;
	_ =	strace s9  }
0x27: {  	s1 =	sld [smem:$0x3FA9]  }
0x28: {  	s2 =	sld [smem:$0x3FAA]  }
0x29: {  	s4 =	sld [smem:$0x3FAC]  }
0x2a: {  	p0 =	seq.s32 s5, $0x0;
	s5 =	sld [smem:$0x3FAD]  }
0x2b: {  	s6 =	sld [smem:$0x3FAE]  }
0x2c: {  	s7 =	sld [smem:$0x3FAF]  }
0x2d: {  	s3 =	simm.s32 $0x108;
	s8 =	sld [smem:$0x3FB0]  }
0x2e: {  	s3 =	simm.s32 @!p0 $0x1082;
	s9 =	sld [smem:$0x3FB1]  }
0x2f: {  	lr =	sadd.s32 s0, s3;
	s0 =	sld [smem:$0x3FA8]  }
0x30: {  	s3 =	sld [smem:$0x3FAB]  }
0x31: {  	[smem:$0x3FB4] =	sst s10  }
0x32: {  	s10 =	sld [smem:$0x3FB2];
	_ =	sdelay $0x3  }
0x33: {  	p0 =	seq.s32 s10, $0x1;
	s10 =	sld [smem:$0x3FB4];
	_ =	sdelay $0x3  }
0x34: {  	[smem:$0x3FB4] =	sst s10  }
0x35: {  	s10 =	sld [smem:$0x3FB3];
	_ =	sdelay $0x3  }
0x36: {  	p1 =	seq.s32 s10, $0x1;
	s10 =	sld [smem:$0x3FB4];
	_ =	sdelay $0x3  }
0x37: {  	[smem:$0x3FB4] =	sst s10  }
0x38: {  	s10 =	sld [smem:$0x3FB5]  }
0x39: {  	_ = 	snop;
	(pc) =	sbr.ind lr, $3  }
0x3a: {  	_ = 	snop  }
0x3b: {  	_ = 	snop  }
0x3c: {  	p2 =	seq.s32 s10, $0x1;
	s10 =	sld [smem:$0x3FB4]  }
0x3d: {  	_ =	shalt  }
0x3e: {  	_ =	shalt  }
0x3f: {  	_ =	shalt  }
0x40: {  	_ =	shalt  }
0x41: {  	_ =	shalt  }
0x42: {  	_ =	shalt  }
0x43: {  	_ =	shalt  }
0x44: {  	_ =	shalt  }
0x45: {  	_ =	shalt  }
0x46: {  	_ =	shalt  }
0x47: {  	_ =	shalt  }
0x48: {  	_ =	shalt  }
0x49: {  	_ =	shalt  }
0x4a: {  	_ =	shalt  }
0x4b: {  	_ =	shalt  }
0x4c: {  	_ =	shalt  }
0x4d: {  	_ =	shalt  }
0x4e: {  	_ =	shalt  }
0x4f: {  	_ =	shalt  }
0x50: {  	_ =	shalt  }
0x51: {  	_ =	shalt  }
0x52: {  	_ =	shalt  }
0x53: {  	_ =	shalt  }
0x54: {  	_ =	shalt  }
0x55: {  	_ =	shalt  }
0x56: {  	_ =	shalt  }
0x57: {  	_ =	shalt  }
0x58: {  	_ =	shalt  }
0x59: {  	_ =	shalt  }
0x5a: {  	_ =	shalt  }
0x5b: {  	_ =	shalt  }
0x5c: {  	_ =	shalt  }
0x5d: {  	_ =	shalt  }
0x5e: {  	_ =	shalt  }
0x5f: {  	_ =	shalt  }
0x60: {  	_ =	shalt  }
0x61: {  	_ =	shalt  }
0x62: {  	_ =	shalt  }
0x63: {  	_ =	shalt  }
0x64: {  	_ =	shalt  }
0x65: {  	_ =	shalt  }
0x66: {  	_ =	shalt  }
0x67: {  	_ =	shalt  }
0x68: {  	_ =	shalt  }
0x69: {  	_ =	shalt  }
0x6a: {  	_ =	shalt  }
0x6b: {  	_ =	shalt  }
0x6c: {  	_ =	shalt  }
0x6d: {  	_ =	shalt  }
0x6e: {  	_ =	shalt  }
0x6f: {  	_ =	shalt  }
0x70: {  	_ =	shalt  }
0x71: {  	_ =	shalt  }
0x72: {  	_ =	shalt  }
0x73: {  	_ =	shalt  }
0x74: {  	_ =	shalt  }
0x75: {  	_ =	shalt  }
0x76: {  	_ =	shalt  }
0x77: {  	_ =	shalt  }
0x78: {  	_ =	shalt  }
0x79: {  	_ =	shalt  }
0x7a: {  	_ =	shalt  }
0x7b: {  	_ =	shalt  }
0x7c: {  	_ =	shalt  }
0x7d: {  	_ =	shalt  }
0x7e: {  	_ =	shalt  }
0x7f: {  	_ =	shalt  }
0x80: {  	_ =	shalt  }
0x81: {  	_ =	shalt  }
0x82: {  	_ =	shalt  }
0x83: {  	_ =	shalt  }
0x84: {  	_ =	shalt  }
0x85: {  	_ =	shalt  }
0x86: {  	_ =	shalt  }
0x87: {  	_ =	shalt  }
.Lfunc_end0:
.L_simem_size_0:
called_computation_lowered:
.L_overlay_start_0:
0x88: {  	s2 =	sld [smem:$0x3FD9]  }
0x89: {  	s3 =	sld [smem:$0x3FFE];
	_ =	sdelay $0x1  }
0x8a: {  	s1 =	srdreg.scid  }
0x8b: {  	s0 =	sand.u32 $0x1, s1  }
0x8c: {  	s17 =	sshll.u32 s0, $0xA;
	s2 =	sadd.s32 s3, s2  }
0x8d: {  	s2 =	sadd.s32 s2, s17  }
0x8e: {  	[smem:$0x3FC0] =	sst s2  }
0x8f: {  	_ = 	snop  }
0x90: {  	s2 =	sld [smem:$0x3FD0];
	(tm) =	ssettm $0x1  }
0x91: {  	s18 =	sld [smem:$0x3FFB];
	_ =	sdelay $0x3  }
0x92: {  	_ =	strace s18  }
0x93: {  	s3 =	sld [smem:$0x3FFC];
	_ =	sdelay $0x3  }
0x94: {  	_ =	strace s3  }
0x95: {  	s3 =	sld [smem:$0x3FFD];
	_ =	sdelay $0x3  }
0x96: {  	_ =	strace s3  }
0x97: {  	_ =	strace $0x8FFFFFFF  }
0x98: {  	s19 =	sld [smem:$0x3FDB];
	_ =	sdelay $0x1  }
0x99: {  	s4 =	simm.s32 $_scs_section_size  }
0x9a: {  	s5 =	simm.s32 $_size__tile_overlayer_lowered;
	s6 =	simm.s32 $_tile_overlayer_lowered  }
0x9b: {  	s22 =	simm.s32 $0x1BFF;
	s21 =	sshll.u32 s6, $0x1;
	s3 =	sadd.s32 s4, s19  }
0x9c: {  	s7 =	simm.s32 $0x0;
	s20 =	sshll.u32 s5, $0x1;
	s5 =	sadd.s32 s21, s3  }
0x9d: {  	[timem:s7], [sflag:s22] =	dma.local [hbm:s5], s20  }
0x9e: {  	_ =	swait.ge [sflag:s22], s20  }
0x9f: {  	s4 =	ssub.s32 $0x0, s20;
	[sflag:s22] =	ssyncset.done $0x0  }
0xa0: {  	[sflag:s22] =	ssyncadd.s32 s4;
	_ =	sdelay $0x1  }
0xa1: {  	s23 =	simm.s32 $0x1B8B  }
0xa2: {  	_ =	swait.ge [sflag:s23], $0x1  }
0xa3: {  	[sflag:s23] =	ssyncset.done $0x0  }
0xa4: {  	s25 =	simm.s32 $0x1B8E;
	s24 =	sld [smem:$0x3FFE];
	[sflag:s23] =	ssyncadd.s32 $0xFFFFFFFF  }
0xa5: {  	s26 =	simm.s32 $execute0_lowered;
	[smem:$0x3FD2] =	sst s25  }
0xa6: {  	s5 =	sshll.u32 s26, $0x1;
	_ =	strace $0x80000046;
	[dreg:$0x1] =	wrdreg $0xFFFFFFFF  }
0xa7: {  	s28 =	simm.s32 $_size_execute0_lowered;
	s3 =	sadd.s32 s3, s5;
	[dreg:$0x0] =	wrdreg $0x0  }
0xa8: {  	s5 =	sshll.u32 s28, $0x1;
	[dreg:$0x2] =	wrdreg s3  }
0xa9: {  	[dreg:$0x3] =	wrdreg s5  }
0xaa: {  	[dreg:$0x4] =	wrdreg $0xC0  }
0xab: {  	_ =	task [dreg:s7], $0x5FFFF  }
0xac: {  	[dreg:$0x1] =	wrdreg $0xFFFFFFFF  }
0xad: {  	[dreg:$0x0] =	wrdreg $0x60  }
0xae: {  	[dreg:$0x2] =	wrdreg s2  }
0xaf: {  	[dreg:$0x3] =	wrdreg s24  }
0xb0: {  	[dreg:$0x4] =	wrdreg $0xB8000  }
0xb1: {  	[dreg:$0x5] =	wrdreg $0x9  }
0xb2: {  	_ =	task.clear_ibuf [dreg:s7], $0x6FFFF;
	_ =	strace $0x90000046  }
0xb3: {  	s29 =	simm.s32 $0x9;
	_ =	strace $0x80000048  }
0xb4: {  	_ =	swait.ge [sflag:s29], $0x1  }
0xb5: {  	[sflag:s29] =	ssyncadd.s32 $0xFFFFFFFF  }
0xb6: {  	_ =	strace $0x90000048  }
0xb7: {  	_ =	sfence  }
0xb8: {  	s30 =	sld [smem:$0x0];
	_ =	sdelay $0x2  }
0xb9: {  	s31 =	sshll.u32 s1, $0xD;
	s1 =	sshrl.u32 s1, $0x2  }
0xba: {  	s3 =	sand.u32 $0x4000, s31;
	s1 =	sadd.s32 s1, s30  }
0xbb: {  	s0 =	sor.u32 s3, s0;
	s1 =	sshll.u32 s1, $0x11  }
0xbc: {  	s0 =	sor.u32 s1, s0  }
0xbd: {  	s0 =	sadd.s32 $0x8F2B, s0  }
0xbe: {  	[sflag:s0] =	ssyncadd.remote.s32 $0x1  }
0xbf: {  	_ =	sfence.sel $0xFFFF  }
0xc0: {  	[dreg:$0x0] =	wrdreg $0xFFFFFFFF;
	(pc) =	sbr.abs _section_cstart, $3  }
0xc1: {  	[dreg:$0x1] =	wrdreg $0xFFFFFFFF  }
0xc2: {  	_ =	task.clear_ibuf [dreg:s7], $0x2FFFF;
	_ =	strace $0x9FFFFFFF  }
0xc3: {  	(tm) =	ssettm $0x7FFFFFFF  }
tec
execute0_lowered:
.L_overlay_start_1:
0x0: {  	(tag) =	ssettag $0x1  }
0x1: {  	s1 =	rddreg [dreg:$0x0]  }
0x2: {  	s0 =	rddreg [dreg:$0x1]  }
0x3: {  	s2 =	rddreg [dreg:$0x2];
	s13 =	stileid.u32  }
0x4: {  	s3 =	srdreg.scid;
	s8 =	smul.u32 $0x1F400, s13  }
0x5: {  	s4 =	simm.s32 $0x0;
	s3 =	sand.u32 $0x1, s3;
	s10 =	smul.u32 $0x7D000, s13  }
0x6: {  	[smem:$0x7FF] =	sst s4;
	s7 =	smul.u32 $0x138800, s3;
	s18 =	ssub.s32 $0x2, s3  }
0x7: {  	s5 =	sadd.s32 $0x51800, s0;
	s6 =	sadd.s32 $0x78A00, s0;
	s11 =	sshrl.u32 s18, $0x1  }
0x8: {  	s10 =	sshrl.u32 s10, $0x2;
	s8 =	sadd.s32 s8, s7;
	s7 =	sadd.s32 $0x1800, s0  }
0x9: {  	s11 =	ssub.s32 s18, s11;
	s9 =	sshrl.u32 s8, $0x3;
	s8 =	sadd.s32 $0x29800, s0  }
0xa: {  	s11 =	smax.u32 s11, $0x1;
	s0 =	sadd.s32 s9, s0;
	s9 =	sadd.s32 s10, s2  }
0xb: {  	_ =	strace $0x80000047;
	[dreg:$0x11] =	wrdreg s11;
	s12 =	sadd.s32 $0x1400, s9  }
0xc: {  	s19 =	sadd.s32 $0x2800, s9;
	[dreg:$0x4] =	wrdreg s12  }
0xd: {  	s20 =	sadd.s32 $0x3C00, s9;
	[dreg:$0x5] =	wrdreg s19  }
0xe: {  	s21 =	sadd.s32 $0x5000, s9;
	[dreg:$0x6] =	wrdreg s20  }
0xf: {  	s3 =	sshll.u32 s3, $0x4;
	s22 =	sadd.s32 $0x6400, s9;
	[dreg:$0x7] =	wrdreg s21  }
0x10: {  	s3 =	sor.u32 s13, s3;
	s23 =	sadd.s32 $0x7800, s9;
	[dreg:$0x8] =	wrdreg s22  }
0x11: {  	s15 =	smul.u32 $0xA000, s3;
	s24 =	sadd.s32 $0x8C00, s9;
	[dreg:$0x9] =	wrdreg s23  }
0x12: {  	s25 =	sadd.s32 $0xA000, s9;
	[dreg:$0xa] =	wrdreg s24  }
0x13: {  	s26 =	sshrl.u32 s15, $0x3;
	s14 =	sadd.s32 $0xB400, s9;
	[dreg:$0xb] =	wrdreg s25  }
0x14: {  	s29 =	sadd.s32 s7, s26;
	[dreg:$0xc] =	wrdreg s14  }
0x15: {  	s0 =	sadd.s32 $0x55AA00, s0;
	[dreg:$0xd] =	wrdreg s29  }
0x16: {  	p0 =	sgt.u32 s13, $0x9;
	s13 =	sadd.s32 $0xDC00, s9;
	[dreg:$0x10] =	wrdreg s0  }
0x17: {  	s16 =	sadd.s32 $0x10400, s9;
	[dreg:$0x13] =	wrdreg s13  }
0x18: {  	s10 =	smul.u32 $0x2710, s3;
	s17 =	sadd.s32 $0x11800, s9;
	[dreg:$0x15] =	wrdreg s16  }
0x19: {  	s3 =	smul.u32 $0x27100, s3;
	s18 =	sadd.s32 $0x12C00, s9;
	[dreg:$0x16] =	wrdreg s17  }
0x1a: {  	s12 =	sadd.s32 s8, s26;
	[dreg:$0x17] =	wrdreg s18  }
0x1b: {  	s3 =	sadd.s32 s6, s3;
	[dreg:$0xe] =	wrdreg s12  }
0x1c: {  	s14 =	sadd.s32 $0xF000, s9;
	[dreg:$0xf] =	wrdreg s3  }
0x1d: {  	s19 =	sadd.s32 $0x14000, s9;
	[dreg:$0x14] =	wrdreg s14  }
0x1e: {  	s28 =	simm.s32 $0x5;
	s20 =	sadd.s32 $0x15400, s9;
	[dreg:$0x18] =	wrdreg s19  }
0x1f: {  	s30 =	simm.s32 $0x28;
	s21 =	sadd.s32 $0x16800, s9;
	[dreg:$0x19] =	wrdreg s20  }
0x20: {  	s31 =	simm.s32 $0x4000;
	s22 =	sadd.s32 $0x17C00, s9;
	[dreg:$0x1a] =	wrdreg s21  }
0x21: {  	s11 =	simm.s32 $0x7C00;
	s23 =	sadd.s32 $0x19000, s9;
	[dreg:$0x1b] =	wrdreg s22  }
0x22: {  	s24 =	sadd.s32 $0x1A400, s9;
	s25 =	sadd.s32 $0x1B800, s9;
	[dreg:$0x1c] =	wrdreg s23  }
0x23: {  	s26 =	sadd.s32 $0x1CC00, s9;
	s29 =	sadd.s32 $0x1E000, s9;
	[dreg:$0x1d] =	wrdreg s24  }
0x24: {  	s0 =	simm.s32 $0x1;
	s13 =	simm.s32 $0xA400;
	[dreg:$0x1e] =	wrdreg s25  }
0x25: {  	s16 =	simm.s32 $0x2;
	s18 =	simm.s32 $0x0;
	[dreg:$0x1f] =	wrdreg s26  }
0x26: {  	s12 =	sadd.s32 $0xC800, s9;
	[smem:$0x7FD] =	sst s29;
	s26 =	simm.s32 $0x6800  }
0x27: {  	v0 =	vimm.f32 $0.0e+00;
	s14 =	simm.s32 $0x3;
	[dreg:$0x12] =	wrdreg s12;
	s12 =	simm.s32 $0x9000  }
.LBB2_1:
.Ltmp0:
0x28: {  	(pc) =	sbr.rel @p0 .LBB2_5-.Ltmp0, $1  }
0x29: {  	_ =	sdelay $0x3  }
0x2a: {  	s3 =	sshra.s32 s4, $0x2;
	s19 =	sadd.s32 $0x200, s4  }
.LBB2_3:
0x2b: {  	p1 =	sne.s32 s19, $0x4E00;
	[tilespmem:s3+$0x6870] =	vst v0  }
0x2c: {  	[tilespmem:s3+$0x6800] =	vst v0  }
0x2d: {  	[tilespmem:s3+$0x6810] =	vst v0  }
.Ltmp1:
0x2e: {  	[tilespmem:s3+$0x6820] =	vst v0;
	(pc) =	sbr.rel @p1 .LBB2_3-.Ltmp1, $4  }
0x2f: {  	[tilespmem:s3+$0x6830] =	vst v0  }
0x30: {  	[tilespmem:s3+$0x6840] =	vst v0  }
0x31: {  	[tilespmem:s3+$0x6850] =	vst v0  }
0x32: {  	[tilespmem:s3+$0x6860] =	vst v0;
	s3 =	sshra.s32 s19, $0x2;
	s19 =	sadd.s32 $0x200, s19  }
0x33: {  	[tilespmem:s3+$0x6870] =	vst v0  }
0x34: {  	[tilespmem:s3+$0x6800] =	vst v0  }
0x35: {  	[tilespmem:s3+$0x6810] =	vst v0  }
0x36: {  	[tilespmem:s3+$0x6820] =	vst v0  }
0x37: {  	[tilespmem:s3+$0x6830] =	vst v0  }
0x38: {  	[tilespmem:s3+$0x6840] =	vst v0  }
0x39: {  	[tilespmem:s3+$0x6850] =	vst v0  }
0x3a: {  	[tilespmem:s3+$0x6860] =	vst v0  }
0x3b: {  	[spmem:s9] =	stream.linear.scatter [tilespmem:s26], [sflag:$0x5], $0x1400, $0x38;
	[tilespmem:$0x1F080] =	vst v63  }
0x3c: {  	_ =	swait.ge [sflag:s28], $0x1400  }
0x3d: {  	[sflag:s28] =	ssyncset.done $0x0  }
0x3e: {  	s21 =	rddreg [dreg:$0x4];
	[sflag:s28] =	ssyncadd.s32 $0xFFFFEC00  }
0x3f: {  	[spmem:s21] =	stream.linear.scatter [tilespmem:s26], [sflag:$0x5], $0x1400, $0x38;
	[tilespmem:$0x1F080] =	vst v63  }
0x40: {  	_ =	swait.ge [sflag:s28], $0x1400  }
0x41: {  	[sflag:s28] =	ssyncset.done $0x0  }
0x42: {  	s22 =	rddreg [dreg:$0x5];
	[sflag:s28] =	ssyncadd.s32 $0xFFFFEC00  }
0x43: {  	[spmem:s22] =	stream.linear.scatter [tilespmem:s26], [sflag:$0x5], $0x1400, $0x38;
	[tilespmem:$0x1F080] =	vst v63  }
0x44: {  	_ =	swait.ge [sflag:s28], $0x1400  }
0x45: {  	[sflag:s28] =	ssyncset.done $0x0  }
0x46: {  	s23 =	rddreg [dreg:$0x6];
	[sflag:s28] =	ssyncadd.s32 $0xFFFFEC00  }
0x47: {  	[spmem:s23] =	stream.linear.scatter [tilespmem:s26], [sflag:$0x5], $0x1400, $0x38;
	[tilespmem:$0x1F080] =	vst v63  }
0x48: {  	_ =	swait.ge [sflag:s28], $0x1400  }
0x49: {  	[sflag:s28] =	ssyncset.done $0x0  }
0x4a: {  	s24 =	rddreg [dreg:$0x7];
	[sflag:s28] =	ssyncadd.s32 $0xFFFFEC00  }
0x4b: {  	[spmem:s24] =	stream.linear.scatter [tilespmem:s26], [sflag:$0x5], $0x1400, $0x38;
	[tilespmem:$0x1F080] =	vst v63  }
0x4c: {  	_ =	swait.ge [sflag:s28], $0x1400  }
0x4d: {  	[sflag:s28] =	ssyncset.done $0x0  }
0x4e: {  	s25 =	rddreg [dreg:$0x8];
	[sflag:s28] =	ssyncadd.s32 $0xFFFFEC00  }
0x4f: {  	[spmem:s25] =	stream.linear.scatter [tilespmem:s26], [sflag:$0x5], $0x1400, $0x38;
	[tilespmem:$0x1F080] =	vst v63  }
0x50: {  	_ =	swait.ge [sflag:s28], $0x1400  }
0x51: {  	[sflag:s28] =	ssyncset.done $0x0  }
0x52: {  	s29 =	rddreg [dreg:$0x9];
	[sflag:s28] =	ssyncadd.s32 $0xFFFFEC00  }
0x53: {  	[spmem:s29] =	stream.linear.scatter [tilespmem:s26], [sflag:$0x5], $0x1400, $0x38;
	[tilespmem:$0x1F080] =	vst v63  }
0x54: {  	_ =	swait.ge [sflag:s28], $0x1400  }
0x55: {  	[sflag:s28] =	ssyncset.done $0x0  }
0x56: {  	s17 =	rddreg [dreg:$0xa];
	[sflag:s28] =	ssyncadd.s32 $0xFFFFEC00  }
0x57: {  	[spmem:s17] =	stream.linear.scatter [tilespmem:s26], [sflag:$0x5], $0x1400, $0x38;
	[tilespmem:$0x1F080] =	vst v63  }
0x58: {  	_ =	swait.ge [sflag:s28], $0x1400  }
0x59: {  	[sflag:s28] =	ssyncset.done $0x0  }
0x5a: {  	s19 =	rddreg [dreg:$0xb];
	[sflag:s28] =	ssyncadd.s32 $0xFFFFEC00  }
0x5b: {  	[spmem:s19] =	stream.linear.scatter [tilespmem:s26], [sflag:$0x5], $0x1400, $0x38;
	[tilespmem:$0x1F080] =	vst v63  }
0x5c: {  	_ =	swait.ge [sflag:s28], $0x1400  }
0x5d: {  	[sflag:s28] =	ssyncset.done $0x0  }
0x5e: {  	s20 =	rddreg [dreg:$0xc];
	[sflag:s28] =	ssyncadd.s32 $0xFFFFEC00  }
0x5f: {  	[spmem:s20] =	stream.linear.scatter [tilespmem:s26], [sflag:$0x5], $0x1400, $0x38;
	[tilespmem:$0x1F080] =	vst v63  }
0x60: {  	_ =	swait.ge [sflag:s28], $0x1400  }
0x61: {  	[sflag:s28] =	ssyncset.done $0x0  }
0x62: {  	s21 =	rddreg [dreg:$0x12];
	[sflag:s28] =	ssyncadd.s32 $0xFFFFEC00  }
0x63: {  	[spmem:s21] =	stream.linear.scatter [tilespmem:s26], [sflag:$0x5], $0x1400, $0x38;
	[tilespmem:$0x1F080] =	vst v63  }
0x64: {  	_ =	swait.ge [sflag:s28], $0x1400  }
0x65: {  	[sflag:s28] =	ssyncset.done $0x0  }
0x66: {  	s22 =	rddreg [dreg:$0x13];
	[sflag:s28] =	ssyncadd.s32 $0xFFFFEC00  }
0x67: {  	[spmem:s22] =	stream.linear.scatter [tilespmem:s26], [sflag:$0x5], $0x1400, $0x38;
	[tilespmem:$0x1F080] =	vst v63  }
0x68: {  	_ =	swait.ge [sflag:s28], $0x1400  }
0x69: {  	[sflag:s28] =	ssyncset.done $0x0  }
0x6a: {  	s23 =	rddreg [dreg:$0x14];
	[sflag:s28] =	ssyncadd.s32 $0xFFFFEC00  }
0x6b: {  	[spmem:s23] =	stream.linear.scatter [tilespmem:s26], [sflag:$0x5], $0x1400, $0x38;
	[tilespmem:$0x1F080] =	vst v63  }
0x6c: {  	_ =	swait.ge [sflag:s28], $0x1400  }
0x6d: {  	[sflag:s28] =	ssyncset.done $0x0  }
0x6e: {  	s24 =	rddreg [dreg:$0x15];
	[sflag:s28] =	ssyncadd.s32 $0xFFFFEC00  }
0x6f: {  	[spmem:s24] =	stream.linear.scatter [tilespmem:s26], [sflag:$0x5], $0x1400, $0x38;
	[tilespmem:$0x1F080] =	vst v63  }
0x70: {  	_ =	swait.ge [sflag:s28], $0x1400  }
0x71: {  	[sflag:s28] =	ssyncset.done $0x0  }
0x72: {  	s25 =	rddreg [dreg:$0x16];
	[sflag:s28] =	ssyncadd.s32 $0xFFFFEC00  }
0x73: {  	[spmem:s25] =	stream.linear.scatter [tilespmem:s26], [sflag:$0x5], $0x1400, $0x38;
	[tilespmem:$0x1F080] =	vst v63  }
0x74: {  	_ =	swait.ge [sflag:s28], $0x1400  }
0x75: {  	[sflag:s28] =	ssyncset.done $0x0  }
0x76: {  	s29 =	rddreg [dreg:$0x17];
	[sflag:s28] =	ssyncadd.s32 $0xFFFFEC00  }
0x77: {  	[spmem:s29] =	stream.linear.scatter [tilespmem:s26], [sflag:$0x5], $0x1400, $0x38;
	[tilespmem:$0x1F080] =	vst v63  }
0x78: {  	_ =	swait.ge [sflag:s28], $0x1400  }
0x79: {  	[sflag:s28] =	ssyncset.done $0x0  }
0x7a: {  	s17 =	rddreg [dreg:$0x18];
	[sflag:s28] =	ssyncadd.s32 $0xFFFFEC00  }
0x7b: {  	[spmem:s17] =	stream.linear.scatter [tilespmem:s26], [sflag:$0x5], $0x1400, $0x38;
	[tilespmem:$0x1F080] =	vst v63  }
0x7c: {  	_ =	swait.ge [sflag:s28], $0x1400  }
0x7d: {  	[sflag:s28] =	ssyncset.done $0x0  }
0x7e: {  	s19 =	rddreg [dreg:$0x19];
	[sflag:s28] =	ssyncadd.s32 $0xFFFFEC00  }
0x7f: {  	[spmem:s19] =	stream.linear.scatter [tilespmem:s26], [sflag:$0x5], $0x1400, $0x38;
	[tilespmem:$0x1F080] =	vst v63  }
0x80: {  	_ =	swait.ge [sflag:s28], $0x1400  }
0x81: {  	[sflag:s28] =	ssyncset.done $0x0  }
0x82: {  	s20 =	rddreg [dreg:$0x1a];
	[sflag:s28] =	ssyncadd.s32 $0xFFFFEC00  }
0x83: {  	[spmem:s20] =	stream.linear.scatter [tilespmem:s26], [sflag:$0x5], $0x1400, $0x38;
	[tilespmem:$0x1F080] =	vst v63  }
0x84: {  	_ =	swait.ge [sflag:s28], $0x1400  }
0x85: {  	[sflag:s28] =	ssyncset.done $0x0  }
0x86: {  	s21 =	rddreg [dreg:$0x1b];
	[sflag:s28] =	ssyncadd.s32 $0xFFFFEC00  }
0x87: {  	[spmem:s21] =	stream.linear.scatter [tilespmem:s26], [sflag:$0x5], $0x1400, $0x38;
	[tilespmem:$0x1F080] =	vst v63  }
0x88: {  	_ =	swait.ge [sflag:s28], $0x1400  }
0x89: {  	[sflag:s28] =	ssyncset.done $0x0  }
0x8a: {  	s22 =	rddreg [dreg:$0x1c];
	[sflag:s28] =	ssyncadd.s32 $0xFFFFEC00  }
0x8b: {  	[spmem:s22] =	stream.linear.scatter [tilespmem:s26], [sflag:$0x5], $0x1400, $0x38;
	[tilespmem:$0x1F080] =	vst v63  }
0x8c: {  	_ =	swait.ge [sflag:s28], $0x1400  }
0x8d: {  	[sflag:s28] =	ssyncset.done $0x0  }
0x8e: {  	s23 =	rddreg [dreg:$0x1d];
	[sflag:s28] =	ssyncadd.s32 $0xFFFFEC00  }
0x8f: {  	[spmem:s23] =	stream.linear.scatter [tilespmem:s26], [sflag:$0x5], $0x1400, $0x38;
	[tilespmem:$0x1F080] =	vst v63  }
0x90: {  	_ =	swait.ge [sflag:s28], $0x1400  }
0x91: {  	[sflag:s28] =	ssyncset.done $0x0  }
0x92: {  	s24 =	rddreg [dreg:$0x1e];
	[sflag:s28] =	ssyncadd.s32 $0xFFFFEC00  }
0x93: {  	[spmem:s24] =	stream.linear.scatter [tilespmem:s26], [sflag:$0x5], $0x1400, $0x38;
	[tilespmem:$0x1F080] =	vst v63  }
0x94: {  	_ =	swait.ge [sflag:s28], $0x1400  }
0x95: {  	[sflag:s28] =	ssyncset.done $0x0  }
0x96: {  	s25 =	rddreg [dreg:$0x1f];
	[sflag:s28] =	ssyncadd.s32 $0xFFFFEC00  }
0x97: {  	[spmem:s25] =	stream.linear.scatter [tilespmem:s26], [sflag:$0x5], $0x1400, $0x38;
	[tilespmem:$0x1F080] =	vst v63  }
0x98: {  	_ =	swait.ge [sflag:s28], $0x1400  }
0x99: {  	s29 =	sld [smem:$0x7FD]  }
0x9a: {  	[sflag:s28] =	ssyncset.done $0x0  }
0x9b: {  	[sflag:s28] =	ssyncadd.s32 $0xFFFFEC00  }
0x9c: {  	[spmem:s29] =	stream.linear.scatter [tilespmem:s26], [sflag:$0x5], $0x1400, $0x38;
	[tilespmem:$0x1F080] =	vst v63  }
0x9d: {  	_ =	swait.ge [sflag:s28], $0x1400  }
0x9e: {  	[sflag:s28] =	ssyncset.done $0x0  }
0x9f: {  	[sflag:s28] =	ssyncadd.s32 $0xFFFFEC00  }
.LBB2_5:
0xa0: {  	[bflag:$0x0] =	sbarrier.arrive $0xFFFF  }
0xa1: {  	s19 =	simm.s32 $0x0;
	s3 =	rddreg [dreg:$0xd]  }
0xa2: {  	[tilespmem:s19], [sflag:$0x5] =	stream.linear.gather [hbm4b:s3+s19], $0xC80, $0x38;
	[tilespmem:$0x1F080] =	vst v63  }
0xa3: {  	_ =	swait.ge [sflag:s28], $0xC80  }
0xa4: {  	[sflag:s28] =	ssyncset.done $0x0  }
0xa5: {  	s17 =	simm.s32 $0x2000;
	s24 =	rddreg [dreg:$0xe];
	[sflag:s28] =	ssyncadd.s32 $0xFFFFF380  }
0xa6: {  	[tilespmem:s17], [sflag:$0x5] =	stream.linear.gather [hbm4b:s24+s19], $0xC80, $0x38;
	[tilespmem:$0x1F080] =	vst v63  }
0xa7: {  	_ =	swait.ge [sflag:s28], $0xC80  }
0xa8: {  	[sflag:s28] =	ssyncset.done $0x0  }
0xa9: {  	[sflag:s28] =	ssyncadd.s32 $0xFFFFF380  }
0xaa: {  	[tilespmem:s31], [sflag:$0x1] =	stream.indirect.gather [hbm4b:s1+s30], $0x80, s19, s30, $0xb8;
	[tilespmem:$0x1F080] =	vst v63  }
0xab: {  	s25 =	simm.s32 $0x5400  }
0xac: {  	[tilespmem:s25], [sflag:$0x1] =	stream.indirect.gather [hbm4b:s5+s30], $0x80, s17, s30, $0xb8;
	[tilespmem:$0x1F080] =	vst v63  }
0xad: {  	s29 =	rddreg [dreg:$0xf]  }
0xae: {  	[tilespmem:s26], [sflag:$0x1] =	stream.linear.gather [hbm4b:s29+s19], $0x1400, $0x38;
	[tilespmem:$0x1F080] =	vst v63  }
.LBB2_6:
0xaf: {  	s3 =	sshll.u32 s19, $0x1;
	p1 =	seq.s32 s19, $0x0  }
0xb0: {  	s21 =	sor.u32 @!p1 $0x1, s3  }
0xb1: {  	s20 =	smul.u32 @!p1 $0x29, s21;
	_ =	sdelay $0x1  }
0xb2: {  	s20 =	sshrl.u32 @!p1 s20, $0xA  }
0xb3: {  	s20 =	sand.u32 @!p1 $0x3F, s20  }
0xb4: {  	s22 =	smul.u32 @!p1 $0x19, s20;
	_ =	sdelay $0x1  }
0xb5: {  	s22 =	ssub.s32 @!p1 s21, s22  }
0xb6: {  	s22 =	sand.u32 @!p1 $0xFF, s22  }
0xb7: {  	p3 =	sne.s32 @!p1 s22, $0x0  }
0xb8: {  	s23 =	simm.s32 @!p1 $0x4;
	p2 =	por p3, p1  }
0xb9: {  	_ =	swait.ge @!p1 [sflag:s23], $0x1400;
	s24 =	sshll.u32 @!p2 s20, $0xC  }
0xba: {  	[sflag:s23] =	ssyncset.done @!p1 $0x0;
	s25 =	sadd.s32 @!p2 s15, s24  }
0xbb: {  	[sflag:s23] =	ssyncadd.s32 @!p1 $0xFFFFEC00;
	s23 =	sshrl.u32 @!p2 s25, $0x3  }
0xbc: {  	s29 =	simm.s32 @!p2 $0x0;
	s24 =	sand.u32 @!p2 $0x1000, s24;
	s25 =	sadd.s32 @!p2 s7, s23  }
0xbd: {  	[tilespmem:s24], [sflag:$0x5] =	stream.linear.gather @!p2 [hbm4b:s25+s29], $0xC80, $0x38;
	[tilespmem:$0x1F080] =	vst v63  }
0xbe: {  	s21 =	simm.s32 @p1 $0x1;
	s25 =	simm.s32 @!p2 $0x5  }
0xbf: {  	s21 =	smul.u32 $0x28, s21;
	p3 =	por !p3, p1;
	_ =	swait.ge @!p2 [sflag:s25], $0xC80  }
0xc0: {  	s22 =	simm.s32 @p3 $0x0;
	s20 =	simm.s32 @p1 $0x0;
	[sflag:s25] =	ssyncset.done @!p2 $0x0  }
0xc1: {  	s23 =	sadd.s32 @!p2 s8, s23;
	s24 =	sor.u32 @!p2 $0x2000, s24;
	[sflag:s25] =	ssyncadd.s32 @!p2 $0xFFFFF380  }
0xc2: {  	[tilespmem:s24], [sflag:$0x5] =	stream.linear.gather @!p2 [hbm4b:s23+s29], $0xC80, $0x38;
	[tilespmem:$0x1F080] =	vst v63  }
0xc3: {  	s22 =	simm.s32 @p1 $0x1;
	s20 =	sshll.u32 s20, $0xC;
	_ =	swait.ge @!p2 [sflag:s25], $0xC80  }
0xc4: {  	s20 =	sand.u32 $0x1000, s20;
	s22 =	sshll.u32 s22, $0x7;
	[sflag:s25] =	ssyncset.done @!p2 $0x0  }
0xc5: {  	s21 =	sadd.s32 s10, s21;
	s20 =	sadd.s32 s22, s20;
	[sflag:s25] =	ssyncadd.s32 @!p2 $0xFFFFF380  }
0xc6: {  	[tilespmem:s11], [sflag:$0x2] =	stream.indirect.gather [hbm4b:s1+s30], $0x80, s20, s30, $0xb8;
	[tilespmem:$0x1F080] =	vst v63  }
0xc7: {  	s21 =	sshll.u32 s21, $0x4;
	s20 =	sadd.s32 $0x2000, s20  }
0xc8: {  	[tilespmem:s12], [sflag:$0x2] =	stream.indirect.gather [hbm4b:s5+s30], $0x80, s20, s30, $0xb8;
	[tilespmem:$0x1F080] =	vst v63  }
0xc9: {  	s21 =	sadd.s32 s6, s21  }
0xca: {  	[tilespmem:s13], [sflag:$0x2] =	stream.linear.gather [hbm4b:s21+s4], $0x1400, $0x38;
	[tilespmem:$0x1F080] =	vst v63  }
0xcb: {  	_ =	swait.ge [sflag:s0], $0x1400  }
0xcc: {  	[sflag:s0] =	ssyncset.done $0x0  }
0xcd: {  	[sflag:s0] =	ssyncadd.s32 $0xFFFFEC00  }
0xce: {  	_ =	swait.ge [sflag:s0], $0x1400  }
0xcf: {  	[sflag:s0] =	ssyncset.done $0x0  }
0xd0: {  	[sflag:s0] =	ssyncadd.s32 $0xFFFFEC00  }
0xd1: {  	_ =	swait.ge [sflag:s0], $0x1400  }
0xd2: {  	[sflag:s0] =	ssyncset.done $0x0  }
0xd3: {  	s21 =	simm.s32 $0xF0;
	[sflag:s0] =	ssyncadd.s32 $0xFFFFEC00  }
0xd4: {  	v13 =	vld [tilespmem:s21+$0x6710]  }
0xd5: {  	v14 =	vld [tilespmem:s21+$0x6720]  }
0xd6: {  	v15 =	vld [tilespmem:s21+$0x6730]  }
0xd7: {  	v16 =	vld [tilespmem:s21+$0x6740]  }
0xd8: {  	v17 =	vld [tilespmem:s21+$0x6750]  }
0xd9: {  	v18 =	vld [tilespmem:s21+$0x6760]  }
0xda: {  	v19 =	vld [tilespmem:s21+$0x6770]  }
0xdb: {  	v20 =	vld [tilespmem:s21+$0x6780]  }
0xdc: {  	v6 =	vld [tilespmem:s21+$0x6790]  }
0xdd: {  	v5 =	vld [tilespmem:s21+$0x67A0]  }
0xde: {  	v4 =	vld [tilespmem:s21+$0x67B0]  }
0xdf: {  	v3 =	vld [tilespmem:s21+$0x67C0]  }
0xe0: {  	v2 =	vld [tilespmem:s21+$0x67D0]  }
0xe1: {  	v1 =	vld [tilespmem:s21+$0x67E0]  }
0xe2: {  	v21 =	vld [tilespmem:s21+$0x5310]  }
0xe3: {  	v22 =	vld [tilespmem:s21+$0x5320]  }
0xe4: {  	v23 =	vld [tilespmem:s21+$0x5330]  }
0xe5: {  	v24 =	vld [tilespmem:s21+$0x5340]  }
0xe6: {  	v25 =	vld [tilespmem:s21+$0x5350]  }
0xe7: {  	v26 =	vld [tilespmem:s21+$0x5360]  }
0xe8: {  	v27 =	vld [tilespmem:s21+$0x5370]  }
0xe9: {  	v28 =	vld [tilespmem:s21+$0x5380]  }
0xea: {  	v29 =	vld [tilespmem:s21+$0x5390]  }
0xeb: {  	v30 =	vld [tilespmem:s21+$0x53A0]  }
0xec: {  	v12 =	vld [tilespmem:s21+$0x53B0]  }
0xed: {  	v11 =	vld [tilespmem:s21+$0x53C0]  }
0xee: {  	v10 =	vld [tilespmem:s21+$0x53D0]  }
0xef: {  	v9 =	vld [tilespmem:s21+$0x53E0]  }
0xf0: {  	v31 =	vld [tilespmem:s21+$0x3F10]  }
0xf1: {  	v32 =	vld [tilespmem:s21+$0x3F20]  }
0xf2: {  	v33 =	vld [tilespmem:s21+$0x3F30]  }
0xf3: {  	v8 =	vld [tilespmem:s21+$0x53F0]  }
0xf4: {  	v34 =	vld [tilespmem:s21+$0x3F40]  }
0xf5: {  	v7 =	vld [tilespmem:s21+$0x5400];
	v21 =	vadd.f32 v21, v31  }
0xf6: {  	v35 =	vld [tilespmem:s21+$0x3F50];
	v22 =	vadd.f32 v22, v32  }
0xf7: {  	v60 =	vld [tilespmem:s21+$0x3F60];
	v23 =	vadd.f32 v23, v33;
	v13 =	vadd.f32 v13, v21  }
0xf8: {  	v36 =	vld [tilespmem:s21+$0x3F70];
	v14 =	vadd.f32 v14, v22  }
0xf9: {  	v21 =	vld [tilespmem:s21+$0x3F80];
	v22 =	vadd.f32 v24, v34;
	v15 =	vadd.f32 v15, v23;
	v13 =	vmax.f32 v13, $0.0e+00  }
0xfa: {  	v61 =	vld [tilespmem:s21+$0x3F90];
	v14 =	vmax.f32 v14, $0.0e+00;
	[tilespmem:s21+$0x3F10] =	vst v13  }
0xfb: {  	v62 =	vld [tilespmem:s21+$0x3FA0];
	v16 =	vadd.f32 v16, v22;
	v22 =	vmax.f32 v15, $0.0e+00;
	[tilespmem:s21+$0x3F20] =	vst v14;
	v14 =	vadd.f32 v25, v35  }
0xfc: {  	v13 =	vld [tilespmem:s21+$0x3FB0];
	[tilespmem:s21+$0x3F30] =	vst v22;
	v22 =	vadd.f32 v26, v60  }
0xfd: {  	v23 =	vadd.f32 v27, v36;
	v15 =	vld [tilespmem:s21+$0x3FC0];
	v14 =	vadd.f32 v17, v14;
	v17 =	vmax.f32 v16, $0.0e+00  }
0xfe: {  	v16 =	vld [tilespmem:s21+$0x3FD0];
	v63 =	vadd.f32 v28, v21;
	[tilespmem:s21+$0x3F40] =	vst v17;
	v17 =	vadd.f32 v18, v22  }
0xff: {  	v21 =	vadd.f32 v19, v23;
	v18 =	vadd.f32 v29, v61;
	v22 =	vmax.f32 v14, $0.0e+00;
	v14 =	vld [tilespmem:s21+$0x3FE0]  }
0x100: {  	s22 =	simm.s32 $0x7C0;
	v19 =	vadd.f32 v30, v62;
	v20 =	vadd.f32 v20, v63;
	[tilespmem:s21+$0x3F50] =	vst v22;
	v22 =	vmax.f32 v17, $0.0e+00;
	v17 =	vld [tilespmem:s21+$0x3FF0]  }
.LBB2_7:
0x101: {  	p1 =	sne.s32 s22, $0x4FC0;
	[tilespmem:s21+$0x3F60] =	vst v22;
	v21 =	vmax.f32 v21, $0.0e+00;
	v6 =	vadd.f32 v6, v18;
	v12 =	vadd.f32 v12, v13;
	v13 =	vld [tilespmem:s21+$0x4000]  }
0x102: {  	[tilespmem:s21+$0x3F70] =	vst v21;
	v18 =	vmax.f32 v20, $0.0e+00;
	v5 =	vadd.f32 v5, v19;
	v11 =	vadd.f32 v11, v15;
	v15 =	vld [tilespmem:s21+$0x67F0]  }
0x103: {  	s23 =	sshra.s32 s22, $0x2;
	[tilespmem:s21+$0x3F80] =	vst v18;
	v6 =	vmax.f32 v6, $0.0e+00;
	v4 =	vadd.f32 v4, v12;
	v10 =	vadd.f32 v10, v16;
	v12 =	vld [tilespmem:s21+$0x6800]  }
0x104: {  	v16 =	vld [tilespmem:s23+$0x6710];
	[tilespmem:s21+$0x3F90] =	vst v6;
	v5 =	vmax.f32 v5, $0.0e+00;
	v3 =	vadd.f32 v3, v11;
	v6 =	vadd.f32 v9, v14  }
0x105: {  	v14 =	vld [tilespmem:s23+$0x6720];
	[tilespmem:s21+$0x3FA0] =	vst v5;
	v4 =	vmax.f32 v4, $0.0e+00;
	v2 =	vadd.f32 v2, v10;
	v5 =	vadd.f32 v8, v17  }
0x106: {  	v17 =	vld [tilespmem:s23+$0x6730];
	[tilespmem:s21+$0x3FB0] =	vst v4;
	v3 =	vmax.f32 v3, $0.0e+00;
	v1 =	vadd.f32 v1, v6;
	v4 =	vadd.f32 v7, v13  }
0x107: {  	v13 =	vld [tilespmem:s23+$0x6740];
	[tilespmem:s21+$0x3FC0] =	vst v3;
	v2 =	vmax.f32 v2, $0.0e+00;
	v3 =	vadd.f32 v15, v5  }
0x108: {  	v15 =	vld [tilespmem:s23+$0x6750];
	[tilespmem:s21+$0x3FD0] =	vst v2;
	v1 =	vmax.f32 v1, $0.0e+00;
	v2 =	vadd.f32 v12, v4  }
0x109: {  	v18 =	vld [tilespmem:s23+$0x6760];
	[tilespmem:s21+$0x3FE0] =	vst v1;
	v1 =	vmax.f32 v3, $0.0e+00  }
0x10a: {  	v19 =	vld [tilespmem:s23+$0x6770];
	[tilespmem:s21+$0x3FF0] =	vst v1;
	v1 =	vmax.f32 v2, $0.0e+00  }
0x10b: {  	v20 =	vld [tilespmem:s23+$0x6780];
	[tilespmem:s21+$0x4000] =	vst v1;
	s21 =	smov.u32 s23  }
0x10c: {  	v6 =	vld [tilespmem:s21+$0x6790]  }
0x10d: {  	v5 =	vld [tilespmem:s21+$0x67A0]  }
0x10e: {  	v4 =	vld [tilespmem:s21+$0x67B0]  }
0x10f: {  	v3 =	vld [tilespmem:s21+$0x67C0]  }
0x110: {  	v2 =	vld [tilespmem:s21+$0x67D0]  }
0x111: {  	v1 =	vld [tilespmem:s21+$0x67E0]  }
0x112: {  	v21 =	vld [tilespmem:s21+$0x5310]  }
0x113: {  	v22 =	vld [tilespmem:s21+$0x5320]  }
0x114: {  	v23 =	vld [tilespmem:s21+$0x5330]  }
0x115: {  	v24 =	vld [tilespmem:s21+$0x5340]  }
0x116: {  	v25 =	vld [tilespmem:s21+$0x5350]  }
0x117: {  	v26 =	vld [tilespmem:s21+$0x5360]  }
0x118: {  	v27 =	vld [tilespmem:s21+$0x5370]  }
0x119: {  	v28 =	vld [tilespmem:s21+$0x5380]  }
0x11a: {  	v29 =	vld [tilespmem:s21+$0x5390]  }
0x11b: {  	v30 =	vld [tilespmem:s21+$0x53A0]  }
0x11c: {  	v12 =	vld [tilespmem:s21+$0x53B0]  }
0x11d: {  	v11 =	vld [tilespmem:s21+$0x53C0]  }
0x11e: {  	v10 =	vld [tilespmem:s21+$0x53D0]  }
0x11f: {  	v9 =	vld [tilespmem:s21+$0x53E0]  }
0x120: {  	v8 =	vld [tilespmem:s21+$0x53F0]  }
0x121: {  	v7 =	vld [tilespmem:s21+$0x5400]  }
0x122: {  	v31 =	vld [tilespmem:s21+$0x3F10]  }
0x123: {  	v32 =	vld [tilespmem:s21+$0x3F20]  }
0x124: {  	v33 =	vld [tilespmem:s21+$0x3F30]  }
0x125: {  	v34 =	vld [tilespmem:s21+$0x3F40]  }
0x126: {  	v35 =	vld [tilespmem:s21+$0x3F50]  }
0x127: {  	v21 =	vadd.f32 v21, v31;
	v31 =	vld [tilespmem:s21+$0x3F60]  }
0x128: {  	v22 =	vadd.f32 v22, v32;
	v32 =	vld [tilespmem:s21+$0x3F70]  }
0x129: {  	v16 =	vadd.f32 v16, v21;
	v21 =	vadd.f32 v23, v33;
	v23 =	vld [tilespmem:s21+$0x3F80]  }
0x12a: {  	v14 =	vadd.f32 v14, v22;
	v22 =	vadd.f32 v24, v34;
	v24 =	vld [tilespmem:s21+$0x3F90]  }
0x12b: {  	v16 =	vmax.f32 v16, $0.0e+00;
	v17 =	vadd.f32 v17, v21;
	v21 =	vadd.f32 v25, v35;
	v25 =	vld [tilespmem:s21+$0x3FA0]  }
.Ltmp2:
0x12c: {  	[tilespmem:s21+$0x3F10] =	vst v16;
	v14 =	vmax.f32 v14, $0.0e+00;
	v16 =	vadd.f32 v13, v22;
	v22 =	vadd.f32 v26, v31;
	v13 =	vld [tilespmem:s21+$0x3FB0];
	(pc) =	sbr.rel @p1 .LBB2_7-.Ltmp2, $4  }
0x12d: {  	[tilespmem:s21+$0x3F20] =	vst v14;
	v14 =	vmax.f32 v17, $0.0e+00;
	v17 =	vadd.f32 v15, v21;
	v21 =	vadd.f32 v27, v32;
	v15 =	vld [tilespmem:s21+$0x3FC0]  }
0x12e: {  	[tilespmem:s21+$0x3F30] =	vst v14;
	v14 =	vmax.f32 v16, $0.0e+00;
	v22 =	vadd.f32 v18, v22;
	v23 =	vadd.f32 v28, v23;
	v16 =	vld [tilespmem:s21+$0x3FD0]  }
0x12f: {  	[tilespmem:s21+$0x3F40] =	vst v14;
	v17 =	vmax.f32 v17, $0.0e+00;
	v21 =	vadd.f32 v19, v21;
	v18 =	vadd.f32 v29, v24;
	v14 =	vld [tilespmem:s21+$0x3FE0]  }
0x130: {  	s22 =	sadd.s32 $0x400, s22;
	[tilespmem:s21+$0x3F50] =	vst v17;
	v22 =	vmax.f32 v22, $0.0e+00;
	v20 =	vadd.f32 v20, v23;
	v19 =	vadd.f32 v30, v25;
	v17 =	vld [tilespmem:s21+$0x3FF0]  }
0x131: {  	[tilespmem:s21+$0x3F60] =	vst v22;
	v21 =	vmax.f32 v21, $0.0e+00;
	v22 =	vld [tilespmem:s21+$0x4000];
	v6 =	vadd.f32 v6, v18;
	v12 =	vadd.f32 v12, v13  }
0x132: {  	v18 =	vld [tilespmem:s21+$0x67F0];
	[tilespmem:s21+$0x3F70] =	vst v21;
	v13 =	vmax.f32 v20, $0.0e+00;
	v5 =	vadd.f32 v5, v19;
	v11 =	vadd.f32 v11, v15  }
0x133: {  	s22 =	smulhi.u32 $0x51EB851F, s3;
	[tilespmem:s21+$0x3F80] =	vst v13;
	v6 =	vmax.f32 v6, $0.0e+00;
	v4 =	vadd.f32 v4, v12;
	v10 =	vadd.f32 v10, v16;
	v12 =	vld [tilespmem:s21+$0x6800]  }
0x134: {  	[tilespmem:s21+$0x3F90] =	vst v6;
	v5 =	vmax.f32 v5, $0.0e+00;
	v3 =	vadd.f32 v3, v11;
	v6 =	vadd.f32 v9, v14  }
0x135: {  	s23 =	sshrl.u32 s22, $0x3;
	[tilespmem:s21+$0x3FA0] =	vst v5;
	v4 =	vmax.f32 v4, $0.0e+00;
	v2 =	vadd.f32 v2, v10;
	v5 =	vadd.f32 v8, v17  }
0x136: {  	s23 =	smul.u32 $0x19, s23;
	[tilespmem:s21+$0x3FB0] =	vst v4;
	v3 =	vmax.f32 v3, $0.0e+00;
	v1 =	vadd.f32 v1, v6;
	v4 =	vadd.f32 v7, v22  }
0x137: {  	s24 =	sadd.s32 $0x2, s3;
	p1 =	seq.s32 s19, $0x7C;
	[tilespmem:s21+$0x3FC0] =	vst v3;
	v2 =	vmax.f32 v2, $0.0e+00;
	v3 =	vadd.f32 v18, v5  }
0x138: {  	s22 =	sshll.u32 s22, $0x9;
	s29 =	ssub.s32 s3, s23;
	s23 =	smulhi.u32 @!p1 $0x51EB851F, s24;
	[tilespmem:s21+$0x3FD0] =	vst v2;
	v1 =	vmax.f32 v1, $0.0e+00;
	v2 =	vadd.f32 v12, v4  }
0x139: {  	s22 =	sand.u32 $0x1000, s22;
	s3 =	sshll.u32 s29, $0x7;
	[tilespmem:s21+$0x3FE0] =	vst v1;
	v1 =	vmax.f32 v3, $0.0e+00  }
0x13a: {  	s3 =	sor.u32 s3, s22;
	s22 =	sshrl.u32 @!p1 s23, $0x3;
	[tilespmem:s21+$0x3FF0] =	vst v1;
	v1 =	vmax.f32 v2, $0.0e+00  }
0x13b: {  	s3 =	sor.u32 $0x2000, s3;
	[tilespmem:s21+$0x4000] =	vst v1;
	s21 =	smul.u32 @!p1 $0x19, s22  }
0x13c: {  	[spmem:s2] =	stream.indirect.scatter.add.f32 [tilespmem:s31], [sflag:$0x3], $0x80, s3, s30, $0xb8;
	[tilespmem:$0x1F080] =	vst v63  }
0x13d: {  	s3 =	ssub.s32 @!p1 s24, s21  }
0x13e: {  	p3 =	seq.s32 @!p1 s3, $0x0  }
0x13f: {  	_ =	swait.ge [sflag:s14], $0x1400;
	s21 =	sshll.u32 @!p1 s22, $0xC;
	p2 =	por !p3, p1  }
0x140: {  	[sflag:s14] =	ssyncset.done $0x0;
	s22 =	sadd.s32 @!p2 s15, s21  }
0x141: {  	[sflag:s14] =	ssyncadd.s32 $0xFFFFEC00;
	s22 =	sshrl.u32 @!p2 s22, $0x3  }
0x142: {  	s23 =	sand.u32 @!p2 $0x1000, s21;
	s29 =	simm.s32 @!p2 $0x0;
	s25 =	sadd.s32 @!p2 s7, s22  }
0x143: {  	[tilespmem:s23], [sflag:$0x5] =	stream.linear.gather @!p2 [hbm4b:s25+s29], $0xC80, $0x38;
	[tilespmem:$0x1F080] =	vst v63  }
0x144: {  	s25 =	simm.s32 @!p2 $0x5  }
0x145: {  	_ =	swait.ge @!p2 [sflag:s25], $0xC80  }
0x146: {  	p3 =	por p3, p1;
	[sflag:s25] =	ssyncset.done @!p2 $0x0  }
0x147: {  	s17 =	sor.u32 @!p2 $0x2000, s23;
	s22 =	sadd.s32 @!p2 s8, s22;
	[sflag:s25] =	ssyncadd.s32 @!p2 $0xFFFFF380  }
0x148: {  	[tilespmem:s17], [sflag:$0x5] =	stream.linear.gather @!p2 [hbm4b:s22+s29], $0xC80, $0x38;
	[tilespmem:$0x1F080] =	vst v63  }
0x149: {  	s3 =	sshll.u32 @!p1 s3, $0x7;
	s17 =	sand.u32 @!p3 $0x1000, s21;
	_ =	swait.ge @!p2 [sflag:s25], $0xC80  }
0x14a: {  	s21 =	simm.s32 @!p1 $0x4000;
	s23 =	smov.u32 @p2 s17;
	[sflag:s25] =	ssyncset.done @!p2 $0x0  }
0x14b: {  	s17 =	simm.s32 @!p1 $0x28;
	s3 =	sor.u32 @!p1 s3, s23;
	[sflag:s25] =	ssyncadd.s32 @!p2 $0xFFFFF380  }
0x14c: {  	[tilespmem:s21], [sflag:$0x1] =	stream.indirect.gather @!p1 [hbm4b:s1+s17], $0x80, s3, s17, $0xb8;
	[tilespmem:$0x1F080] =	vst v63  }
0x14d: {  	s22 =	smul.u32 @!p1 $0x28, s24;
	s3 =	sadd.s32 @!p1 $0x2000, s3;
	s21 =	simm.s32 @!p1 $0x5400  }
0x14e: {  	[tilespmem:s21], [sflag:$0x1] =	stream.indirect.gather @!p1 [hbm4b:s5+s17], $0x80, s3, s17, $0xb8;
	[tilespmem:$0x1F080] =	vst v63  }
0x14f: {  	s3 =	sadd.s32 @!p1 s10, s22  }
0x150: {  	s3 =	sshll.u32 @!p1 s3, $0x4  }
0x151: {  	s17 =	simm.s32 @!p1 $0x0;
	s21 =	simm.s32 @!p1 $0x6800;
	s3 =	sadd.s32 @!p1 s6, s3  }
0x152: {  	[tilespmem:s21], [sflag:$0x1] =	stream.linear.gather @!p1 [hbm4b:s3+s17], $0x1400, $0x38;
	[tilespmem:$0x1F080] =	vst v63  }
0x153: {  	_ =	swait.ge [sflag:s16], $0x1400  }
0x154: {  	[sflag:s16] =	ssyncset.done $0x0  }
0x155: {  	[sflag:s16] =	ssyncadd.s32 $0xFFFFEC00  }
0x156: {  	_ =	swait.ge [sflag:s16], $0x1400  }
0x157: {  	[sflag:s16] =	ssyncset.done $0x0  }
0x158: {  	[sflag:s16] =	ssyncadd.s32 $0xFFFFEC00  }
0x159: {  	_ =	swait.ge [sflag:s16], $0x1400  }
0x15a: {  	[sflag:s16] =	ssyncset.done $0x0  }
0x15b: {  	s3 =	simm.s32 $0xF0;
	[sflag:s16] =	ssyncadd.s32 $0xFFFFEC00  }
0x15c: {  	v13 =	vld [tilespmem:s3+$0xA310]  }
0x15d: {  	v14 =	vld [tilespmem:s3+$0xA320]  }
0x15e: {  	v15 =	vld [tilespmem:s3+$0xA330]  }
0x15f: {  	v16 =	vld [tilespmem:s3+$0xA340]  }
0x160: {  	v17 =	vld [tilespmem:s3+$0xA350]  }
0x161: {  	v18 =	vld [tilespmem:s3+$0xA360]  }
0x162: {  	v19 =	vld [tilespmem:s3+$0xA370]  }
0x163: {  	v20 =	vld [tilespmem:s3+$0xA380]  }
0x164: {  	v6 =	vld [tilespmem:s3+$0xA390]  }
0x165: {  	v5 =	vld [tilespmem:s3+$0xA3A0]  }
0x166: {  	v4 =	vld [tilespmem:s3+$0xA3B0]  }
0x167: {  	v3 =	vld [tilespmem:s3+$0xA3C0]  }
0x168: {  	v2 =	vld [tilespmem:s3+$0xA3D0]  }
0x169: {  	v1 =	vld [tilespmem:s3+$0xA3E0]  }
0x16a: {  	v21 =	vld [tilespmem:s3+$0x8F10]  }
0x16b: {  	v22 =	vld [tilespmem:s3+$0x8F20]  }
0x16c: {  	v23 =	vld [tilespmem:s3+$0x8F30]  }
0x16d: {  	v24 =	vld [tilespmem:s3+$0x8F40]  }
0x16e: {  	v25 =	vld [tilespmem:s3+$0x8F50]  }
0x16f: {  	v26 =	vld [tilespmem:s3+$0x8F60]  }
0x170: {  	v27 =	vld [tilespmem:s3+$0x8F70]  }
0x171: {  	v28 =	vld [tilespmem:s3+$0x8F80]  }
0x172: {  	v29 =	vld [tilespmem:s3+$0x8F90]  }
0x173: {  	v30 =	vld [tilespmem:s3+$0x8FA0]  }
0x174: {  	v12 =	vld [tilespmem:s3+$0x8FB0]  }
0x175: {  	v11 =	vld [tilespmem:s3+$0x8FC0]  }
0x176: {  	v10 =	vld [tilespmem:s3+$0x8FD0]  }
0x177: {  	v9 =	vld [tilespmem:s3+$0x8FE0]  }
0x178: {  	v8 =	vld [tilespmem:s3+$0x8FF0]  }
0x179: {  	v7 =	vld [tilespmem:s3+$0x9000]  }
0x17a: {  	v31 =	vld [tilespmem:s3+$0x7B10]  }
0x17b: {  	v32 =	vld [tilespmem:s3+$0x7B20]  }
0x17c: {  	v33 =	vld [tilespmem:s3+$0x7B30]  }
0x17d: {  	v34 =	vld [tilespmem:s3+$0x7B40]  }
0x17e: {  	v35 =	vld [tilespmem:s3+$0x7B50]  }
0x17f: {  	v60 =	vld [tilespmem:s3+$0x7B60];
	v21 =	vadd.f32 v21, v31  }
0x180: {  	v36 =	vld [tilespmem:s3+$0x7B70];
	v22 =	vadd.f32 v22, v32  }
0x181: {  	v23 =	vadd.f32 v23, v33;
	v13 =	vadd.f32 v13, v21;
	v21 =	vld [tilespmem:s3+$0x7B80]  }
0x182: {  	v61 =	vld [tilespmem:s3+$0x7B90];
	v14 =	vadd.f32 v14, v22;
	v22 =	vadd.f32 v24, v34  }
0x183: {  	v62 =	vld [tilespmem:s3+$0x7BA0];
	v15 =	vadd.f32 v15, v23;
	v23 =	vadd.f32 v25, v35;
	v13 =	vmax.f32 v13, $0.0e+00  }
0x184: {  	v14 =	vmax.f32 v14, $0.0e+00;
	v16 =	vadd.f32 v16, v22;
	v22 =	vadd.f32 v26, v60;
	[tilespmem:s3+$0x7B10] =	vst v13;
	v13 =	vld [tilespmem:s3+$0x7BB0]  }
0x185: {  	v15 =	vmax.f32 v15, $0.0e+00;
	v17 =	vadd.f32 v17, v23;
	v23 =	vadd.f32 v27, v36;
	[tilespmem:s3+$0x7B20] =	vst v14;
	v14 =	vld [tilespmem:s3+$0x7BC0]  }
0x186: {  	[tilespmem:s3+$0x7B30] =	vst v15;
	v15 =	vld [tilespmem:s3+$0x7BD0];
	v16 =	vmax.f32 v16, $0.0e+00;
	v22 =	vadd.f32 v18, v22;
	v63 =	vadd.f32 v28, v21  }
0x187: {  	v17 =	vmax.f32 v17, $0.0e+00;
	v18 =	vadd.f32 v29, v61;
	[tilespmem:s3+$0x7B40] =	vst v16;
	v16 =	vld [tilespmem:s3+$0x7BE0];
	v21 =	vadd.f32 v19, v23  }
0x188: {  	s21 =	simm.s32 $0x7C0;
	[tilespmem:s3+$0x7B50] =	vst v17;
	v19 =	vadd.f32 v30, v62;
	v17 =	vld [tilespmem:s3+$0x7BF0];
	v22 =	vmax.f32 v22, $0.0e+00;
	v20 =	vadd.f32 v20, v63  }
.LBB2_9:
0x189: {  	p1 =	sne.s32 s21, $0x4FC0;
	[tilespmem:s3+$0x7B60] =	vst v22;
	v21 =	vmax.f32 v21, $0.0e+00;
	v6 =	vadd.f32 v6, v18;
	v12 =	vadd.f32 v12, v13;
	v13 =	vld [tilespmem:s3+$0x7C00]  }
0x18a: {  	[tilespmem:s3+$0x7B70] =	vst v21;
	v18 =	vmax.f32 v20, $0.0e+00;
	v5 =	vadd.f32 v5, v19;
	v11 =	vadd.f32 v11, v14;
	v14 =	vld [tilespmem:s3+$0xA3F0]  }
0x18b: {  	s17 =	sshra.s32 s21, $0x2;
	[tilespmem:s3+$0x7B80] =	vst v18;
	v6 =	vmax.f32 v6, $0.0e+00;
	v4 =	vadd.f32 v4, v12;
	v10 =	vadd.f32 v10, v15;
	v12 =	vld [tilespmem:s3+$0xA400]  }
0x18c: {  	v15 =	vld [tilespmem:s17+$0xA310];
	[tilespmem:s3+$0x7B90] =	vst v6;
	v5 =	vmax.f32 v5, $0.0e+00;
	v3 =	vadd.f32 v3, v11;
	v6 =	vadd.f32 v9, v16  }
0x18d: {  	v16 =	vld [tilespmem:s17+$0xA320];
	[tilespmem:s3+$0x7BA0] =	vst v5;
	v4 =	vmax.f32 v4, $0.0e+00;
	v2 =	vadd.f32 v2, v10;
	v5 =	vadd.f32 v8, v17  }
0x18e: {  	v17 =	vld [tilespmem:s17+$0xA330];
	[tilespmem:s3+$0x7BB0] =	vst v4;
	v3 =	vmax.f32 v3, $0.0e+00;
	v1 =	vadd.f32 v1, v6;
	v4 =	vadd.f32 v7, v13  }
0x18f: {  	v13 =	vld [tilespmem:s17+$0xA340];
	[tilespmem:s3+$0x7BC0] =	vst v3;
	v2 =	vmax.f32 v2, $0.0e+00;
	v3 =	vadd.f32 v14, v5  }
0x190: {  	v14 =	vld [tilespmem:s17+$0xA350];
	[tilespmem:s3+$0x7BD0] =	vst v2;
	v1 =	vmax.f32 v1, $0.0e+00;
	v2 =	vadd.f32 v12, v4  }
0x191: {  	v18 =	vld [tilespmem:s17+$0xA360];
	[tilespmem:s3+$0x7BE0] =	vst v1;
	v1 =	vmax.f32 v3, $0.0e+00  }
0x192: {  	v19 =	vld [tilespmem:s17+$0xA370];
	[tilespmem:s3+$0x7BF0] =	vst v1;
	v1 =	vmax.f32 v2, $0.0e+00  }
0x193: {  	v20 =	vld [tilespmem:s17+$0xA380];
	[tilespmem:s3+$0x7C00] =	vst v1;
	s3 =	smov.u32 s17  }
0x194: {  	v6 =	vld [tilespmem:s3+$0xA390]  }
0x195: {  	v5 =	vld [tilespmem:s3+$0xA3A0]  }
0x196: {  	v4 =	vld [tilespmem:s3+$0xA3B0]  }
0x197: {  	v3 =	vld [tilespmem:s3+$0xA3C0]  }
0x198: {  	v2 =	vld [tilespmem:s3+$0xA3D0]  }
0x199: {  	v1 =	vld [tilespmem:s3+$0xA3E0]  }
0x19a: {  	v21 =	vld [tilespmem:s3+$0x8F10]  }
0x19b: {  	v22 =	vld [tilespmem:s3+$0x8F20]  }
0x19c: {  	v23 =	vld [tilespmem:s3+$0x8F30]  }
0x19d: {  	v24 =	vld [tilespmem:s3+$0x8F40]  }
0x19e: {  	v25 =	vld [tilespmem:s3+$0x8F50]  }
0x19f: {  	v26 =	vld [tilespmem:s3+$0x8F60]  }
0x1a0: {  	v27 =	vld [tilespmem:s3+$0x8F70]  }
0x1a1: {  	v28 =	vld [tilespmem:s3+$0x8F80]  }
0x1a2: {  	v29 =	vld [tilespmem:s3+$0x8F90]  }
0x1a3: {  	v30 =	vld [tilespmem:s3+$0x8FA0]  }
0x1a4: {  	v12 =	vld [tilespmem:s3+$0x8FB0]  }
0x1a5: {  	v11 =	vld [tilespmem:s3+$0x8FC0]  }
0x1a6: {  	v10 =	vld [tilespmem:s3+$0x8FD0]  }
0x1a7: {  	v9 =	vld [tilespmem:s3+$0x8FE0]  }
0x1a8: {  	v8 =	vld [tilespmem:s3+$0x8FF0]  }
0x1a9: {  	v7 =	vld [tilespmem:s3+$0x9000]  }
0x1aa: {  	v31 =	vld [tilespmem:s3+$0x7B10]  }
0x1ab: {  	v32 =	vld [tilespmem:s3+$0x7B20]  }
0x1ac: {  	v33 =	vld [tilespmem:s3+$0x7B30]  }
0x1ad: {  	v34 =	vld [tilespmem:s3+$0x7B40]  }
0x1ae: {  	v35 =	vld [tilespmem:s3+$0x7B50]  }
0x1af: {  	v21 =	vadd.f32 v21, v31;
	v31 =	vld [tilespmem:s3+$0x7B60]  }
0x1b0: {  	v22 =	vadd.f32 v22, v32;
	v32 =	vld [tilespmem:s3+$0x7B70]  }
0x1b1: {  	v15 =	vadd.f32 v15, v21;
	v21 =	vadd.f32 v23, v33;
	v23 =	vld [tilespmem:s3+$0x7B80]  }
0x1b2: {  	v16 =	vadd.f32 v16, v22;
	v22 =	vadd.f32 v24, v34;
	v24 =	vld [tilespmem:s3+$0x7B90]  }
0x1b3: {  	v15 =	vmax.f32 v15, $0.0e+00;
	v17 =	vadd.f32 v17, v21;
	v21 =	vadd.f32 v25, v35;
	v25 =	vld [tilespmem:s3+$0x7BA0]  }
.Ltmp3:
0x1b4: {  	[tilespmem:s3+$0x7B10] =	vst v15;
	v15 =	vmax.f32 v16, $0.0e+00;
	v16 =	vadd.f32 v13, v22;
	v22 =	vadd.f32 v26, v31;
	v13 =	vld [tilespmem:s3+$0x7BB0];
	(pc) =	sbr.rel @p1 .LBB2_9-.Ltmp3, $4  }
0x1b5: {  	[tilespmem:s3+$0x7B20] =	vst v15;
	v15 =	vmax.f32 v17, $0.0e+00;
	v17 =	vadd.f32 v14, v21;
	v21 =	vadd.f32 v27, v32;
	v14 =	vld [tilespmem:s3+$0x7BC0]  }
0x1b6: {  	[tilespmem:s3+$0x7B30] =	vst v15;
	v16 =	vmax.f32 v16, $0.0e+00;
	v22 =	vadd.f32 v18, v22;
	v23 =	vadd.f32 v28, v23;
	v15 =	vld [tilespmem:s3+$0x7BD0]  }
0x1b7: {  	[tilespmem:s3+$0x7B40] =	vst v16;
	v17 =	vmax.f32 v17, $0.0e+00;
	v21 =	vadd.f32 v19, v21;
	v18 =	vadd.f32 v29, v24;
	v16 =	vld [tilespmem:s3+$0x7BE0]  }
0x1b8: {  	s21 =	sadd.s32 $0x400, s21;
	[tilespmem:s3+$0x7B50] =	vst v17;
	v22 =	vmax.f32 v22, $0.0e+00;
	v20 =	vadd.f32 v20, v23;
	v19 =	vadd.f32 v30, v25;
	v17 =	vld [tilespmem:s3+$0x7BF0]  }
0x1b9: {  	[tilespmem:s3+$0x7B60] =	vst v22;
	v21 =	vmax.f32 v21, $0.0e+00;
	v57 =	vld [tilespmem:s3+$0x7C00];
	v6 =	vadd.f32 v6, v18;
	v12 =	vadd.f32 v12, v13  }
0x1ba: {  	v59 =	vld [tilespmem:s3+$0xA3F0];
	[tilespmem:s3+$0x7B70] =	vst v21;
	v58 =	vmax.f32 v20, $0.0e+00;
	v5 =	vadd.f32 v5, v19;
	v11 =	vadd.f32 v11, v14  }
0x1bb: {  	v60 =	vld [tilespmem:s3+$0xA400];
	[tilespmem:s3+$0x7B80] =	vst v58;
	v6 =	vmax.f32 v6, $0.0e+00;
	v4 =	vadd.f32 v4, v12;
	v10 =	vadd.f32 v10, v15  }
0x1bc: {  	[tilespmem:s3+$0x7B90] =	vst v6;
	v5 =	vmax.f32 v5, $0.0e+00;
	v3 =	vadd.f32 v3, v11;
	v61 =	vadd.f32 v9, v16  }
0x1bd: {  	[tilespmem:s3+$0x7BA0] =	vst v5;
	v4 =	vmax.f32 v4, $0.0e+00;
	v2 =	vadd.f32 v2, v10;
	v62 =	vadd.f32 v8, v17  }
0x1be: {  	s19 =	sadd.s32 $0x1, s19;
	[tilespmem:s3+$0x7BB0] =	vst v4;
	v3 =	vmax.f32 v3, $0.0e+00;
	v1 =	vadd.f32 v1, v61;
	v63 =	vadd.f32 v7, v57  }
0x1bf: {  	p1 =	sne.s32 s19, $0x7D;
	[tilespmem:s3+$0x7BC0] =	vst v3;
	v2 =	vmax.f32 v2, $0.0e+00;
	v3 =	vadd.f32 v59, v62  }
.Ltmp4:
0x1c0: {  	[tilespmem:s3+$0x7BD0] =	vst v2;
	v1 =	vmax.f32 v1, $0.0e+00;
	v2 =	vadd.f32 v60, v63;
	(pc) =	sbr.rel @p1 .LBB2_6-.Ltmp4, $4  }
0x1c1: {  	[tilespmem:s3+$0x7BE0] =	vst v1;
	v1 =	vmax.f32 v3, $0.0e+00  }
0x1c2: {  	[tilespmem:s3+$0x7BF0] =	vst v1;
	v1 =	vmax.f32 v2, $0.0e+00  }
0x1c3: {  	[tilespmem:s3+$0x7C00] =	vst v1  }
0x1c4: {  	[spmem:s2] =	stream.indirect.scatter.add.f32 [tilespmem:s11], [sflag:$0x4], $0x80, s20, s30, $0xb8;
	[tilespmem:$0x1F080] =	vst v63  }
0x1c5: {  	s3 =	simm.s32 $0x4  }
0x1c6: {  	_ =	swait.ge [sflag:s3], $0x1400  }
0x1c7: {  	[sflag:s3] =	ssyncset.done $0x0  }
0x1c8: {  	[sflag:s3] =	ssyncadd.s32 $0xFFFFEC00;
	s3 =	stileid.u32  }
0x1c9: {  	s3 =	sshll.u32 @!p0 s3, $0x6;
	[bflag:$0x0] =	sbarrier.arrive $0xFFFF  }
0x1ca: {  	s17 =	sshrl.u32 @!p0 s9, $0x3;
	s3 =	sor.u32 @!p0 $0x1C05, s3;
	s19 =	rddreg [dreg:$0x10]  }
0x1cb: {  	[hbm:s19], [sflag:s3] =	dma.local @!p0 [spmem:s17], $0x3E80  }
0x1cc: {  	s3 =	simm.s32 @!p0 $0x5  }
0x1cd: {  	_ =	swait.ge @!p0 [sflag:s3], $0x3E80  }
0x1ce: {  	s18 =	sadd.s32 $0x1, s18;
	s29 =	rddreg [dreg:$0x11]  }
0x1cf: {  	p1 =	sne.s32 s18, s29  }
.Ltmp5:
0x1d0: {  	_ = 	snop;
	(pc) =	sbr.rel @p1 .LBB2_1-.Ltmp5, $3  }
0x1d1: {  	_ =	sdelay $0x1  }
0x1d2: {  	[sflag:s3] =	ssyncset.done @!p0 $0x0  }
0x1d3: {  	[sflag:s3] =	ssyncadd.s32 @!p0 $0xFFFFC180  }
0x1d4: {  	_ =	sfence.sel $0x180000  }
0x1d5: {  	[bflag:$0x0] =	sbarrier.arrive $0xFFFF  }
0x1d6: {  	_ =	strace $0x90000047  }
0x1d7: {  	s0 =	stileid.u32;
	[bflag:$0x2] =	sbarrier.arrive $0xFFFF  }
0x1d8: {  	p0 =	sne.s32 s0, $0x0;
	s0 =	rddreg [dreg:$0x3]  }
0x1d9: {  	s0 =	sadd.s32 @!p0 $0x100000, s0  }
0x1da: {  	[sflag:s0] =	ssyncadd.tile.s32 @!p0 $0x1;
	_ =	shalt  }
.Lfunc_end2:
_tile_overlayer_lowered:
.L_overlay_start_2:
0x1db: {  	(tag) =	ssettag $0x2  }
0x1dc: {  	s0 =	rddreg [dreg:$0x0];
	s2 =	stileid.u32  }
0x1dd: {  	s1 =	rddreg [dreg:$0x1];
	p0 =	sne.s32 s2, $0x0  }
0x1de: {  	s3 =	rddreg [dreg:$0x2];
	[bflag:$0x3] =	sbarrier.arrive $0xFFFF;
	s2 =	simm.s32 @!p0 $0x1C05  }
0x1df: {  	[timem:s3], [sflag:s2] =	dma.local @!p0 [hbm:s0], s1  }
0x1e0: {  	s0 =	simm.s32 @!p0 $0x5  }
0x1e1: {  	_ =	swait.ge @!p0 [sflag:s0], s1  }
0x1e2: {  	s1 =	ssub.s32 @!p0 $0x0, s1;
	[sflag:s0] =	ssyncset.done @!p0 $0x0  }
0x1e3: {  	[sflag:s0] =	ssyncadd.s32 @!p0 s1  }
0x1e4: {  	[bflag:$0x3] =	sbarrier.arrive $0xFFFF  }
0x1e5: {  	_ =	shalt  }

</sc_bundles>
